<compile_context>
chip_gen: v7x
topology: tpu7x:2x2x1
jax: 0.10.2.dev20260603
libtpu: 0.0.44.dev20260713+nightly
codegen_flags: <defaults>
</compile_context>

<pallas_src>
import functools

import jax
import jax.numpy as jnp
from jax import lax
from jax.experimental import pallas as pl
from jax.experimental.pallas import tpu as pltpu
from jax.experimental.pallas import tpu_sc as plsc

N = 10000
E = 320000
D = 128
DH = D // 2
NPAD = 10240

NC = 2
NS = 16
NW = NC * NS
RB = NPAD // NS
NSUB = N // NS

EC = 125
EROWS = E // EC
CPT_DEG = EROWS // NW
CPT = EROWS // NS
NBUF = 5
GAH = 3
NOUT = CPT // NBUF

TCB = 1000
GRID = N // TCB


def _sc_degree_body(edges_hbm, ones_hbm, zeros_hbm, deg_hbm, idx_v, ones_v,
                    deg_sh, sem):
    cid = lax.axis_index("c")
    sid = lax.axis_index("s")
    wid = sid * NC + cid

    pltpu.sync_copy(zeros_hbm.at[pl.ds(sid * RB, RB)],
                    deg_sh.at[pl.ds(sid * RB, RB)])
    pltpu.sync_copy(ones_hbm, ones_v)
    plsc.subcore_barrier()
    pltpu.sync_copy(edges_hbm.at[pl.ds(EROWS + wid * CPT_DEG, CPT_DEG)],
                    idx_v)

    def chunk(j, carry):
        pltpu.sync_copy(ones_v, deg_sh.at[idx_v.at[j]], add=True)
        return carry

    lax.fori_loop(0, CPT_DEG, chunk, 0)
    plsc.subcore_barrier()
    pltpu.sync_copy(deg_sh.at[pl.ds(sid * RB, RB)],
                    deg_hbm.at[pl.ds(cid * NPAD + sid * RB, RB)])


def _sc_agg_body(ysa_hbm, ysb_hbm, edges_hbm, zeros_hbm, p_hbm,
                 src_v, dst_v, r0, r1, r2, r3, r4, acc_sh,
                 g0, g1, g2, g3, g4, s0, s1, s2, s3, s4):
    rows = (r0, r1, r2, r3, r4)
    gsem = (g0, g1, g2, g3, g4)
    ssem = (s0, s1, s2, s3, s4)
    cid = lax.axis_index("c")
    sid = lax.axis_index("s")

    pltpu.sync_copy(zeros_hbm, acc_sh.at[pl.ds(sid * NSUB, NSUB)])
    base = sid * CPT
    pltpu.sync_copy(edges_hbm.at[pl.ds(base, CPT)], src_v)
    pltpu.sync_copy(edges_hbm.at[pl.ds(EROWS + base, CPT)], dst_v)
    plsc.subcore_barrier()

    def ring(ys_hbm):
        for c in range(GAH):
            pltpu.async_copy(ys_hbm.at[src_v.at[c]], rows[c], gsem[c])

        def outer(i, carry):
            for b in range(NBUF):
                j = i * NBUF + b
                nb = (b + GAH) % NBUF

                if b < NBUF - GAH:
                    @pl.when(i > 0)
                    def _wait_old():
                        pltpu.make_async_copy(
                            rows[nb], acc_sh.at[dst_v.at[j - (NBUF - GAH)]],
                            ssem[nb]).wait()
                else:
                    pltpu.make_async_copy(
                        rows[nb], acc_sh.at[dst_v.at[j - (NBUF - GAH)]],
                        ssem[nb]).wait()

                if b < NBUF - GAH:
                    pltpu.async_copy(ys_hbm.at[src_v.at[j + GAH]], rows[nb],
                                     gsem[nb])
                else:
                    @pl.when(i < NOUT - 1)
                    def _prefetch():
                        pltpu.async_copy(ys_hbm.at[src_v.at[j + GAH]],
                                        rows[nb], gsem[nb])

                pltpu.make_async_copy(ys_hbm.at[src_v.at[j]], rows[b],
                                      gsem[b]).wait()
                pltpu.async_copy(rows[b], acc_sh.at[dst_v.at[j]], ssem[b],
                                 add=True)
            return carry

        lax.fori_loop(0, NOUT, outer, 0)

        for k in range(NBUF - GAH):
            c = CPT - (NBUF - GAH) + k
            pltpu.make_async_copy(rows[c % NBUF], acc_sh.at[dst_v.at[c]],
                                  ssem[c % NBUF]).wait()

    @pl.when(cid == 0)
    def _core0():
        ring(ysa_hbm)

    @pl.when(cid == 1)
    def _core1():
        ring(ysb_hbm)

    plsc.subcore_barrier()
    pltpu.sync_copy(acc_sh.at[pl.ds(sid * NSUB, NSUB)],
                    p_hbm.at[cid, pl.ds(sid * NSUB, NSUB)])


@functools.cache
def _build_sc_kernels():
    mesh = plsc.VectorSubcoreMesh(
        core_axis_name="c", subcore_axis_name="s",
        num_cores=NC, num_subcores=NS)
    sc_degree = pl.kernel(
        _sc_degree_body,
        out_type=jax.ShapeDtypeStruct((NC * NPAD,), jnp.float32),
        mesh=mesh,
        compiler_params=pltpu.CompilerParams(use_tc_tiling_on_sc=False),
        scratch_types=[
            pltpu.VMEM((CPT_DEG, EC), jnp.int32),
            pltpu.VMEM((EC,), jnp.float32),
            pltpu.VMEM_SHARED((NPAD,), jnp.float32),
            pltpu.SemaphoreType.DMA,
        ],
    )
    sc_agg = pl.kernel(
        _sc_agg_body,
        out_type=jax.ShapeDtypeStruct((NC, N, DH), jnp.float32),
        mesh=mesh,
        compiler_params=pltpu.CompilerParams(use_tc_tiling_on_sc=False),
        scratch_types=(
            [pltpu.VMEM((CPT, EC), jnp.int32),
             pltpu.VMEM((CPT, EC), jnp.int32)]
            + [pltpu.VMEM((EC, DH), jnp.float32) for _ in range(NBUF)]
            + [pltpu.VMEM_SHARED((N, DH), jnp.float32)]
            + [pltpu.SemaphoreType.DMA for _ in range(2 * NBUF)]
        ),
    )
    return sc_degree, sc_agg


def _tc_l1_body(x_ref, w_ref, dg_ref, ysa_ref, ysb_ref):
    dis = lax.rsqrt(dg_ref[...] + 1.0)
    y = jnp.dot(x_ref[...], w_ref[...], preferred_element_type=jnp.float32)
    ys = y * dis
    ysa_ref[...] = ys[:, :DH]
    ysb_ref[...] = ys[:, DH:]


def _tc_l2_body(pa_ref, pb_ref, ysa_ref, ysb_ref, dg_ref, b1_ref,
                w2_ref, y2sa_ref, y2sb_ref):
    dis = lax.rsqrt(dg_ref[...] + 1.0)
    p = jnp.concatenate([pa_ref[0], pb_ref[0]], axis=1)
    ys = jnp.concatenate([ysa_ref[...], ysb_ref[...]], axis=1)
    h = dis * (p + ys) + b1_ref[...]
    h = jnp.maximum(h, 0.0)
    y2s = jnp.dot(h, w2_ref[...], preferred_element_type=jnp.float32) * dis
    y2sa_ref[...] = y2s[:, :DH]
    y2sb_ref[...] = y2s[:, DH:]


def _tc_out_body(pa_ref, pb_ref, y2sa_ref, y2sb_ref, dg_ref, b2_ref,
                 out_ref):
    dis = lax.rsqrt(dg_ref[...] + 1.0)
    p = jnp.concatenate([pa_ref[0], pb_ref[0]], axis=1)
    y2s = jnp.concatenate([y2sa_ref[...], y2sb_ref[...]], axis=1)
    out_ref[...] = dis * (p + y2s) + b2_ref[...]


_row_spec = pl.BlockSpec((TCB, D), lambda i: (i, 0))
_half_spec = pl.BlockSpec((TCB, DH), lambda i: (i, 0))
_pa_spec = pl.BlockSpec((1, TCB, DH), lambda i: (0, i, 0))
_pb_spec = pl.BlockSpec((1, TCB, DH), lambda i: (1, i, 0))
_dg_spec = pl.BlockSpec((TCB, D), lambda i: (i, 0))
_w_spec = pl.BlockSpec((D, D), lambda i: (0, 0))
_b_spec = pl.BlockSpec((1, D), lambda i: (0, 0))

_tc_l1 = pl.pallas_call(
    _tc_l1_body,
    grid=(GRID,),
    in_specs=[_row_spec, _w_spec, _dg_spec],
    out_specs=[_half_spec, _half_spec],
    out_shape=[jax.ShapeDtypeStruct((N, DH), jnp.float32),
               jax.ShapeDtypeStruct((N, DH), jnp.float32)],
)

_tc_l2 = pl.pallas_call(
    _tc_l2_body,
    grid=(GRID,),
    in_specs=[_pa_spec, _pb_spec, _half_spec, _half_spec, _dg_spec,
              _b_spec, _w_spec],
    out_specs=[_half_spec, _half_spec],
    out_shape=[jax.ShapeDtypeStruct((N, DH), jnp.float32),
               jax.ShapeDtypeStruct((N, DH), jnp.float32)],
)

_tc_out = pl.pallas_call(
    _tc_out_body,
    grid=(GRID,),
    in_specs=[_pa_spec, _pb_spec, _half_spec, _half_spec, _dg_spec,
              _b_spec],
    out_specs=_row_spec,
    out_shape=jax.ShapeDtypeStruct((N, D), jnp.float32),
)


def kernel(x, edge_index, W1, b1, W2, b2):
    edges2 = edge_index.reshape(2 * EROWS, EC)
    zeros2 = jnp.zeros((NSUB, DH), jnp.float32)
    zeros1 = jnp.zeros((NPAD,), jnp.float32)
    ones_c = jnp.ones((EC,), jnp.float32)
    b1r = b1.reshape(1, D)
    b2r = b2.reshape(1, D)

    _sc_degree, _sc_agg = _build_sc_kernels()
    deg = _sc_degree(edges2, ones_c, zeros1)
    deg_bc = jnp.broadcast_to(
        (deg[:N] + deg[NPAD:NPAD + N])[:, None], (N, D))

    y1sa, y1sb = _tc_l1(x, W1, deg_bc)
    p1 = _sc_agg(y1sa, y1sb, edges2, zeros2)
    y2sa, y2sb = _tc_l2(p1, p1, y1sa, y1sb, deg_bc, b1r, W2)
    p2 = _sc_agg(y2sa, y2sb, edges2, zeros2)
    return _tc_out(p2, p2, y2sa, y2sb, deg_bc, b2r)

# --- scband reference (transcript-rebuilt; emitter-appended) ---
"""Pipeline reference for scband-node-gcn-14302241095715 (READ-ONLY COPY).

The authoritative reference and input builder live on the scoring server;
editing this copy changes nothing except your own understanding.
"""

import jax, jax.numpy as jnp
import numpy as np

N = 10000
E = 320000
D_IN = 128
D_HID = 128
D_OUT = 128


def setup_inputs(seed: int = 0) -> dict:
    key = jax.random.key(seed)
    k1, k2, k3, k4, k5, k6 = jax.random.split(key, 6)
    x = jax.random.normal(k1, (N, D_IN), dtype=jnp.float32)
    edge_index = jax.random.randint(k2, (2, E), 0, N, dtype=jnp.int32)
    W1 = jax.random.normal(k3, (D_IN, D_HID), dtype=jnp.float32) * (1.0 / np.sqrt(D_IN))
    b1 = jnp.zeros((D_HID,), dtype=jnp.float32)
    W2 = jax.random.normal(k4, (D_HID, D_OUT), dtype=jnp.float32) * (1.0 / np.sqrt(D_HID))
    b2 = jnp.zeros((D_OUT,), dtype=jnp.float32)
    return {"x": x, "edge_index": edge_index, "W1": W1, "b1": b1, "W2": W2, "b2": b2}


def _gcn_conv(x, edge_index, W, b):
    # PyG GCNConv: add self-loops, symmetric normalization D^{-1/2}(A+I)D^{-1/2} X W + b
    n = x.shape[0]
    loop = jnp.arange(n, dtype=edge_index.dtype)
    src = jnp.concatenate([edge_index[0], loop])
    dst = jnp.concatenate([edge_index[1], loop])
    deg = jnp.zeros((n,), dtype=x.dtype).at[dst].add(1.0)
    deg_inv_sqrt = jnp.where(deg > 0, 1.0 / jnp.sqrt(deg), 0.0)
    norm = deg_inv_sqrt[src] * deg_inv_sqrt[dst]
    xw = x @ W
    msg = xw[src] * norm[:, None]
    out = jnp.zeros((n, W.shape[1]), dtype=x.dtype).at[dst].add(msg)
    return out + b


def reference(x, edge_index, W1, b1, W2, b2):
    h = _gcn_conv(x, edge_index, W1, b1)
    h = jax.nn.relu(h)
    out = _gcn_conv(h, edge_index, W2, b2)
    return out

if __name__ == "__main__":
    import jax
    _d = setup_inputs()
    print(jax.jit(kernel)(*tuple(_d.values())))

</pallas_src>

<mosaic_0001>
#map = affine_map<(d0, d1) -> (0, 0)>
#map1 = affine_map<(d0, d1) -> (0, 0, 0)>
module attributes {stable_mosaic.version = 14 : i64} {
  func.func @_sc_agg_body(%arg0: i32, %arg1: i32, %arg2: memref<10000x64xf32, #tpu.memory_space<hbm>>, %arg3: memref<10000x64xf32, #tpu.memory_space<hbm>>, %arg4: memref<5120x125xi32, #tpu.memory_space<hbm>>, %arg5: memref<625x64xf32, #tpu.memory_space<hbm>>, %arg6: memref<2x10000x64xf32, #tpu.memory_space<hbm>>, %arg7: memref<160x125xi32, #tpu.memory_space<vmem>>, %arg8: memref<160x125xi32, #tpu.memory_space<vmem>>, %arg9: memref<125x64xf32, #tpu.memory_space<vmem>>, %arg10: memref<125x64xf32, #tpu.memory_space<vmem>>, %arg11: memref<125x64xf32, #tpu.memory_space<vmem>>, %arg12: memref<125x64xf32, #tpu.memory_space<vmem>>, %arg13: memref<125x64xf32, #tpu.memory_space<vmem>>, %arg14: memref<10000x64xf32, #tpu.memory_space<vmem_shared>>, %arg15: memref<!tpu.dma_semaphore, #tpu.memory_space<semaphore_mem>>, %arg16: memref<!tpu.dma_semaphore, #tpu.memory_space<semaphore_mem>>, %arg17: memref<!tpu.dma_semaphore, #tpu.memory_space<semaphore_mem>>, %arg18: memref<!tpu.dma_semaphore, #tpu.memory_space<semaphore_mem>>, %arg19: memref<!tpu.dma_semaphore, #tpu.memory_space<semaphore_mem>>, %arg20: memref<!tpu.dma_semaphore, #tpu.memory_space<semaphore_mem>>, %arg21: memref<!tpu.dma_semaphore, #tpu.memory_space<semaphore_mem>>, %arg22: memref<!tpu.dma_semaphore, #tpu.memory_space<semaphore_mem>>, %arg23: memref<!tpu.dma_semaphore, #tpu.memory_space<semaphore_mem>>, %arg24: memref<!tpu.dma_semaphore, #tpu.memory_space<semaphore_mem>>) attributes {dimension_semantics = [#tpu.dimension_semantics<core_parallel>, #tpu.dimension_semantics<subcore_parallel>], iteration_bounds = array<i64: 2, 16>, scalar_prefetch = 0 : i64, scratch_operands = 18 : i64, tpu.core_type = #tpu.core_type<sc_vector_subcore>, window_params = [{transform_indices = #map}, {transform_indices = #map}, {transform_indices = #map}, {transform_indices = #map}, {transform_indices = #map1}]} {
    %mul3A = arith.constant 625 : i32
    %mul3A_0 = arith.muli %arg1, %mul3A : i32
    "tpu.region"() ({
      %run_scoped3A = tpu.sem_alloc : memref<!tpu.dma_semaphore, #tpu.memory_space<semaphore_mem>>
      %dma_start3A = arith.constant 0 : i32
      %dma_start3A_16 = tpu.memref_slice %arg14[%mul3A_0, %dma_start3A] : memref<10000x64xf32, #tpu.memory_space<vmem_shared>> -> memref<625x64xf32, #tpu.memory_space<vmem_shared>>
      tpu.enqueue_dma source(%arg5 : memref<625x64xf32, #tpu.memory_space<hbm>>) target(%dma_start3A_16 : memref<625x64xf32, #tpu.memory_space<vmem_shared>>) target_semaphore(%run_scoped3A : memref<!tpu.dma_semaphore, #tpu.memory_space<semaphore_mem>>)
      %dma_wait3A = arith.constant 0 : i32
      %dma_wait3A_17 = tpu.memref_slice %arg14[%mul3A_0, %dma_wait3A] : memref<10000x64xf32, #tpu.memory_space<vmem_shared>> -> memref<625x64xf32, #tpu.memory_space<vmem_shared>>
      tpu.wait_dma2 semaphore(%run_scoped3A : memref<!tpu.dma_semaphore, #tpu.memory_space<semaphore_mem>>) src(%arg5 : memref<625x64xf32, #tpu.memory_space<hbm>>) dst(%dma_wait3A_17 : memref<625x64xf32, #tpu.memory_space<vmem_shared>>)
      tpu.yield
    }) : () -> ()
    %mul3A_1 = arith.constant 160 : i32
    %mul3A_2 = arith.muli %arg1, %mul3A_1 : i32
    "tpu.region"() ({
      %run_scoped3A = tpu.sem_alloc : memref<!tpu.dma_semaphore, #tpu.memory_space<semaphore_mem>>
      %dma_start3A = arith.constant 0 : i32
      %dma_start3A_16 = tpu.memref_slice %arg4[%mul3A_2, %dma_start3A] : memref<5120x125xi32, #tpu.memory_space<hbm>> -> memref<160x125xi32, #tpu.memory_space<hbm>>
      %dma_start3A_17 = arith.constant 0 : i32
      %dma_start3A_18 = tpu.memref_slice %arg4[%mul3A_2, %dma_start3A_17] : memref<5120x125xi32, #tpu.memory_space<hbm>> -> memref<160x125xi32, #tpu.memory_space<hbm>>
      tpu.enqueue_dma source(%dma_start3A_18 : memref<160x125xi32, #tpu.memory_space<hbm>>) target(%arg7 : memref<160x125xi32, #tpu.memory_space<vmem>>) target_semaphore(%run_scoped3A : memref<!tpu.dma_semaphore, #tpu.memory_space<semaphore_mem>>)
      %dma_wait3A = arith.constant 0 : i32
      %dma_wait3A_19 = tpu.memref_slice %arg4[%mul3A_2, %dma_wait3A] : memref<5120x125xi32, #tpu.memory_space<hbm>> -> memref<160x125xi32, #tpu.memory_space<hbm>>
      %dma_wait3A_20 = arith.constant 0 : i32
      %dma_wait3A_21 = tpu.memref_slice %arg4[%mul3A_2, %dma_wait3A_20] : memref<5120x125xi32, #tpu.memory_space<hbm>> -> memref<160x125xi32, #tpu.memory_space<hbm>>
      tpu.wait_dma2 semaphore(%run_scoped3A : memref<!tpu.dma_semaphore, #tpu.memory_space<semaphore_mem>>) src(%dma_wait3A_21 : memref<160x125xi32, #tpu.memory_space<hbm>>) dst(%arg7 : memref<160x125xi32, #tpu.memory_space<vmem>>)
      tpu.yield
    }) : () -> ()
    %add3A = arith.constant 2560 : i32
    %add3A_3 = arith.addi %add3A, %mul3A_2 : i32
    "tpu.region"() ({
      %run_scoped3A = tpu.sem_alloc : memref<!tpu.dma_semaphore, #tpu.memory_space<semaphore_mem>>
      %dma_start3A = arith.constant 0 : i32
      %dma_start3A_16 = tpu.memref_slice %arg4[%add3A_3, %dma_start3A] : memref<5120x125xi32, #tpu.memory_space<hbm>> -> memref<160x125xi32, #tpu.memory_space<hbm>>
      %dma_start3A_17 = arith.constant 0 : i32
      %dma_start3A_18 = tpu.memref_slice %arg4[%add3A_3, %dma_start3A_17] : memref<5120x125xi32, #tpu.memory_space<hbm>> -> memref<160x125xi32, #tpu.memory_space<hbm>>
      tpu.enqueue_dma source(%dma_start3A_18 : memref<160x125xi32, #tpu.memory_space<hbm>>) target(%arg8 : memref<160x125xi32, #tpu.memory_space<vmem>>) target_semaphore(%run_scoped3A : memref<!tpu.dma_semaphore, #tpu.memory_space<semaphore_mem>>)
      %dma_wait3A = arith.constant 0 : i32
      %dma_wait3A_19 = tpu.memref_slice %arg4[%add3A_3, %dma_wait3A] : memref<5120x125xi32, #tpu.memory_space<hbm>> -> memref<160x125xi32, #tpu.memory_space<hbm>>
      %dma_wait3A_20 = arith.constant 0 : i32
      %dma_wait3A_21 = tpu.memref_slice %arg4[%add3A_3, %dma_wait3A_20] : memref<5120x125xi32, #tpu.memory_space<hbm>> -> memref<160x125xi32, #tpu.memory_space<hbm>>
      tpu.wait_dma2 semaphore(%run_scoped3A : memref<!tpu.dma_semaphore, #tpu.memory_space<semaphore_mem>>) src(%dma_wait3A_21 : memref<160x125xi32, #tpu.memory_space<hbm>>) dst(%arg8 : memref<160x125xi32, #tpu.memory_space<vmem>>)
      tpu.yield
    }) : () -> ()
    %barrier3A = arith.constant 0 : index
    tpu.barrier barrier_id(%barrier3A)
    %eq3A = arith.constant 0 : i32
    %eq3A_4 = arith.cmpi eq, %arg0, %eq3A : i32
    %convert_element_type3A = arith.extui %eq3A_4 : i1 to i32
    %cond3A = arith.constant 0 : i32
    %cond3A_5 = arith.cmpi ne, %convert_element_type3A, %cond3A : i32
    scf.if %cond3A_5 {
      %dma_start3A = arith.constant 0 : i32
      %dma_start3A_16 = arith.constant 0 : i32
      %dma_start3A_17 = tpu.memref_slice %arg7[%dma_start3A, %dma_start3A_16] : memref<160x125xi32, #tpu.memory_space<vmem>> -> memref<1x125xi32, #tpu.memory_space<vmem>>
      %dma_start3A_18 = tpu.memref_squeeze %dma_start3A_17 : memref<1x125xi32, #tpu.memory_space<vmem>> -> memref<125xi32, #tpu.memory_space<vmem>>
      %dma_start3A_19 = arith.constant 0 : i32
      %dma_start3A_20 = arith.constant 0 : i32
      %dma_start3A_21 = tpu.memref_slice %arg2[%dma_start3A_19, %dma_start3A_20] : memref<10000x64xf32, #tpu.memory_space<hbm>> -> memref<10000x64xf32, #tpu.memory_space<hbm>>
      tpu.enqueue_indirect_dma source(%dma_start3A_21 : memref<10000x64xf32, #tpu.memory_space<hbm>>) target(%arg9 : memref<125x64xf32, #tpu.memory_space<vmem>>) offsets(%dma_start3A_18 : memref<125xi32, #tpu.memory_space<vmem>>) semaphore(%arg15 : memref<!tpu.dma_semaphore, #tpu.memory_space<semaphore_mem>>)
      %dma_start3A_22 = arith.constant 1 : i32
      %dma_start3A_23 = arith.constant 0 : i32
      %dma_start3A_24 = tpu.memref_slice %arg7[%dma_start3A_22, %dma_start3A_23] : memref<160x125xi32, #tpu.memory_space<vmem>> -> memref<1x125xi32, #tpu.memory_space<vmem>>
      %dma_start3A_25 = tpu.memref_squeeze %dma_start3A_24 : memref<1x125xi32, #tpu.memory_space<vmem>> -> memref<125xi32, #tpu.memory_space<vmem>>
      %dma_start3A_26 = arith.constant 0 : i32
      %dma_start3A_27 = arith.constant 0 : i32
      %dma_start3A_28 = tpu.memref_slice %arg2[%dma_start3A_26, %dma_start3A_27] : memref<10000x64xf32, #tpu.memory_space<hbm>> -> memref<10000x64xf32, #tpu.memory_space<hbm>>
      tpu.enqueue_indirect_dma source(%dma_start3A_28 : memref<10000x64xf32, #tpu.memory_space<hbm>>) target(%arg10 : memref<125x64xf32, #tpu.memory_space<vmem>>) offsets(%dma_start3A_25 : memref<125xi32, #tpu.memory_space<vmem>>) semaphore(%arg16 : memref<!tpu.dma_semaphore, #tpu.memory_space<semaphore_mem>>)
      %dma_start3A_29 = arith.constant 2 : i32
      %dma_start3A_30 = arith.constant 0 : i32
      %dma_start3A_31 = tpu.memref_slice %arg7[%dma_start3A_29, %dma_start3A_30] : memref<160x125xi32, #tpu.memory_space<vmem>> -> memref<1x125xi32, #tpu.memory_space<vmem>>
      %dma_start3A_32 = tpu.memref_squeeze %dma_start3A_31 : memref<1x125xi32, #tpu.memory_space<vmem>> -> memref<125xi32, #tpu.memory_space<vmem>>
      %dma_start3A_33 = arith.constant 0 : i32
      %dma_start3A_34 = arith.constant 0 : i32
      %dma_start3A_35 = tpu.memref_slice %arg2[%dma_start3A_33, %dma_start3A_34] : memref<10000x64xf32, #tpu.memory_space<hbm>> -> memref<10000x64xf32, #tpu.memory_space<hbm>>
      tpu.enqueue_indirect_dma source(%dma_start3A_35 : memref<10000x64xf32, #tpu.memory_space<hbm>>) target(%arg11 : memref<125x64xf32, #tpu.memory_space<vmem>>) offsets(%dma_start3A_32 : memref<125xi32, #tpu.memory_space<vmem>>) semaphore(%arg17 : memref<!tpu.dma_semaphore, #tpu.memory_space<semaphore_mem>>)
      %scan3A = arith.constant 0 : i32
      %scan3A_36 = arith.constant 0 : i32
      %scan3A_37 = arith.constant 32 : i32
      %scan3A_38 = arith.addi %scan3A_36, %scan3A_37 : i32
      %scan3A_39 = arith.constant 1 : i32
      scf.for %scan3A_54 = %scan3A_36 to %scan3A_38 step %scan3A_39  : i32 {
        %mul3A_55 = arith.constant 5 : i32
        %mul3A_56 = arith.muli %scan3A_54, %mul3A_55 : i32
        %add3A_57 = arith.constant 0 : i32
        %add3A_58 = arith.addi %mul3A_56, %add3A_57 : i32
        %gt3A = arith.constant 0 : i32
        %gt3A_59 = arith.cmpi sgt, %scan3A_54, %gt3A : i32
        %convert_element_type3A_60 = arith.extui %gt3A_59 : i1 to i32
        %cond3A_61 = arith.constant 0 : i32
        %cond3A_62 = arith.cmpi ne, %convert_element_type3A_60, %cond3A_61 : i32
        scf.if %cond3A_62 {
          %sub3A_197 = arith.constant 2 : i32
          %sub3A_198 = arith.subi %add3A_58, %sub3A_197 : i32
          %dma_wait3A_199 = arith.constant 0 : i32
          %dma_wait3A_200 = tpu.memref_slice %arg8[%sub3A_198, %dma_wait3A_199] : memref<160x125xi32, #tpu.memory_space<vmem>> -> memref<1x125xi32, #tpu.memory_space<vmem>>
          %dma_wait3A_201 = tpu.memref_squeeze %dma_wait3A_200 : memref<1x125xi32, #tpu.memory_space<vmem>> -> memref<125xi32, #tpu.memory_space<vmem>>
          %dma_wait3A_202 = arith.constant 0 : i32
          %dma_wait3A_203 = arith.constant 0 : i32
          %dma_wait3A_204 = tpu.memref_slice %arg14[%dma_wait3A_202, %dma_wait3A_203] : memref<10000x64xf32, #tpu.memory_space<vmem_shared>> -> memref<10000x64xf32, #tpu.memory_space<vmem_shared>>
          tpu.wait_indirect_dma semaphore(%arg23 : memref<!tpu.dma_semaphore, #tpu.memory_space<semaphore_mem>>) src(%arg12 : memref<125x64xf32, #tpu.memory_space<vmem>>) dst(%dma_wait3A_204 : memref<10000x64xf32, #tpu.memory_space<vmem_shared>>)
        } else {
        }
        %add3A_63 = arith.constant 3 : i32
        %add3A_64 = arith.addi %add3A_58, %add3A_63 : i32
        %dma_start3A_65 = arith.constant 0 : i32
        %dma_start3A_66 = tpu.memref_slice %arg7[%add3A_64, %dma_start3A_65] : memref<160x125xi32, #tpu.memory_space<vmem>> -> memref<1x125xi32, #tpu.memory_space<vmem>>
        %dma_start3A_67 = tpu.memref_squeeze %dma_start3A_66 : memref<1x125xi32, #tpu.memory_space<vmem>> -> memref<125xi32, #tpu.memory_space<vmem>>
        %dma_start3A_68 = arith.constant 0 : i32
        %dma_start3A_69 = arith.constant 0 : i32
        %dma_start3A_70 = tpu.memref_slice %arg2[%dma_start3A_68, %dma_start3A_69] : memref<10000x64xf32, #tpu.memory_space<hbm>> -> memref<10000x64xf32, #tpu.memory_space<hbm>>
        tpu.enqueue_indirect_dma source(%dma_start3A_70 : memref<10000x64xf32, #tpu.memory_space<hbm>>) target(%arg12 : memref<125x64xf32, #tpu.memory_space<vmem>>) offsets(%dma_start3A_67 : memref<125xi32, #tpu.memory_space<vmem>>) semaphore(%arg18 : memref<!tpu.dma_semaphore, #tpu.memory_space<semaphore_mem>>)
        %dma_wait3A_71 = arith.constant 0 : i32
        %dma_wait3A_72 = tpu.memref_slice %arg7[%add3A_58, %dma_wait3A_71] : memref<160x125xi32, #tpu.memory_space<vmem>> -> memref<1x125xi32, #tpu.memory_space<vmem>>
        %dma_wait3A_73 = tpu.memref_squeeze %dma_wait3A_72 : memref<1x125xi32, #tpu.memory_space<vmem>> -> memref<125xi32, #tpu.memory_space<vmem>>
        %dma_wait3A_74 = arith.constant 0 : i32
        %dma_wait3A_75 = arith.constant 0 : i32
        %dma_wait3A_76 = tpu.memref_slice %arg2[%dma_wait3A_74, %dma_wait3A_75] : memref<10000x64xf32, #tpu.memory_space<hbm>> -> memref<10000x64xf32, #tpu.memory_space<hbm>>
        tpu.wait_indirect_dma semaphore(%arg15 : memref<!tpu.dma_semaphore, #tpu.memory_space<semaphore_mem>>) src(%dma_wait3A_76 : memref<10000x64xf32, #tpu.memory_space<hbm>>) dst(%arg9 : memref<125x64xf32, #tpu.memory_space<vmem>>)
        %dma_start3A_77 = arith.constant 0 : i32
        %dma_start3A_78 = tpu.memref_slice %arg8[%add3A_58, %dma_start3A_77] : memref<160x125xi32, #tpu.memory_space<vmem>> -> memref<1x125xi32, #tpu.memory_space<vmem>>
        %dma_start3A_79 = tpu.memref_squeeze %dma_start3A_78 : memref<1x125xi32, #tpu.memory_space<vmem>> -> memref<125xi32, #tpu.memory_space<vmem>>
        %dma_start3A_80 = arith.constant 0 : i32
        %dma_start3A_81 = arith.constant 0 : i32
        %dma_start3A_82 = tpu.memref_slice %arg14[%dma_start3A_80, %dma_start3A_81] : memref<10000x64xf32, #tpu.memory_space<vmem_shared>> -> memref<10000x64xf32, #tpu.memory_space<vmem_shared>>
        tpu.enqueue_indirect_dma source(%arg9 : memref<125x64xf32, #tpu.memory_space<vmem>>) target(%dma_start3A_82 : memref<10000x64xf32, #tpu.memory_space<vmem_shared>>) offsets(%dma_start3A_79 : memref<125xi32, #tpu.memory_space<vmem>>) semaphore(%arg20 : memref<!tpu.dma_semaphore, #tpu.memory_space<semaphore_mem>>) {add = true}
        %mul3A_83 = arith.constant 5 : i32
        %mul3A_84 = arith.muli %scan3A_54, %mul3A_83 : i32
        %add3A_85 = arith.constant 1 : i32
        %add3A_86 = arith.addi %mul3A_84, %add3A_85 : i32
        %gt3A_87 = arith.constant 0 : i32
        %gt3A_88 = arith.cmpi sgt, %scan3A_54, %gt3A_87 : i32
        %convert_element_type3A_89 = arith.extui %gt3A_88 : i1 to i32
        %cond3A_90 = arith.constant 0 : i32
        %cond3A_91 = arith.cmpi ne, %convert_element_type3A_89, %cond3A_90 : i32
        scf.if %cond3A_91 {
          %sub3A_197 = arith.constant 2 : i32
          %sub3A_198 = arith.subi %add3A_86, %sub3A_197 : i32
          %dma_wait3A_199 = arith.constant 0 : i32
          %dma_wait3A_200 = tpu.memref_slice %arg8[%sub3A_198, %dma_wait3A_199] : memref<160x125xi32, #tpu.memory_space<vmem>> -> memref<1x125xi32, #tpu.memory_space<vmem>>
          %dma_wait3A_201 = tpu.memref_squeeze %dma_wait3A_200 : memref<1x125xi32, #tpu.memory_space<vmem>> -> memref<125xi32, #tpu.memory_space<vmem>>
          %dma_wait3A_202 = arith.constant 0 : i32
          %dma_wait3A_203 = arith.constant 0 : i32
          %dma_wait3A_204 = tpu.memref_slice %arg14[%dma_wait3A_202, %dma_wait3A_203] : memref<10000x64xf32, #tpu.memory_space<vmem_shared>> -> memref<10000x64xf32, #tpu.memory_space<vmem_shared>>
          tpu.wait_indirect_dma semaphore(%arg24 : memref<!tpu.dma_semaphore, #tpu.memory_space<semaphore_mem>>) src(%arg13 : memref<125x64xf32, #tpu.memory_space<vmem>>) dst(%dma_wait3A_204 : memref<10000x64xf32, #tpu.memory_space<vmem_shared>>)
        } else {
        }
        %add3A_92 = arith.constant 3 : i32
        %add3A_93 = arith.addi %add3A_86, %add3A_92 : i32
        %dma_start3A_94 = arith.constant 0 : i32
        %dma_start3A_95 = tpu.memref_slice %arg7[%add3A_93, %dma_start3A_94] : memref<160x125xi32, #tpu.memory_space<vmem>> -> memref<1x125xi32, #tpu.memory_space<vmem>>
        %dma_start3A_96 = tpu.memref_squeeze %dma_start3A_95 : memref<1x125xi32, #tpu.memory_space<vmem>> -> memref<125xi32, #tpu.memory_space<vmem>>
        %dma_start3A_97 = arith.constant 0 : i32
        %dma_start3A_98 = arith.constant 0 : i32
        %dma_start3A_99 = tpu.memref_slice %arg2[%dma_start3A_97, %dma_start3A_98] : memref<10000x64xf32, #tpu.memory_space<hbm>> -> memref<10000x64xf32, #tpu.memory_space<hbm>>
        tpu.enqueue_indirect_dma source(%dma_start3A_99 : memref<10000x64xf32, #tpu.memory_space<hbm>>) target(%arg13 : memref<125x64xf32, #tpu.memory_space<vmem>>) offsets(%dma_start3A_96 : memref<125xi32, #tpu.memory_space<vmem>>) semaphore(%arg19 : memref<!tpu.dma_semaphore, #tpu.memory_space<semaphore_mem>>)
        %dma_wait3A_100 = arith.constant 0 : i32
        %dma_wait3A_101 = tpu.memref_slice %arg7[%add3A_86, %dma_wait3A_100] : memref<160x125xi32, #tpu.memory_space<vmem>> -> memref<1x125xi32, #tpu.memory_space<vmem>>
        %dma_wait3A_102 = tpu.memref_squeeze %dma_wait3A_101 : memref<1x125xi32, #tpu.memory_space<vmem>> -> memref<125xi32, #tpu.memory_space<vmem>>
        %dma_wait3A_103 = arith.constant 0 : i32
        %dma_wait3A_104 = arith.constant 0 : i32
        %dma_wait3A_105 = tpu.memref_slice %arg2[%dma_wait3A_103, %dma_wait3A_104] : memref<10000x64xf32, #tpu.memory_space<hbm>> -> memref<10000x64xf32, #tpu.memory_space<hbm>>
        tpu.wait_indirect_dma semaphore(%arg16 : memref<!tpu.dma_semaphore, #tpu.memory_space<semaphore_mem>>) src(%dma_wait3A_105 : memref<10000x64xf32, #tpu.memory_space<hbm>>) dst(%arg10 : memref<125x64xf32, #tpu.memory_space<vmem>>)
        %dma_start3A_106 = arith.constant 0 : i32
        %dma_start3A_107 = tpu.memref_slice %arg8[%add3A_86, %dma_start3A_106] : memref<160x125xi32, #tpu.memory_space<vmem>> -> memref<1x125xi32, #tpu.memory_space<vmem>>
        %dma_start3A_108 = tpu.memref_squeeze %dma_start3A_107 : memref<1x125xi32, #tpu.memory_space<vmem>> -> memref<125xi32, #tpu.memory_space<vmem>>
        %dma_start3A_109 = arith.constant 0 : i32
        %dma_start3A_110 = arith.constant 0 : i32
        %dma_start3A_111 = tpu.memref_slice %arg14[%dma_start3A_109, %dma_start3A_110] : memref<10000x64xf32, #tpu.memory_space<vmem_shared>> -> memref<10000x64xf32, #tpu.memory_space<vmem_shared>>
        tpu.enqueue_indirect_dma source(%arg10 : memref<125x64xf32, #tpu.memory_space<vmem>>) target(%dma_start3A_111 : memref<10000x64xf32, #tpu.memory_space<vmem_shared>>) offsets(%dma_start3A_108 : memref<125xi32, #tpu.memory_space<vmem>>) semaphore(%arg21 : memref<!tpu.dma_semaphore, #tpu.memory_space<semaphore_mem>>) {add = true}
        %mul3A_112 = arith.constant 5 : i32
        %mul3A_113 = arith.muli %scan3A_54, %mul3A_112 : i32
        %add3A_114 = arith.constant 2 : i32
        %add3A_115 = arith.addi %mul3A_113, %add3A_114 : i32
        %sub3A = arith.constant 2 : i32
        %sub3A_116 = arith.subi %add3A_115, %sub3A : i32
        %dma_wait3A_117 = arith.constant 0 : i32
        %dma_wait3A_118 = tpu.memref_slice %arg8[%sub3A_116, %dma_wait3A_117] : memref<160x125xi32, #tpu.memory_space<vmem>> -> memref<1x125xi32, #tpu.memory_space<vmem>>
        %dma_wait3A_119 = tpu.memref_squeeze %dma_wait3A_118 : memref<1x125xi32, #tpu.memory_space<vmem>> -> memref<125xi32, #tpu.memory_space<vmem>>
        %dma_wait3A_120 = arith.constant 0 : i32
        %dma_wait3A_121 = arith.constant 0 : i32
        %dma_wait3A_122 = tpu.memref_slice %arg14[%dma_wait3A_120, %dma_wait3A_121] : memref<10000x64xf32, #tpu.memory_space<vmem_shared>> -> memref<10000x64xf32, #tpu.memory_space<vmem_shared>>
        tpu.wait_indirect_dma semaphore(%arg20 : memref<!tpu.dma_semaphore, #tpu.memory_space<semaphore_mem>>) src(%arg9 : memref<125x64xf32, #tpu.memory_space<vmem>>) dst(%dma_wait3A_122 : memref<10000x64xf32, #tpu.memory_space<vmem_shared>>)
        %lt3A = arith.constant 31 : i32
        %lt3A_123 = arith.cmpi slt, %scan3A_54, %lt3A : i32
        %convert_element_type3A_124 = arith.extui %lt3A_123 : i1 to i32
        %cond3A_125 = arith.constant 0 : i32
        %cond3A_126 = arith.cmpi ne, %convert_element_type3A_124, %cond3A_125 : i32
        scf.if %cond3A_126 {
          %add3A_197 = arith.constant 3 : i32
          %add3A_198 = arith.addi %add3A_115, %add3A_197 : i32
          %dma_start3A_199 = arith.constant 0 : i32
          %dma_start3A_200 = tpu.memref_slice %arg7[%add3A_198, %dma_start3A_199] : memref<160x125xi32, #tpu.memory_space<vmem>> -> memref<1x125xi32, #tpu.memory_space<vmem>>
          %dma_start3A_201 = tpu.memref_squeeze %dma_start3A_200 : memref<1x125xi32, #tpu.memory_space<vmem>> -> memref<125xi32, #tpu.memory_space<vmem>>
          %dma_start3A_202 = arith.constant 0 : i32
          %dma_start3A_203 = arith.constant 0 : i32
          %dma_start3A_204 = tpu.memref_slice %arg2[%dma_start3A_202, %dma_start3A_203] : memref<10000x64xf32, #tpu.memory_space<hbm>> -> memref<10000x64xf32, #tpu.memory_space<hbm>>
          tpu.enqueue_indirect_dma source(%dma_start3A_204 : memref<10000x64xf32, #tpu.memory_space<hbm>>) target(%arg9 : memref<125x64xf32, #tpu.memory_space<vmem>>) offsets(%dma_start3A_201 : memref<125xi32, #tpu.memory_space<vmem>>) semaphore(%arg15 : memref<!tpu.dma_semaphore, #tpu.memory_space<semaphore_mem>>)
        } else {
        }
        %dma_wait3A_127 = arith.constant 0 : i32
        %dma_wait3A_128 = tpu.memref_slice %arg7[%add3A_115, %dma_wait3A_127] : memref<160x125xi32, #tpu.memory_space<vmem>> -> memref<1x125xi32, #tpu.memory_space<vmem>>
        %dma_wait3A_129 = tpu.memref_squeeze %dma_wait3A_128 : memref<1x125xi32, #tpu.memory_space<vmem>> -> memref<125xi32, #tpu.memory_space<vmem>>
        %dma_wait3A_130 = arith.constant 0 : i32
        %dma_wait3A_131 = arith.constant 0 : i32
        %dma_wait3A_132 = tpu.memref_slice %arg2[%dma_wait3A_130, %dma_wait3A_131] : memref<10000x64xf32, #tpu.memory_space<hbm>> -> memref<10000x64xf32, #tpu.memory_space<hbm>>
        tpu.wait_indirect_dma semaphore(%arg17 : memref<!tpu.dma_semaphore, #tpu.memory_space<semaphore_mem>>) src(%dma_wait3A_132 : memref<10000x64xf32, #tpu.memory_space<hbm>>) dst(%arg11 : memref<125x64xf32, #tpu.memory_space<vmem>>)
        %dma_start3A_133 = arith.constant 0 : i32
        %dma_start3A_134 = tpu.memref_slice %arg8[%add3A_115, %dma_start3A_133] : memref<160x125xi32, #tpu.memory_space<vmem>> -> memref<1x125xi32, #tpu.memory_space<vmem>>
        %dma_start3A_135 = tpu.memref_squeeze %dma_start3A_134 : memref<1x125xi32, #tpu.memory_space<vmem>> -> memref<125xi32, #tpu.memory_space<vmem>>
        %dma_start3A_136 = arith.constant 0 : i32
        %dma_start3A_137 = arith.constant 0 : i32
        %dma_start3A_138 = tpu.memref_slice %arg14[%dma_start3A_136, %dma_start3A_137] : memref<10000x64xf32, #tpu.memory_space<vmem_shared>> -> memref<10000x64xf32, #tpu.memory_space<vmem_shared>>
        tpu.enqueue_indirect_dma source(%arg11 : memref<125x64xf32, #tpu.memory_space<vmem>>) target(%dma_start3A_138 : memref<10000x64xf32, #tpu.memory_space<vmem_shared>>) offsets(%dma_start3A_135 : memref<125xi32, #tpu.memory_space<vmem>>) semaphore(%arg22 : memref<!tpu.dma_semaphore, #tpu.memory_space<semaphore_mem>>) {add = true}
        %mul3A_139 = arith.constant 5 : i32
        %mul3A_140 = arith.muli %scan3A_54, %mul3A_139 : i32
        %add3A_141 = arith.constant 3 : i32
        %add3A_142 = arith.addi %mul3A_140, %add3A_141 : i32
        %sub3A_143 = arith.constant 2 : i32
        %sub3A_144 = arith.subi %add3A_142, %sub3A_143 : i32
        %dma_wait3A_145 = arith.constant 0 : i32
        %dma_wait3A_146 = tpu.memref_slice %arg8[%sub3A_144, %dma_wait3A_145] : memref<160x125xi32, #tpu.memory_space<vmem>> -> memref<1x125xi32, #tpu.memory_space<vmem>>
        %dma_wait3A_147 = tpu.memref_squeeze %dma_wait3A_146 : memref<1x125xi32, #tpu.memory_space<vmem>> -> memref<125xi32, #tpu.memory_space<vmem>>
        %dma_wait3A_148 = arith.constant 0 : i32
        %dma_wait3A_149 = arith.constant 0 : i32
        %dma_wait3A_150 = tpu.memref_slice %arg14[%dma_wait3A_148, %dma_wait3A_149] : memref<10000x64xf32, #tpu.memory_space<vmem_shared>> -> memref<10000x64xf32, #tpu.memory_space<vmem_shared>>
        tpu.wait_indirect_dma semaphore(%arg21 : memref<!tpu.dma_semaphore, #tpu.memory_space<semaphore_mem>>) src(%arg10 : memref<125x64xf32, #tpu.memory_space<vmem>>) dst(%dma_wait3A_150 : memref<10000x64xf32, #tpu.memory_space<vmem_shared>>)
        %lt3A_151 = arith.constant 31 : i32
        %lt3A_152 = arith.cmpi slt, %scan3A_54, %lt3A_151 : i32
        %convert_element_type3A_153 = arith.extui %lt3A_152 : i1 to i32
        %cond3A_154 = arith.constant 0 : i32
        %cond3A_155 = arith.cmpi ne, %convert_element_type3A_153, %cond3A_154 : i32
        scf.if %cond3A_155 {
          %add3A_197 = arith.constant 3 : i32
          %add3A_198 = arith.addi %add3A_142, %add3A_197 : i32
          %dma_start3A_199 = arith.constant 0 : i32
          %dma_start3A_200 = tpu.memref_slice %arg7[%add3A_198, %dma_start3A_199] : memref<160x125xi32, #tpu.memory_space<vmem>> -> memref<1x125xi32, #tpu.memory_space<vmem>>
          %dma_start3A_201 = tpu.memref_squeeze %dma_start3A_200 : memref<1x125xi32, #tpu.memory_space<vmem>> -> memref<125xi32, #tpu.memory_space<vmem>>
          %dma_start3A_202 = arith.constant 0 : i32
          %dma_start3A_203 = arith.constant 0 : i32
          %dma_start3A_204 = tpu.memref_slice %arg2[%dma_start3A_202, %dma_start3A_203] : memref<10000x64xf32, #tpu.memory_space<hbm>> -> memref<10000x64xf32, #tpu.memory_space<hbm>>
          tpu.enqueue_indirect_dma source(%dma_start3A_204 : memref<10000x64xf32, #tpu.memory_space<hbm>>) target(%arg10 : memref<125x64xf32, #tpu.memory_space<vmem>>) offsets(%dma_start3A_201 : memref<125xi32, #tpu.memory_space<vmem>>) semaphore(%arg16 : memref<!tpu.dma_semaphore, #tpu.memory_space<semaphore_mem>>)
        } else {
        }
        %dma_wait3A_156 = arith.constant 0 : i32
        %dma_wait3A_157 = tpu.memref_slice %arg7[%add3A_142, %dma_wait3A_156] : memref<160x125xi32, #tpu.memory_space<vmem>> -> memref<1x125xi32, #tpu.memory_space<vmem>>
        %dma_wait3A_158 = tpu.memref_squeeze %dma_wait3A_157 : memref<1x125xi32, #tpu.memory_space<vmem>> -> memref<125xi32, #tpu.memory_space<vmem>>
        %dma_wait3A_159 = arith.constant 0 : i32
        %dma_wait3A_160 = arith.constant 0 : i32
        %dma_wait3A_161 = tpu.memref_slice %arg2[%dma_wait3A_159, %dma_wait3A_160] : memref<10000x64xf32, #tpu.memory_space<hbm>> -> memref<10000x64xf32, #tpu.memory_space<hbm>>
        tpu.wait_indirect_dma semaphore(%arg18 : memref<!tpu.dma_semaphore, #tpu.memory_space<semaphore_mem>>) src(%dma_wait3A_161 : memref<10000x64xf32, #tpu.memory_space<hbm>>) dst(%arg12 : memref<125x64xf32, #tpu.memory_space<vmem>>)
        %dma_start3A_162 = arith.constant 0 : i32
        %dma_start3A_163 = tpu.memref_slice %arg8[%add3A_142, %dma_start3A_162] : memref<160x125xi32, #tpu.memory_space<vmem>> -> memref<1x125xi32, #tpu.memory_space<vmem>>
        %dma_start3A_164 = tpu.memref_squeeze %dma_start3A_163 : memref<1x125xi32, #tpu.memory_space<vmem>> -> memref<125xi32, #tpu.memory_space<vmem>>
        %dma_start3A_165 = arith.constant 0 : i32
        %dma_start3A_166 = arith.constant 0 : i32
        %dma_start3A_167 = tpu.memref_slice %arg14[%dma_start3A_165, %dma_start3A_166] : memref<10000x64xf32, #tpu.memory_space<vmem_shared>> -> memref<10000x64xf32, #tpu.memory_space<vmem_shared>>
        tpu.enqueue_indirect_dma source(%arg12 : memref<125x64xf32, #tpu.memory_space<vmem>>) target(%dma_start3A_167 : memref<10000x64xf32, #tpu.memory_space<vmem_shared>>) offsets(%dma_start3A_164 : memref<125xi32, #tpu.memory_space<vmem>>) semaphore(%arg23 : memref<!tpu.dma_semaphore, #tpu.memory_space<semaphore_mem>>) {add = true}
        %mul3A_168 = arith.constant 5 : i32
        %mul3A_169 = arith.muli %scan3A_54, %mul3A_168 : i32
        %add3A_170 = arith.constant 4 : i32
        %add3A_171 = arith.addi %mul3A_169, %add3A_170 : i32
        %sub3A_172 = arith.constant 2 : i32
        %sub3A_173 = arith.subi %add3A_171, %sub3A_172 : i32
        %dma_wait3A_174 = arith.constant 0 : i32
        %dma_wait3A_175 = tpu.memref_slice %arg8[%sub3A_173, %dma_wait3A_174] : memref<160x125xi32, #tpu.memory_space<vmem>> -> memref<1x125xi32, #tpu.memory_space<vmem>>
        %dma_wait3A_176 = tpu.memref_squeeze %dma_wait3A_175 : memref<1x125xi32, #tpu.memory_space<vmem>> -> memref<125xi32, #tpu.memory_space<vmem>>
        %dma_wait3A_177 = arith.constant 0 : i32
        %dma_wait3A_178 = arith.constant 0 : i32
        %dma_wait3A_179 = tpu.memref_slice %arg14[%dma_wait3A_177, %dma_wait3A_178] : memref<10000x64xf32, #tpu.memory_space<vmem_shared>> -> memref<10000x64xf32, #tpu.memory_space<vmem_shared>>
        tpu.wait_indirect_dma semaphore(%arg22 : memref<!tpu.dma_semaphore, #tpu.memory_space<semaphore_mem>>) src(%arg11 : memref<125x64xf32, #tpu.memory_space<vmem>>) dst(%dma_wait3A_179 : memref<10000x64xf32, #tpu.memory_space<vmem_shared>>)
        %lt3A_180 = arith.constant 31 : i32
        %lt3A_181 = arith.cmpi slt, %scan3A_54, %lt3A_180 : i32
        %convert_element_type3A_182 = arith.extui %lt3A_181 : i1 to i32
        %cond3A_183 = arith.constant 0 : i32
        %cond3A_184 = arith.cmpi ne, %convert_element_type3A_182, %cond3A_183 : i32
        scf.if %cond3A_184 {
          %add3A_197 = arith.constant 3 : i32
          %add3A_198 = arith.addi %add3A_171, %add3A_197 : i32
          %dma_start3A_199 = arith.constant 0 : i32
          %dma_start3A_200 = tpu.memref_slice %arg7[%add3A_198, %dma_start3A_199] : memref<160x125xi32, #tpu.memory_space<vmem>> -> memref<1x125xi32, #tpu.memory_space<vmem>>
          %dma_start3A_201 = tpu.memref_squeeze %dma_start3A_200 : memref<1x125xi32, #tpu.memory_space<vmem>> -> memref<125xi32, #tpu.memory_space<vmem>>
          %dma_start3A_202 = arith.constant 0 : i32
          %dma_start3A_203 = arith.constant 0 : i32
          %dma_start3A_204 = tpu.memref_slice %arg2[%dma_start3A_202, %dma_start3A_203] : memref<10000x64xf32, #tpu.memory_space<hbm>> -> memref<10000x64xf32, #tpu.memory_space<hbm>>
          tpu.enqueue_indirect_dma source(%dma_start3A_204 : memref<10000x64xf32, #tpu.memory_space<hbm>>) target(%arg11 : memref<125x64xf32, #tpu.memory_space<vmem>>) offsets(%dma_start3A_201 : memref<125xi32, #tpu.memory_space<vmem>>) semaphore(%arg17 : memref<!tpu.dma_semaphore, #tpu.memory_space<semaphore_mem>>)
        } else {
        }
        %dma_wait3A_185 = arith.constant 0 : i32
        %dma_wait3A_186 = tpu.memref_slice %arg7[%add3A_171, %dma_wait3A_185] : memref<160x125xi32, #tpu.memory_space<vmem>> -> memref<1x125xi32, #tpu.memory_space<vmem>>
        %dma_wait3A_187 = tpu.memref_squeeze %dma_wait3A_186 : memref<1x125xi32, #tpu.memory_space<vmem>> -> memref<125xi32, #tpu.memory_space<vmem>>
        %dma_wait3A_188 = arith.constant 0 : i32
        %dma_wait3A_189 = arith.constant 0 : i32
        %dma_wait3A_190 = tpu.memref_slice %arg2[%dma_wait3A_188, %dma_wait3A_189] : memref<10000x64xf32, #tpu.memory_space<hbm>> -> memref<10000x64xf32, #tpu.memory_space<hbm>>
        tpu.wait_indirect_dma semaphore(%arg19 : memref<!tpu.dma_semaphore, #tpu.memory_space<semaphore_mem>>) src(%dma_wait3A_190 : memref<10000x64xf32, #tpu.memory_space<hbm>>) dst(%arg13 : memref<125x64xf32, #tpu.memory_space<vmem>>)
        %dma_start3A_191 = arith.constant 0 : i32
        %dma_start3A_192 = tpu.memref_slice %arg8[%add3A_171, %dma_start3A_191] : memref<160x125xi32, #tpu.memory_space<vmem>> -> memref<1x125xi32, #tpu.memory_space<vmem>>
        %dma_start3A_193 = tpu.memref_squeeze %dma_start3A_192 : memref<1x125xi32, #tpu.memory_space<vmem>> -> memref<125xi32, #tpu.memory_space<vmem>>
        %dma_start3A_194 = arith.constant 0 : i32
        %dma_start3A_195 = arith.constant 0 : i32
        %dma_start3A_196 = tpu.memref_slice %arg14[%dma_start3A_194, %dma_start3A_195] : memref<10000x64xf32, #tpu.memory_space<vmem_shared>> -> memref<10000x64xf32, #tpu.memory_space<vmem_shared>>
        tpu.enqueue_indirect_dma source(%arg13 : memref<125x64xf32, #tpu.memory_space<vmem>>) target(%dma_start3A_196 : memref<10000x64xf32, #tpu.memory_space<vmem_shared>>) offsets(%dma_start3A_193 : memref<125xi32, #tpu.memory_space<vmem>>) semaphore(%arg24 : memref<!tpu.dma_semaphore, #tpu.memory_space<semaphore_mem>>) {add = true}
      }
      %scan3A_40 = arith.constant 32 : i32
      %dma_wait3A = arith.constant 158 : i32
      %dma_wait3A_41 = arith.constant 0 : i32
      %dma_wait3A_42 = tpu.memref_slice %arg8[%dma_wait3A, %dma_wait3A_41] : memref<160x125xi32, #tpu.memory_space<vmem>> -> memref<1x125xi32, #tpu.memory_space<vmem>>
      %dma_wait3A_43 = tpu.memref_squeeze %dma_wait3A_42 : memref<1x125xi32, #tpu.memory_space<vmem>> -> memref<125xi32, #tpu.memory_space<vmem>>
      %dma_wait3A_44 = arith.constant 0 : i32
      %dma_wait3A_45 = arith.constant 0 : i32
      %dma_wait3A_46 = tpu.memref_slice %arg14[%dma_wait3A_44, %dma_wait3A_45] : memref<10000x64xf32, #tpu.memory_space<vmem_shared>> -> memref<10000x64xf32, #tpu.memory_space<vmem_shared>>
      tpu.wait_indirect_dma semaphore(%arg23 : memref<!tpu.dma_semaphore, #tpu.memory_space<semaphore_mem>>) src(%arg12 : memref<125x64xf32, #tpu.memory_space<vmem>>) dst(%dma_wait3A_46 : memref<10000x64xf32, #tpu.memory_space<vmem_shared>>)
      %dma_wait3A_47 = arith.constant 159 : i32
      %dma_wait3A_48 = arith.constant 0 : i32
      %dma_wait3A_49 = tpu.memref_slice %arg8[%dma_wait3A_47, %dma_wait3A_48] : memref<160x125xi32, #tpu.memory_space<vmem>> -> memref<1x125xi32, #tpu.memory_space<vmem>>
      %dma_wait3A_50 = tpu.memref_squeeze %dma_wait3A_49 : memref<1x125xi32, #tpu.memory_space<vmem>> -> memref<125xi32, #tpu.memory_space<vmem>>
      %dma_wait3A_51 = arith.constant 0 : i32
      %dma_wait3A_52 = arith.constant 0 : i32
      %dma_wait3A_53 = tpu.memref_slice %arg14[%dma_wait3A_51, %dma_wait3A_52] : memref<10000x64xf32, #tpu.memory_space<vmem_shared>> -> memref<10000x64xf32, #tpu.memory_space<vmem_shared>>
      tpu.wait_indirect_dma semaphore(%arg24 : memref<!tpu.dma_semaphore, #tpu.memory_space<semaphore_mem>>) src(%arg13 : memref<125x64xf32, #tpu.memory_space<vmem>>) dst(%dma_wait3A_53 : memref<10000x64xf32, #tpu.memory_space<vmem_shared>>)
    } else {
    }
    %eq3A_6 = arith.constant 1 : i32
    %eq3A_7 = arith.cmpi eq, %arg0, %eq3A_6 : i32
    %convert_element_type3A_8 = arith.extui %eq3A_7 : i1 to i32
    %cond3A_9 = arith.constant 0 : i32
    %cond3A_10 = arith.cmpi ne, %convert_element_type3A_8, %cond3A_9 : i32
    scf.if %cond3A_10 {
      %dma_start3A = arith.constant 0 : i32
      %dma_start3A_16 = arith.constant 0 : i32
      %dma_start3A_17 = tpu.memref_slice %arg7[%dma_start3A, %dma_start3A_16] : memref<160x125xi32, #tpu.memory_space<vmem>> -> memref<1x125xi32, #tpu.memory_space<vmem>>
      %dma_start3A_18 = tpu.memref_squeeze %dma_start3A_17 : memref<1x125xi32, #tpu.memory_space<vmem>> -> memref<125xi32, #tpu.memory_space<vmem>>
      %dma_start3A_19 = arith.constant 0 : i32
      %dma_start3A_20 = arith.constant 0 : i32
      %dma_start3A_21 = tpu.memref_slice %arg3[%dma_start3A_19, %dma_start3A_20] : memref<10000x64xf32, #tpu.memory_space<hbm>> -> memref<10000x64xf32, #tpu.memory_space<hbm>>
      tpu.enqueue_indirect_dma source(%dma_start3A_21 : memref<10000x64xf32, #tpu.memory_space<hbm>>) target(%arg9 : memref<125x64xf32, #tpu.memory_space<vmem>>) offsets(%dma_start3A_18 : memref<125xi32, #tpu.memory_space<vmem>>) semaphore(%arg15 : memref<!tpu.dma_semaphore, #tpu.memory_space<semaphore_mem>>)
      %dma_start3A_22 = arith.constant 1 : i32
      %dma_start3A_23 = arith.constant 0 : i32
      %dma_start3A_24 = tpu.memref_slice %arg7[%dma_start3A_22, %dma_start3A_23] : memref<160x125xi32, #tpu.memory_space<vmem>> -> memref<1x125xi32, #tpu.memory_space<vmem>>
      %dma_start3A_25 = tpu.memref_squeeze %dma_start3A_24 : memref<1x125xi32, #tpu.memory_space<vmem>> -> memref<125xi32, #tpu.memory_space<vmem>>
      %dma_start3A_26 = arith.constant 0 : i32
      %dma_start3A_27 = arith.constant 0 : i32
      %dma_start3A_28 = tpu.memref_slice %arg3[%dma_start3A_26, %dma_start3A_27] : memref<10000x64xf32, #tpu.memory_space<hbm>> -> memref<10000x64xf32, #tpu.memory_space<hbm>>
      tpu.enqueue_indirect_dma source(%dma_start3A_28 : memref<10000x64xf32, #tpu.memory_space<hbm>>) target(%arg10 : memref<125x64xf32, #tpu.memory_space<vmem>>) offsets(%dma_start3A_25 : memref<125xi32, #tpu.memory_space<vmem>>) semaphore(%arg16 : memref<!tpu.dma_semaphore, #tpu.memory_space<semaphore_mem>>)
      %dma_start3A_29 = arith.constant 2 : i32
      %dma_start3A_30 = arith.constant 0 : i32
      %dma_start3A_31 = tpu.memref_slice %arg7[%dma_start3A_29, %dma_start3A_30] : memref<160x125xi32, #tpu.memory_space<vmem>> -> memref<1x125xi32, #tpu.memory_space<vmem>>
      %dma_start3A_32 = tpu.memref_squeeze %dma_start3A_31 : memref<1x125xi32, #tpu.memory_space<vmem>> -> memref<125xi32, #tpu.memory_space<vmem>>
      %dma_start3A_33 = arith.constant 0 : i32
      %dma_start3A_34 = arith.constant 0 : i32
      %dma_start3A_35 = tpu.memref_slice %arg3[%dma_start3A_33, %dma_start3A_34] : memref<10000x64xf32, #tpu.memory_space<hbm>> -> memref<10000x64xf32, #tpu.memory_space<hbm>>
      tpu.enqueue_indirect_dma source(%dma_start3A_35 : memref<10000x64xf32, #tpu.memory_space<hbm>>) target(%arg11 : memref<125x64xf32, #tpu.memory_space<vmem>>) offsets(%dma_start3A_32 : memref<125xi32, #tpu.memory_space<vmem>>) semaphore(%arg17 : memref<!tpu.dma_semaphore, #tpu.memory_space<semaphore_mem>>)
      %scan3A = arith.constant 0 : i32
      %scan3A_36 = arith.constant 0 : i32
      %scan3A_37 = arith.constant 32 : i32
      %scan3A_38 = arith.addi %scan3A_36, %scan3A_37 : i32
      %scan3A_39 = arith.constant 1 : i32
      scf.for %scan3A_54 = %scan3A_36 to %scan3A_38 step %scan3A_39  : i32 {
        %mul3A_55 = arith.constant 5 : i32
        %mul3A_56 = arith.muli %scan3A_54, %mul3A_55 : i32
        %add3A_57 = arith.constant 0 : i32
        %add3A_58 = arith.addi %mul3A_56, %add3A_57 : i32
        %gt3A = arith.constant 0 : i32
        %gt3A_59 = arith.cmpi sgt, %scan3A_54, %gt3A : i32
        %convert_element_type3A_60 = arith.extui %gt3A_59 : i1 to i32
        %cond3A_61 = arith.constant 0 : i32
        %cond3A_62 = arith.cmpi ne, %convert_element_type3A_60, %cond3A_61 : i32
        scf.if %cond3A_62 {
          %sub3A_197 = arith.constant 2 : i32
          %sub3A_198 = arith.subi %add3A_58, %sub3A_197 : i32
          %dma_wait3A_199 = arith.constant 0 : i32
          %dma_wait3A_200 = tpu.memref_slice %arg8[%sub3A_198, %dma_wait3A_199] : memref<160x125xi32, #tpu.memory_space<vmem>> -> memref<1x125xi32, #tpu.memory_space<vmem>>
          %dma_wait3A_201 = tpu.memref_squeeze %dma_wait3A_200 : memref<1x125xi32, #tpu.memory_space<vmem>> -> memref<125xi32, #tpu.memory_space<vmem>>
          %dma_wait3A_202 = arith.constant 0 : i32
          %dma_wait3A_203 = arith.constant 0 : i32
          %dma_wait3A_204 = tpu.memref_slice %arg14[%dma_wait3A_202, %dma_wait3A_203] : memref<10000x64xf32, #tpu.memory_space<vmem_shared>> -> memref<10000x64xf32, #tpu.memory_space<vmem_shared>>
          tpu.wait_indirect_dma semaphore(%arg23 : memref<!tpu.dma_semaphore, #tpu.memory_space<semaphore_mem>>) src(%arg12 : memref<125x64xf32, #tpu.memory_space<vmem>>) dst(%dma_wait3A_204 : memref<10000x64xf32, #tpu.memory_space<vmem_shared>>)
        } else {
        }
        %add3A_63 = arith.constant 3 : i32
        %add3A_64 = arith.addi %add3A_58, %add3A_63 : i32
        %dma_start3A_65 = arith.constant 0 : i32
        %dma_start3A_66 = tpu.memref_slice %arg7[%add3A_64, %dma_start3A_65] : memref<160x125xi32, #tpu.memory_space<vmem>> -> memref<1x125xi32, #tpu.memory_space<vmem>>
        %dma_start3A_67 = tpu.memref_squeeze %dma_start3A_66 : memref<1x125xi32, #tpu.memory_space<vmem>> -> memref<125xi32, #tpu.memory_space<vmem>>
        %dma_start3A_68 = arith.constant 0 : i32
        %dma_start3A_69 = arith.constant 0 : i32
        %dma_start3A_70 = tpu.memref_slice %arg3[%dma_start3A_68, %dma_start3A_69] : memref<10000x64xf32, #tpu.memory_space<hbm>> -> memref<10000x64xf32, #tpu.memory_space<hbm>>
        tpu.enqueue_indirect_dma source(%dma_start3A_70 : memref<10000x64xf32, #tpu.memory_space<hbm>>) target(%arg12 : memref<125x64xf32, #tpu.memory_space<vmem>>) offsets(%dma_start3A_67 : memref<125xi32, #tpu.memory_space<vmem>>) semaphore(%arg18 : memref<!tpu.dma_semaphore, #tpu.memory_space<semaphore_mem>>)
        %dma_wait3A_71 = arith.constant 0 : i32
        %dma_wait3A_72 = tpu.memref_slice %arg7[%add3A_58, %dma_wait3A_71] : memref<160x125xi32, #tpu.memory_space<vmem>> -> memref<1x125xi32, #tpu.memory_space<vmem>>
        %dma_wait3A_73 = tpu.memref_squeeze %dma_wait3A_72 : memref<1x125xi32, #tpu.memory_space<vmem>> -> memref<125xi32, #tpu.memory_space<vmem>>
        %dma_wait3A_74 = arith.constant 0 : i32
        %dma_wait3A_75 = arith.constant 0 : i32
        %dma_wait3A_76 = tpu.memref_slice %arg3[%dma_wait3A_74, %dma_wait3A_75] : memref<10000x64xf32, #tpu.memory_space<hbm>> -> memref<10000x64xf32, #tpu.memory_space<hbm>>
        tpu.wait_indirect_dma semaphore(%arg15 : memref<!tpu.dma_semaphore, #tpu.memory_space<semaphore_mem>>) src(%dma_wait3A_76 : memref<10000x64xf32, #tpu.memory_space<hbm>>) dst(%arg9 : memref<125x64xf32, #tpu.memory_space<vmem>>)
        %dma_start3A_77 = arith.constant 0 : i32
        %dma_start3A_78 = tpu.memref_slice %arg8[%add3A_58, %dma_start3A_77] : memref<160x125xi32, #tpu.memory_space<vmem>> -> memref<1x125xi32, #tpu.memory_space<vmem>>
        %dma_start3A_79 = tpu.memref_squeeze %dma_start3A_78 : memref<1x125xi32, #tpu.memory_space<vmem>> -> memref<125xi32, #tpu.memory_space<vmem>>
        %dma_start3A_80 = arith.constant 0 : i32
        %dma_start3A_81 = arith.constant 0 : i32
        %dma_start3A_82 = tpu.memref_slice %arg14[%dma_start3A_80, %dma_start3A_81] : memref<10000x64xf32, #tpu.memory_space<vmem_shared>> -> memref<10000x64xf32, #tpu.memory_space<vmem_shared>>
        tpu.enqueue_indirect_dma source(%arg9 : memref<125x64xf32, #tpu.memory_space<vmem>>) target(%dma_start3A_82 : memref<10000x64xf32, #tpu.memory_space<vmem_shared>>) offsets(%dma_start3A_79 : memref<125xi32, #tpu.memory_space<vmem>>) semaphore(%arg20 : memref<!tpu.dma_semaphore, #tpu.memory_space<semaphore_mem>>) {add = true}
        %mul3A_83 = arith.constant 5 : i32
        %mul3A_84 = arith.muli %scan3A_54, %mul3A_83 : i32
        %add3A_85 = arith.constant 1 : i32
        %add3A_86 = arith.addi %mul3A_84, %add3A_85 : i32
        %gt3A_87 = arith.constant 0 : i32
        %gt3A_88 = arith.cmpi sgt, %scan3A_54, %gt3A_87 : i32
        %convert_element_type3A_89 = arith.extui %gt3A_88 : i1 to i32
        %cond3A_90 = arith.constant 0 : i32
        %cond3A_91 = arith.cmpi ne, %convert_element_type3A_89, %cond3A_90 : i32
        scf.if %cond3A_91 {
          %sub3A_197 = arith.constant 2 : i32
          %sub3A_198 = arith.subi %add3A_86, %sub3A_197 : i32
          %dma_wait3A_199 = arith.constant 0 : i32
          %dma_wait3A_200 = tpu.memref_slice %arg8[%sub3A_198, %dma_wait3A_199] : memref<160x125xi32, #tpu.memory_space<vmem>> -> memref<1x125xi32, #tpu.memory_space<vmem>>
          %dma_wait3A_201 = tpu.memref_squeeze %dma_wait3A_200 : memref<1x125xi32, #tpu.memory_space<vmem>> -> memref<125xi32, #tpu.memory_space<vmem>>
          %dma_wait3A_202 = arith.constant 0 : i32
          %dma_wait3A_203 = arith.constant 0 : i32
          %dma_wait3A_204 = tpu.memref_slice %arg14[%dma_wait3A_202, %dma_wait3A_203] : memref<10000x64xf32, #tpu.memory_space<vmem_shared>> -> memref<10000x64xf32, #tpu.memory_space<vmem_shared>>
          tpu.wait_indirect_dma semaphore(%arg24 : memref<!tpu.dma_semaphore, #tpu.memory_space<semaphore_mem>>) src(%arg13 : memref<125x64xf32, #tpu.memory_space<vmem>>) dst(%dma_wait3A_204 : memref<10000x64xf32, #tpu.memory_space<vmem_shared>>)
        } else {
        }
        %add3A_92 = arith.constant 3 : i32
        %add3A_93 = arith.addi %add3A_86, %add3A_92 : i32
        %dma_start3A_94 = arith.constant 0 : i32
        %dma_start3A_95 = tpu.memref_slice %arg7[%add3A_93, %dma_start3A_94] : memref<160x125xi32, #tpu.memory_space<vmem>> -> memref<1x125xi32, #tpu.memory_space<vmem>>
        %dma_start3A_96 = tpu.memref_squeeze %dma_start3A_95 : memref<1x125xi32, #tpu.memory_space<vmem>> -> memref<125xi32, #tpu.memory_space<vmem>>
        %dma_start3A_97 = arith.constant 0 : i32
        %dma_start3A_98 = arith.constant 0 : i32
        %dma_start3A_99 = tpu.memref_slice %arg3[%dma_start3A_97, %dma_start3A_98] : memref<10000x64xf32, #tpu.memory_space<hbm>> -> memref<10000x64xf32, #tpu.memory_space<hbm>>
        tpu.enqueue_indirect_dma source(%dma_start3A_99 : memref<10000x64xf32, #tpu.memory_space<hbm>>) target(%arg13 : memref<125x64xf32, #tpu.memory_space<vmem>>) offsets(%dma_start3A_96 : memref<125xi32, #tpu.memory_space<vmem>>) semaphore(%arg19 : memref<!tpu.dma_semaphore, #tpu.memory_space<semaphore_mem>>)
        %dma_wait3A_100 = arith.constant 0 : i32
        %dma_wait3A_101 = tpu.memref_slice %arg7[%add3A_86, %dma_wait3A_100] : memref<160x125xi32, #tpu.memory_space<vmem>> -> memref<1x125xi32, #tpu.memory_space<vmem>>
        %dma_wait3A_102 = tpu.memref_squeeze %dma_wait3A_101 : memref<1x125xi32, #tpu.memory_space<vmem>> -> memref<125xi32, #tpu.memory_space<vmem>>
        %dma_wait3A_103 = arith.constant 0 : i32
        %dma_wait3A_104 = arith.constant 0 : i32
        %dma_wait3A_105 = tpu.memref_slice %arg3[%dma_wait3A_103, %dma_wait3A_104] : memref<10000x64xf32, #tpu.memory_space<hbm>> -> memref<10000x64xf32, #tpu.memory_space<hbm>>
        tpu.wait_indirect_dma semaphore(%arg16 : memref<!tpu.dma_semaphore, #tpu.memory_space<semaphore_mem>>) src(%dma_wait3A_105 : memref<10000x64xf32, #tpu.memory_space<hbm>>) dst(%arg10 : memref<125x64xf32, #tpu.memory_space<vmem>>)
        %dma_start3A_106 = arith.constant 0 : i32
        %dma_start3A_107 = tpu.memref_slice %arg8[%add3A_86, %dma_start3A_106] : memref<160x125xi32, #tpu.memory_space<vmem>> -> memref<1x125xi32, #tpu.memory_space<vmem>>
        %dma_start3A_108 = tpu.memref_squeeze %dma_start3A_107 : memref<1x125xi32, #tpu.memory_space<vmem>> -> memref<125xi32, #tpu.memory_space<vmem>>
        %dma_start3A_109 = arith.constant 0 : i32
        %dma_start3A_110 = arith.constant 0 : i32
        %dma_start3A_111 = tpu.memref_slice %arg14[%dma_start3A_109, %dma_start3A_110] : memref<10000x64xf32, #tpu.memory_space<vmem_shared>> -> memref<10000x64xf32, #tpu.memory_space<vmem_shared>>
        tpu.enqueue_indirect_dma source(%arg10 : memref<125x64xf32, #tpu.memory_space<vmem>>) target(%dma_start3A_111 : memref<10000x64xf32, #tpu.memory_space<vmem_shared>>) offsets(%dma_start3A_108 : memref<125xi32, #tpu.memory_space<vmem>>) semaphore(%arg21 : memref<!tpu.dma_semaphore, #tpu.memory_space<semaphore_mem>>) {add = true}
        %mul3A_112 = arith.constant 5 : i32
        %mul3A_113 = arith.muli %scan3A_54, %mul3A_112 : i32
        %add3A_114 = arith.constant 2 : i32
        %add3A_115 = arith.addi %mul3A_113, %add3A_114 : i32
        %sub3A = arith.constant 2 : i32
        %sub3A_116 = arith.subi %add3A_115, %sub3A : i32
        %dma_wait3A_117 = arith.constant 0 : i32
        %dma_wait3A_118 = tpu.memref_slice %arg8[%sub3A_116, %dma_wait3A_117] : memref<160x125xi32, #tpu.memory_space<vmem>> -> memref<1x125xi32, #tpu.memory_space<vmem>>
        %dma_wait3A_119 = tpu.memref_squeeze %dma_wait3A_118 : memref<1x125xi32, #tpu.memory_space<vmem>> -> memref<125xi32, #tpu.memory_space<vmem>>
        %dma_wait3A_120 = arith.constant 0 : i32
        %dma_wait3A_121 = arith.constant 0 : i32
        %dma_wait3A_122 = tpu.memref_slice %arg14[%dma_wait3A_120, %dma_wait3A_121] : memref<10000x64xf32, #tpu.memory_space<vmem_shared>> -> memref<10000x64xf32, #tpu.memory_space<vmem_shared>>
        tpu.wait_indirect_dma semaphore(%arg20 : memref<!tpu.dma_semaphore, #tpu.memory_space<semaphore_mem>>) src(%arg9 : memref<125x64xf32, #tpu.memory_space<vmem>>) dst(%dma_wait3A_122 : memref<10000x64xf32, #tpu.memory_space<vmem_shared>>)
        %lt3A = arith.constant 31 : i32
        %lt3A_123 = arith.cmpi slt, %scan3A_54, %lt3A : i32
        %convert_element_type3A_124 = arith.extui %lt3A_123 : i1 to i32
        %cond3A_125 = arith.constant 0 : i32
        %cond3A_126 = arith.cmpi ne, %convert_element_type3A_124, %cond3A_125 : i32
        scf.if %cond3A_126 {
          %add3A_197 = arith.constant 3 : i32
          %add3A_198 = arith.addi %add3A_115, %add3A_197 : i32
          %dma_start3A_199 = arith.constant 0 : i32
          %dma_start3A_200 = tpu.memref_slice %arg7[%add3A_198, %dma_start3A_199] : memref<160x125xi32, #tpu.memory_space<vmem>> -> memref<1x125xi32, #tpu.memory_space<vmem>>
          %dma_start3A_201 = tpu.memref_squeeze %dma_start3A_200 : memref<1x125xi32, #tpu.memory_space<vmem>> -> memref<125xi32, #tpu.memory_space<vmem>>
          %dma_start3A_202 = arith.constant 0 : i32
          %dma_start3A_203 = arith.constant 0 : i32
          %dma_start3A_204 = tpu.memref_slice %arg3[%dma_start3A_202, %dma_start3A_203] : memref<10000x64xf32, #tpu.memory_space<hbm>> -> memref<10000x64xf32, #tpu.memory_space<hbm>>
          tpu.enqueue_indirect_dma source(%dma_start3A_204 : memref<10000x64xf32, #tpu.memory_space<hbm>>) target(%arg9 : memref<125x64xf32, #tpu.memory_space<vmem>>) offsets(%dma_start3A_201 : memref<125xi32, #tpu.memory_space<vmem>>) semaphore(%arg15 : memref<!tpu.dma_semaphore, #tpu.memory_space<semaphore_mem>>)
        } else {
        }
        %dma_wait3A_127 = arith.constant 0 : i32
        %dma_wait3A_128 = tpu.memref_slice %arg7[%add3A_115, %dma_wait3A_127] : memref<160x125xi32, #tpu.memory_space<vmem>> -> memref<1x125xi32, #tpu.memory_space<vmem>>
        %dma_wait3A_129 = tpu.memref_squeeze %dma_wait3A_128 : memref<1x125xi32, #tpu.memory_space<vmem>> -> memref<125xi32, #tpu.memory_space<vmem>>
        %dma_wait3A_130 = arith.constant 0 : i32
        %dma_wait3A_131 = arith.constant 0 : i32
        %dma_wait3A_132 = tpu.memref_slice %arg3[%dma_wait3A_130, %dma_wait3A_131] : memref<10000x64xf32, #tpu.memory_space<hbm>> -> memref<10000x64xf32, #tpu.memory_space<hbm>>
        tpu.wait_indirect_dma semaphore(%arg17 : memref<!tpu.dma_semaphore, #tpu.memory_space<semaphore_mem>>) src(%dma_wait3A_132 : memref<10000x64xf32, #tpu.memory_space<hbm>>) dst(%arg11 : memref<125x64xf32, #tpu.memory_space<vmem>>)
        %dma_start3A_133 = arith.constant 0 : i32
        %dma_start3A_134 = tpu.memref_slice %arg8[%add3A_115, %dma_start3A_133] : memref<160x125xi32, #tpu.memory_space<vmem>> -> memref<1x125xi32, #tpu.memory_space<vmem>>
        %dma_start3A_135 = tpu.memref_squeeze %dma_start3A_134 : memref<1x125xi32, #tpu.memory_space<vmem>> -> memref<125xi32, #tpu.memory_space<vmem>>
        %dma_start3A_136 = arith.constant 0 : i32
        %dma_start3A_137 = arith.constant 0 : i32
        %dma_start3A_138 = tpu.memref_slice %arg14[%dma_start3A_136, %dma_start3A_137] : memref<10000x64xf32, #tpu.memory_space<vmem_shared>> -> memref<10000x64xf32, #tpu.memory_space<vmem_shared>>
        tpu.enqueue_indirect_dma source(%arg11 : memref<125x64xf32, #tpu.memory_space<vmem>>) target(%dma_start3A_138 : memref<10000x64xf32, #tpu.memory_space<vmem_shared>>) offsets(%dma_start3A_135 : memref<125xi32, #tpu.memory_space<vmem>>) semaphore(%arg22 : memref<!tpu.dma_semaphore, #tpu.memory_space<semaphore_mem>>) {add = true}
        %mul3A_139 = arith.constant 5 : i32
        %mul3A_140 = arith.muli %scan3A_54, %mul3A_139 : i32
        %add3A_141 = arith.constant 3 : i32
        %add3A_142 = arith.addi %mul3A_140, %add3A_141 : i32
        %sub3A_143 = arith.constant 2 : i32
        %sub3A_144 = arith.subi %add3A_142, %sub3A_143 : i32
        %dma_wait3A_145 = arith.constant 0 : i32
        %dma_wait3A_146 = tpu.memref_slice %arg8[%sub3A_144, %dma_wait3A_145] : memref<160x125xi32, #tpu.memory_space<vmem>> -> memref<1x125xi32, #tpu.memory_space<vmem>>
        %dma_wait3A_147 = tpu.memref_squeeze %dma_wait3A_146 : memref<1x125xi32, #tpu.memory_space<vmem>> -> memref<125xi32, #tpu.memory_space<vmem>>
        %dma_wait3A_148 = arith.constant 0 : i32
        %dma_wait3A_149 = arith.constant 0 : i32
        %dma_wait3A_150 = tpu.memref_slice %arg14[%dma_wait3A_148, %dma_wait3A_149] : memref<10000x64xf32, #tpu.memory_space<vmem_shared>> -> memref<10000x64xf32, #tpu.memory_space<vmem_shared>>
        tpu.wait_indirect_dma semaphore(%arg21 : memref<!tpu.dma_semaphore, #tpu.memory_space<semaphore_mem>>) src(%arg10 : memref<125x64xf32, #tpu.memory_space<vmem>>) dst(%dma_wait3A_150 : memref<10000x64xf32, #tpu.memory_space<vmem_shared>>)
        %lt3A_151 = arith.constant 31 : i32
        %lt3A_152 = arith.cmpi slt, %scan3A_54, %lt3A_151 : i32
        %convert_element_type3A_153 = arith.extui %lt3A_152 : i1 to i32
        %cond3A_154 = arith.constant 0 : i32
        %cond3A_155 = arith.cmpi ne, %convert_element_type3A_153, %cond3A_154 : i32
        scf.if %cond3A_155 {
          %add3A_197 = arith.constant 3 : i32
          %add3A_198 = arith.addi %add3A_142, %add3A_197 : i32
          %dma_start3A_199 = arith.constant 0 : i32
          %dma_start3A_200 = tpu.memref_slice %arg7[%add3A_198, %dma_start3A_199] : memref<160x125xi32, #tpu.memory_space<vmem>> -> memref<1x125xi32, #tpu.memory_space<vmem>>
          %dma_start3A_201 = tpu.memref_squeeze %dma_start3A_200 : memref<1x125xi32, #tpu.memory_space<vmem>> -> memref<125xi32, #tpu.memory_space<vmem>>
          %dma_start3A_202 = arith.constant 0 : i32
          %dma_start3A_203 = arith.constant 0 : i32
          %dma_start3A_204 = tpu.memref_slice %arg3[%dma_start3A_202, %dma_start3A_203] : memref<10000x64xf32, #tpu.memory_space<hbm>> -> memref<10000x64xf32, #tpu.memory_space<hbm>>
          tpu.enqueue_indirect_dma source(%dma_start3A_204 : memref<10000x64xf32, #tpu.memory_space<hbm>>) target(%arg10 : memref<125x64xf32, #tpu.memory_space<vmem>>) offsets(%dma_start3A_201 : memref<125xi32, #tpu.memory_space<vmem>>) semaphore(%arg16 : memref<!tpu.dma_semaphore, #tpu.memory_space<semaphore_mem>>)
        } else {
        }
        %dma_wait3A_156 = arith.constant 0 : i32
        %dma_wait3A_157 = tpu.memref_slice %arg7[%add3A_142, %dma_wait3A_156] : memref<160x125xi32, #tpu.memory_space<vmem>> -> memref<1x125xi32, #tpu.memory_space<vmem>>
        %dma_wait3A_158 = tpu.memref_squeeze %dma_wait3A_157 : memref<1x125xi32, #tpu.memory_space<vmem>> -> memref<125xi32, #tpu.memory_space<vmem>>
        %dma_wait3A_159 = arith.constant 0 : i32
        %dma_wait3A_160 = arith.constant 0 : i32
        %dma_wait3A_161 = tpu.memref_slice %arg3[%dma_wait3A_159, %dma_wait3A_160] : memref<10000x64xf32, #tpu.memory_space<hbm>> -> memref<10000x64xf32, #tpu.memory_space<hbm>>
        tpu.wait_indirect_dma semaphore(%arg18 : memref<!tpu.dma_semaphore, #tpu.memory_space<semaphore_mem>>) src(%dma_wait3A_161 : memref<10000x64xf32, #tpu.memory_space<hbm>>) dst(%arg12 : memref<125x64xf32, #tpu.memory_space<vmem>>)
        %dma_start3A_162 = arith.constant 0 : i32
        %dma_start3A_163 = tpu.memref_slice %arg8[%add3A_142, %dma_start3A_162] : memref<160x125xi32, #tpu.memory_space<vmem>> -> memref<1x125xi32, #tpu.memory_space<vmem>>
        %dma_start3A_164 = tpu.memref_squeeze %dma_start3A_163 : memref<1x125xi32, #tpu.memory_space<vmem>> -> memref<125xi32, #tpu.memory_space<vmem>>
        %dma_start3A_165 = arith.constant 0 : i32
        %dma_start3A_166 = arith.constant 0 : i32
        %dma_start3A_167 = tpu.memref_slice %arg14[%dma_start3A_165, %dma_start3A_166] : memref<10000x64xf32, #tpu.memory_space<vmem_shared>> -> memref<10000x64xf32, #tpu.memory_space<vmem_shared>>
        tpu.enqueue_indirect_dma source(%arg12 : memref<125x64xf32, #tpu.memory_space<vmem>>) target(%dma_start3A_167 : memref<10000x64xf32, #tpu.memory_space<vmem_shared>>) offsets(%dma_start3A_164 : memref<125xi32, #tpu.memory_space<vmem>>) semaphore(%arg23 : memref<!tpu.dma_semaphore, #tpu.memory_space<semaphore_mem>>) {add = true}
        %mul3A_168 = arith.constant 5 : i32
        %mul3A_169 = arith.muli %scan3A_54, %mul3A_168 : i32
        %add3A_170 = arith.constant 4 : i32
        %add3A_171 = arith.addi %mul3A_169, %add3A_170 : i32
        %sub3A_172 = arith.constant 2 : i32
        %sub3A_173 = arith.subi %add3A_171, %sub3A_172 : i32
        %dma_wait3A_174 = arith.constant 0 : i32
        %dma_wait3A_175 = tpu.memref_slice %arg8[%sub3A_173, %dma_wait3A_174] : memref<160x125xi32, #tpu.memory_space<vmem>> -> memref<1x125xi32, #tpu.memory_space<vmem>>
        %dma_wait3A_176 = tpu.memref_squeeze %dma_wait3A_175 : memref<1x125xi32, #tpu.memory_space<vmem>> -> memref<125xi32, #tpu.memory_space<vmem>>
        %dma_wait3A_177 = arith.constant 0 : i32
        %dma_wait3A_178 = arith.constant 0 : i32
        %dma_wait3A_179 = tpu.memref_slice %arg14[%dma_wait3A_177, %dma_wait3A_178] : memref<10000x64xf32, #tpu.memory_space<vmem_shared>> -> memref<10000x64xf32, #tpu.memory_space<vmem_shared>>
        tpu.wait_indirect_dma semaphore(%arg22 : memref<!tpu.dma_semaphore, #tpu.memory_space<semaphore_mem>>) src(%arg11 : memref<125x64xf32, #tpu.memory_space<vmem>>) dst(%dma_wait3A_179 : memref<10000x64xf32, #tpu.memory_space<vmem_shared>>)
        %lt3A_180 = arith.constant 31 : i32
        %lt3A_181 = arith.cmpi slt, %scan3A_54, %lt3A_180 : i32
        %convert_element_type3A_182 = arith.extui %lt3A_181 : i1 to i32
        %cond3A_183 = arith.constant 0 : i32
        %cond3A_184 = arith.cmpi ne, %convert_element_type3A_182, %cond3A_183 : i32
        scf.if %cond3A_184 {
          %add3A_197 = arith.constant 3 : i32
          %add3A_198 = arith.addi %add3A_171, %add3A_197 : i32
          %dma_start3A_199 = arith.constant 0 : i32
          %dma_start3A_200 = tpu.memref_slice %arg7[%add3A_198, %dma_start3A_199] : memref<160x125xi32, #tpu.memory_space<vmem>> -> memref<1x125xi32, #tpu.memory_space<vmem>>
          %dma_start3A_201 = tpu.memref_squeeze %dma_start3A_200 : memref<1x125xi32, #tpu.memory_space<vmem>> -> memref<125xi32, #tpu.memory_space<vmem>>
          %dma_start3A_202 = arith.constant 0 : i32
          %dma_start3A_203 = arith.constant 0 : i32
          %dma_start3A_204 = tpu.memref_slice %arg3[%dma_start3A_202, %dma_start3A_203] : memref<10000x64xf32, #tpu.memory_space<hbm>> -> memref<10000x64xf32, #tpu.memory_space<hbm>>
          tpu.enqueue_indirect_dma source(%dma_start3A_204 : memref<10000x64xf32, #tpu.memory_space<hbm>>) target(%arg11 : memref<125x64xf32, #tpu.memory_space<vmem>>) offsets(%dma_start3A_201 : memref<125xi32, #tpu.memory_space<vmem>>) semaphore(%arg17 : memref<!tpu.dma_semaphore, #tpu.memory_space<semaphore_mem>>)
        } else {
        }
        %dma_wait3A_185 = arith.constant 0 : i32
        %dma_wait3A_186 = tpu.memref_slice %arg7[%add3A_171, %dma_wait3A_185] : memref<160x125xi32, #tpu.memory_space<vmem>> -> memref<1x125xi32, #tpu.memory_space<vmem>>
        %dma_wait3A_187 = tpu.memref_squeeze %dma_wait3A_186 : memref<1x125xi32, #tpu.memory_space<vmem>> -> memref<125xi32, #tpu.memory_space<vmem>>
        %dma_wait3A_188 = arith.constant 0 : i32
        %dma_wait3A_189 = arith.constant 0 : i32
        %dma_wait3A_190 = tpu.memref_slice %arg3[%dma_wait3A_188, %dma_wait3A_189] : memref<10000x64xf32, #tpu.memory_space<hbm>> -> memref<10000x64xf32, #tpu.memory_space<hbm>>
        tpu.wait_indirect_dma semaphore(%arg19 : memref<!tpu.dma_semaphore, #tpu.memory_space<semaphore_mem>>) src(%dma_wait3A_190 : memref<10000x64xf32, #tpu.memory_space<hbm>>) dst(%arg13 : memref<125x64xf32, #tpu.memory_space<vmem>>)
        %dma_start3A_191 = arith.constant 0 : i32
        %dma_start3A_192 = tpu.memref_slice %arg8[%add3A_171, %dma_start3A_191] : memref<160x125xi32, #tpu.memory_space<vmem>> -> memref<1x125xi32, #tpu.memory_space<vmem>>
        %dma_start3A_193 = tpu.memref_squeeze %dma_start3A_192 : memref<1x125xi32, #tpu.memory_space<vmem>> -> memref<125xi32, #tpu.memory_space<vmem>>
        %dma_start3A_194 = arith.constant 0 : i32
        %dma_start3A_195 = arith.constant 0 : i32
        %dma_start3A_196 = tpu.memref_slice %arg14[%dma_start3A_194, %dma_start3A_195] : memref<10000x64xf32, #tpu.memory_space<vmem_shared>> -> memref<10000x64xf32, #tpu.memory_space<vmem_shared>>
        tpu.enqueue_indirect_dma source(%arg13 : memref<125x64xf32, #tpu.memory_space<vmem>>) target(%dma_start3A_196 : memref<10000x64xf32, #tpu.memory_space<vmem_shared>>) offsets(%dma_start3A_193 : memref<125xi32, #tpu.memory_space<vmem>>) semaphore(%arg24 : memref<!tpu.dma_semaphore, #tpu.memory_space<semaphore_mem>>) {add = true}
      }
      %scan3A_40 = arith.constant 32 : i32
      %dma_wait3A = arith.constant 158 : i32
      %dma_wait3A_41 = arith.constant 0 : i32
      %dma_wait3A_42 = tpu.memref_slice %arg8[%dma_wait3A, %dma_wait3A_41] : memref<160x125xi32, #tpu.memory_space<vmem>> -> memref<1x125xi32, #tpu.memory_space<vmem>>
      %dma_wait3A_43 = tpu.memref_squeeze %dma_wait3A_42 : memref<1x125xi32, #tpu.memory_space<vmem>> -> memref<125xi32, #tpu.memory_space<vmem>>
      %dma_wait3A_44 = arith.constant 0 : i32
      %dma_wait3A_45 = arith.constant 0 : i32
      %dma_wait3A_46 = tpu.memref_slice %arg14[%dma_wait3A_44, %dma_wait3A_45] : memref<10000x64xf32, #tpu.memory_space<vmem_shared>> -> memref<10000x64xf32, #tpu.memory_space<vmem_shared>>
      tpu.wait_indirect_dma semaphore(%arg23 : memref<!tpu.dma_semaphore, #tpu.memory_space<semaphore_mem>>) src(%arg12 : memref<125x64xf32, #tpu.memory_space<vmem>>) dst(%dma_wait3A_46 : memref<10000x64xf32, #tpu.memory_space<vmem_shared>>)
      %dma_wait3A_47 = arith.constant 159 : i32
      %dma_wait3A_48 = arith.constant 0 : i32
      %dma_wait3A_49 = tpu.memref_slice %arg8[%dma_wait3A_47, %dma_wait3A_48] : memref<160x125xi32, #tpu.memory_space<vmem>> -> memref<1x125xi32, #tpu.memory_space<vmem>>
      %dma_wait3A_50 = tpu.memref_squeeze %dma_wait3A_49 : memref<1x125xi32, #tpu.memory_space<vmem>> -> memref<125xi32, #tpu.memory_space<vmem>>
      %dma_wait3A_51 = arith.constant 0 : i32
      %dma_wait3A_52 = arith.constant 0 : i32
      %dma_wait3A_53 = tpu.memref_slice %arg14[%dma_wait3A_51, %dma_wait3A_52] : memref<10000x64xf32, #tpu.memory_space<vmem_shared>> -> memref<10000x64xf32, #tpu.memory_space<vmem_shared>>
      tpu.wait_indirect_dma semaphore(%arg24 : memref<!tpu.dma_semaphore, #tpu.memory_space<semaphore_mem>>) src(%arg13 : memref<125x64xf32, #tpu.memory_space<vmem>>) dst(%dma_wait3A_53 : memref<10000x64xf32, #tpu.memory_space<vmem_shared>>)
    } else {
    }
    %barrier3A_11 = arith.constant 0 : index
    tpu.barrier barrier_id(%barrier3A_11)
    %mul3A_12 = arith.constant 625 : i32
    %mul3A_13 = arith.muli %arg1, %mul3A_12 : i32
    %mul3A_14 = arith.constant 625 : i32
    %mul3A_15 = arith.muli %arg1, %mul3A_14 : i32
    "tpu.region"() ({
      %run_scoped3A = tpu.sem_alloc : memref<!tpu.dma_semaphore, #tpu.memory_space<semaphore_mem>>
      %dma_start3A = arith.constant 0 : i32
      %dma_start3A_16 = tpu.memref_slice %arg6[%arg0, %mul3A_15, %dma_start3A] : memref<2x10000x64xf32, #tpu.memory_space<hbm>> -> memref<1x625x64xf32, #tpu.memory_space<hbm>>
      %dma_start3A_17 = tpu.memref_squeeze %dma_start3A_16 : memref<1x625x64xf32, #tpu.memory_space<hbm>> -> memref<625x64xf32, #tpu.memory_space<hbm>>
      %dma_start3A_18 = arith.constant 0 : i32
      %dma_start3A_19 = tpu.memref_slice %arg14[%mul3A_13, %dma_start3A_18] : memref<10000x64xf32, #tpu.memory_space<vmem_shared>> -> memref<625x64xf32, #tpu.memory_space<vmem_shared>>
      tpu.enqueue_dma source(%dma_start3A_19 : memref<625x64xf32, #tpu.memory_space<vmem_shared>>) target(%dma_start3A_17 : memref<625x64xf32, #tpu.memory_space<hbm>>) target_semaphore(%run_scoped3A : memref<!tpu.dma_semaphore, #tpu.memory_space<semaphore_mem>>)
      %dma_wait3A = arith.constant 0 : i32
      %dma_wait3A_20 = tpu.memref_slice %arg6[%arg0, %mul3A_15, %dma_wait3A] : memref<2x10000x64xf32, #tpu.memory_space<hbm>> -> memref<1x625x64xf32, #tpu.memory_space<hbm>>
      %dma_wait3A_21 = tpu.memref_squeeze %dma_wait3A_20 : memref<1x625x64xf32, #tpu.memory_space<hbm>> -> memref<625x64xf32, #tpu.memory_space<hbm>>
      %dma_wait3A_22 = arith.constant 0 : i32
      %dma_wait3A_23 = tpu.memref_slice %arg14[%mul3A_13, %dma_wait3A_22] : memref<10000x64xf32, #tpu.memory_space<vmem_shared>> -> memref<625x64xf32, #tpu.memory_space<vmem_shared>>
      tpu.wait_dma2 semaphore(%run_scoped3A : memref<!tpu.dma_semaphore, #tpu.memory_space<semaphore_mem>>) src(%dma_wait3A_23 : memref<625x64xf32, #tpu.memory_space<vmem_shared>>) dst(%dma_wait3A_21 : memref<625x64xf32, #tpu.memory_space<hbm>>)
      tpu.yield
    }) : () -> ()
    return
  }
}

#map = affine_map<(d0, d1) -> (0, 0)>
#map1 = affine_map<(d0, d1) -> (0)>
module attributes {stable_mosaic.version = 14 : i64} {
  func.func @_sc_degree_body(%arg0: i32, %arg1: i32, %arg2: memref<5120x125xi32, #tpu.memory_space<hbm>>, %arg3: memref<125xf32, #tpu.memory_space<hbm>>, %arg4: memref<10240xf32, #tpu.memory_space<hbm>>, %arg5: memref<20480xf32, #tpu.memory_space<hbm>>, %arg6: memref<80x125xi32, #tpu.memory_space<vmem>>, %arg7: memref<125xf32, #tpu.memory_space<vmem>>, %arg8: memref<10240xf32, #tpu.memory_space<vmem_shared>>, %arg9: memref<!tpu.dma_semaphore, #tpu.memory_space<semaphore_mem>>) attributes {dimension_semantics = [#tpu.dimension_semantics<core_parallel>, #tpu.dimension_semantics<subcore_parallel>], iteration_bounds = array<i64: 2, 16>, scalar_prefetch = 0 : i64, scratch_operands = 4 : i64, tpu.core_type = #tpu.core_type<sc_vector_subcore>, window_params = [{transform_indices = #map}, {transform_indices = #map1}, {transform_indices = #map1}, {transform_indices = #map1}]} {
    %mul3A = arith.constant 2 : i32
    %mul3A_0 = arith.muli %arg1, %mul3A : i32
    %add3A = arith.addi %mul3A_0, %arg0 : i32
    %mul3A_1 = arith.constant 640 : i32
    %mul3A_2 = arith.muli %arg1, %mul3A_1 : i32
    %mul3A_3 = arith.constant 640 : i32
    %mul3A_4 = arith.muli %arg1, %mul3A_3 : i32
    "tpu.region"() ({
      %run_scoped3A = tpu.sem_alloc : memref<!tpu.dma_semaphore, #tpu.memory_space<semaphore_mem>>
      %dma_start3A = tpu.memref_slice %arg8[%mul3A_4] : memref<10240xf32, #tpu.memory_space<vmem_shared>> -> memref<640xf32, #tpu.memory_space<vmem_shared>>
      %dma_start3A_22 = tpu.memref_slice %arg4[%mul3A_2] : memref<10240xf32, #tpu.memory_space<hbm>> -> memref<640xf32, #tpu.memory_space<hbm>>
      tpu.enqueue_dma source(%dma_start3A_22 : memref<640xf32, #tpu.memory_space<hbm>>) target(%dma_start3A : memref<640xf32, #tpu.memory_space<vmem_shared>>) target_semaphore(%run_scoped3A : memref<!tpu.dma_semaphore, #tpu.memory_space<semaphore_mem>>)
      %dma_wait3A = tpu.memref_slice %arg8[%mul3A_4] : memref<10240xf32, #tpu.memory_space<vmem_shared>> -> memref<640xf32, #tpu.memory_space<vmem_shared>>
      %dma_wait3A_23 = tpu.memref_slice %arg4[%mul3A_2] : memref<10240xf32, #tpu.memory_space<hbm>> -> memref<640xf32, #tpu.memory_space<hbm>>
      tpu.wait_dma2 semaphore(%run_scoped3A : memref<!tpu.dma_semaphore, #tpu.memory_space<semaphore_mem>>) src(%dma_wait3A_23 : memref<640xf32, #tpu.memory_space<hbm>>) dst(%dma_wait3A : memref<640xf32, #tpu.memory_space<vmem_shared>>)
      tpu.yield
    }) : () -> ()
    "tpu.region"() ({
      %run_scoped3A = tpu.sem_alloc : memref<!tpu.dma_semaphore, #tpu.memory_space<semaphore_mem>>
      tpu.enqueue_dma source(%arg3 : memref<125xf32, #tpu.memory_space<hbm>>) target(%arg7 : memref<125xf32, #tpu.memory_space<vmem>>) target_semaphore(%run_scoped3A : memref<!tpu.dma_semaphore, #tpu.memory_space<semaphore_mem>>)
      tpu.wait_dma2 semaphore(%run_scoped3A : memref<!tpu.dma_semaphore, #tpu.memory_space<semaphore_mem>>) src(%arg3 : memref<125xf32, #tpu.memory_space<hbm>>) dst(%arg7 : memref<125xf32, #tpu.memory_space<vmem>>)
      tpu.yield
    }) : () -> ()
    %barrier3A = arith.constant 0 : index
    tpu.barrier barrier_id(%barrier3A)
    %mul3A_5 = arith.constant 80 : i32
    %mul3A_6 = arith.muli %add3A, %mul3A_5 : i32
    %add3A_7 = arith.constant 2560 : i32
    %add3A_8 = arith.addi %add3A_7, %mul3A_6 : i32
    "tpu.region"() ({
      %run_scoped3A = tpu.sem_alloc : memref<!tpu.dma_semaphore, #tpu.memory_space<semaphore_mem>>
      %dma_start3A = arith.constant 0 : i32
      %dma_start3A_22 = tpu.memref_slice %arg2[%add3A_8, %dma_start3A] : memref<5120x125xi32, #tpu.memory_space<hbm>> -> memref<80x125xi32, #tpu.memory_space<hbm>>
      %dma_start3A_23 = arith.constant 0 : i32
      %dma_start3A_24 = tpu.memref_slice %arg2[%add3A_8, %dma_start3A_23] : memref<5120x125xi32, #tpu.memory_space<hbm>> -> memref<80x125xi32, #tpu.memory_space<hbm>>
      tpu.enqueue_dma source(%dma_start3A_24 : memref<80x125xi32, #tpu.memory_space<hbm>>) target(%arg6 : memref<80x125xi32, #tpu.memory_space<vmem>>) target_semaphore(%run_scoped3A : memref<!tpu.dma_semaphore, #tpu.memory_space<semaphore_mem>>)
      %dma_wait3A = arith.constant 0 : i32
      %dma_wait3A_25 = tpu.memref_slice %arg2[%add3A_8, %dma_wait3A] : memref<5120x125xi32, #tpu.memory_space<hbm>> -> memref<80x125xi32, #tpu.memory_space<hbm>>
      %dma_wait3A_26 = arith.constant 0 : i32
      %dma_wait3A_27 = tpu.memref_slice %arg2[%add3A_8, %dma_wait3A_26] : memref<5120x125xi32, #tpu.memory_space<hbm>> -> memref<80x125xi32, #tpu.memory_space<hbm>>
      tpu.wait_dma2 semaphore(%run_scoped3A : memref<!tpu.dma_semaphore, #tpu.memory_space<semaphore_mem>>) src(%dma_wait3A_27 : memref<80x125xi32, #tpu.memory_space<hbm>>) dst(%arg6 : memref<80x125xi32, #tpu.memory_space<vmem>>)
      tpu.yield
    }) : () -> ()
    %scan3A = arith.constant 0 : i32
    %scan3A_9 = arith.constant 0 : i32
    %scan3A_10 = arith.constant 80 : i32
    %scan3A_11 = arith.addi %scan3A_9, %scan3A_10 : i32
    %scan3A_12 = arith.constant 1 : i32
    scf.for %scan3A_22 = %scan3A_9 to %scan3A_11 step %scan3A_12  : i32 {
      "tpu.region"() ({
        %run_scoped3A = tpu.sem_alloc : memref<!tpu.dma_semaphore, #tpu.memory_space<semaphore_mem>>
        %dma_start3A = arith.constant 0 : i32
        %dma_start3A_23 = tpu.memref_slice %arg6[%scan3A_22, %dma_start3A] : memref<80x125xi32, #tpu.memory_space<vmem>> -> memref<1x125xi32, #tpu.memory_space<vmem>>
        %dma_start3A_24 = tpu.memref_squeeze %dma_start3A_23 : memref<1x125xi32, #tpu.memory_space<vmem>> -> memref<125xi32, #tpu.memory_space<vmem>>
        %dma_start3A_25 = arith.constant 0 : i32
        %dma_start3A_26 = tpu.memref_slice %arg8[%dma_start3A_25] : memref<10240xf32, #tpu.memory_space<vmem_shared>> -> memref<10240xf32, #tpu.memory_space<vmem_shared>>
        tpu.enqueue_indirect_dma source(%arg7 : memref<125xf32, #tpu.memory_space<vmem>>) target(%dma_start3A_26 : memref<10240xf32, #tpu.memory_space<vmem_shared>>) offsets(%dma_start3A_24 : memref<125xi32, #tpu.memory_space<vmem>>) semaphore(%run_scoped3A : memref<!tpu.dma_semaphore, #tpu.memory_space<semaphore_mem>>) {add = true}
        %dma_wait3A = arith.constant 0 : i32
        %dma_wait3A_27 = tpu.memref_slice %arg6[%scan3A_22, %dma_wait3A] : memref<80x125xi32, #tpu.memory_space<vmem>> -> memref<1x125xi32, #tpu.memory_space<vmem>>
        %dma_wait3A_28 = tpu.memref_squeeze %dma_wait3A_27 : memref<1x125xi32, #tpu.memory_space<vmem>> -> memref<125xi32, #tpu.memory_space<vmem>>
        %dma_wait3A_29 = arith.constant 0 : i32
        %dma_wait3A_30 = tpu.memref_slice %arg8[%dma_wait3A_29] : memref<10240xf32, #tpu.memory_space<vmem_shared>> -> memref<10240xf32, #tpu.memory_space<vmem_shared>>
        tpu.wait_indirect_dma semaphore(%run_scoped3A : memref<!tpu.dma_semaphore, #tpu.memory_space<semaphore_mem>>) src(%arg7 : memref<125xf32, #tpu.memory_space<vmem>>) dst(%dma_wait3A_30 : memref<10240xf32, #tpu.memory_space<vmem_shared>>)
        tpu.yield
      }) : () -> ()
    }
    %scan3A_13 = arith.constant 80 : i32
    %barrier3A_14 = arith.constant 0 : index
    tpu.barrier barrier_id(%barrier3A_14)
    %mul3A_15 = arith.constant 640 : i32
    %mul3A_16 = arith.muli %arg1, %mul3A_15 : i32
    %mul3A_17 = arith.constant 10240 : i32
    %mul3A_18 = arith.muli %arg0, %mul3A_17 : i32
    %mul3A_19 = arith.constant 640 : i32
    %mul3A_20 = arith.muli %arg1, %mul3A_19 : i32
    %add3A_21 = arith.addi %mul3A_18, %mul3A_20 : i32
    "tpu.region"() ({
      %run_scoped3A = tpu.sem_alloc : memref<!tpu.dma_semaphore, #tpu.memory_space<semaphore_mem>>
      %dma_start3A = tpu.memref_slice %arg5[%add3A_21] : memref<20480xf32, #tpu.memory_space<hbm>> -> memref<640xf32, #tpu.memory_space<hbm>>
      %dma_start3A_22 = tpu.memref_slice %arg8[%mul3A_16] : memref<10240xf32, #tpu.memory_space<vmem_shared>> -> memref<640xf32, #tpu.memory_space<vmem_shared>>
      tpu.enqueue_dma source(%dma_start3A_22 : memref<640xf32, #tpu.memory_space<vmem_shared>>) target(%dma_start3A : memref<640xf32, #tpu.memory_space<hbm>>) target_semaphore(%run_scoped3A : memref<!tpu.dma_semaphore, #tpu.memory_space<semaphore_mem>>)
      %dma_wait3A = tpu.memref_slice %arg5[%add3A_21] : memref<20480xf32, #tpu.memory_space<hbm>> -> memref<640xf32, #tpu.memory_space<hbm>>
      %dma_wait3A_23 = tpu.memref_slice %arg8[%mul3A_16] : memref<10240xf32, #tpu.memory_space<vmem_shared>> -> memref<640xf32, #tpu.memory_space<vmem_shared>>
      tpu.wait_dma2 semaphore(%run_scoped3A : memref<!tpu.dma_semaphore, #tpu.memory_space<semaphore_mem>>) src(%dma_wait3A_23 : memref<640xf32, #tpu.memory_space<vmem_shared>>) dst(%dma_wait3A : memref<640xf32, #tpu.memory_space<hbm>>)
      tpu.yield
    }) : () -> ()
    return
  }
}

#map = affine_map<(d0, d1) -> (0, 0)>
#map1 = affine_map<(d0, d1) -> (0, 0, 0)>
module attributes {stable_mosaic.version = 14 : i64} {
  func.func @_sc_agg_body(%arg0: i32, %arg1: i32, %arg2: memref<10000x64xf32, #tpu.memory_space<hbm>>, %arg3: memref<10000x64xf32, #tpu.memory_space<hbm>>, %arg4: memref<5120x125xi32, #tpu.memory_space<hbm>>, %arg5: memref<625x64xf32, #tpu.memory_space<hbm>>, %arg6: memref<2x10000x64xf32, #tpu.memory_space<hbm>>, %arg7: memref<160x125xi32, #tpu.memory_space<vmem>>, %arg8: memref<160x125xi32, #tpu.memory_space<vmem>>, %arg9: memref<125x64xf32, #tpu.memory_space<vmem>>, %arg10: memref<125x64xf32, #tpu.memory_space<vmem>>, %arg11: memref<125x64xf32, #tpu.memory_space<vmem>>, %arg12: memref<125x64xf32, #tpu.memory_space<vmem>>, %arg13: memref<125x64xf32, #tpu.memory_space<vmem>>, %arg14: memref<10000x64xf32, #tpu.memory_space<vmem_shared>>, %arg15: memref<!tpu.dma_semaphore, #tpu.memory_space<semaphore_mem>>, %arg16: memref<!tpu.dma_semaphore, #tpu.memory_space<semaphore_mem>>, %arg17: memref<!tpu.dma_semaphore, #tpu.memory_space<semaphore_mem>>, %arg18: memref<!tpu.dma_semaphore, #tpu.memory_space<semaphore_mem>>, %arg19: memref<!tpu.dma_semaphore, #tpu.memory_space<semaphore_mem>>, %arg20: memref<!tpu.dma_semaphore, #tpu.memory_space<semaphore_mem>>, %arg21: memref<!tpu.dma_semaphore, #tpu.memory_space<semaphore_mem>>, %arg22: memref<!tpu.dma_semaphore, #tpu.memory_space<semaphore_mem>>, %arg23: memref<!tpu.dma_semaphore, #tpu.memory_space<semaphore_mem>>, %arg24: memref<!tpu.dma_semaphore, #tpu.memory_space<semaphore_mem>>) attributes {dimension_semantics = [#tpu.dimension_semantics<core_parallel>, #tpu.dimension_semantics<subcore_parallel>], iteration_bounds = array<i64: 2, 16>, scalar_prefetch = 0 : i64, scratch_operands = 18 : i64, tpu.core_type = #tpu.core_type<sc_vector_subcore>, window_params = [{transform_indices = #map}, {transform_indices = #map}, {transform_indices = #map}, {transform_indices = #map}, {transform_indices = #map1}]} {
    %mul3A = arith.constant 625 : i32
    %mul3A_0 = arith.muli %arg1, %mul3A : i32
    "tpu.region"() ({
      %run_scoped3A = tpu.sem_alloc : memref<!tpu.dma_semaphore, #tpu.memory_space<semaphore_mem>>
      %dma_start3A = arith.constant 0 : i32
      %dma_start3A_16 = tpu.memref_slice %arg14[%mul3A_0, %dma_start3A] : memref<10000x64xf32, #tpu.memory_space<vmem_shared>> -> memref<625x64xf32, #tpu.memory_space<vmem_shared>>
      tpu.enqueue_dma source(%arg5 : memref<625x64xf32, #tpu.memory_space<hbm>>) target(%dma_start3A_16 : memref<625x64xf32, #tpu.memory_space<vmem_shared>>) target_semaphore(%run_scoped3A : memref<!tpu.dma_semaphore, #tpu.memory_space<semaphore_mem>>)
      %dma_wait3A = arith.constant 0 : i32
      %dma_wait3A_17 = tpu.memref_slice %arg14[%mul3A_0, %dma_wait3A] : memref<10000x64xf32, #tpu.memory_space<vmem_shared>> -> memref<625x64xf32, #tpu.memory_space<vmem_shared>>
      tpu.wait_dma2 semaphore(%run_scoped3A : memref<!tpu.dma_semaphore, #tpu.memory_space<semaphore_mem>>) src(%arg5 : memref<625x64xf32, #tpu.memory_space<hbm>>) dst(%dma_wait3A_17 : memref<625x64xf32, #tpu.memory_space<vmem_shared>>)
      tpu.yield
    }) : () -> ()
    %mul3A_1 = arith.constant 160 : i32
    %mul3A_2 = arith.muli %arg1, %mul3A_1 : i32
    "tpu.region"() ({
      %run_scoped3A = tpu.sem_alloc : memref<!tpu.dma_semaphore, #tpu.memory_space<semaphore_mem>>
      %dma_start3A = arith.constant 0 : i32
      %dma_start3A_16 = tpu.memref_slice %arg4[%mul3A_2, %dma_start3A] : memref<5120x125xi32, #tpu.memory_space<hbm>> -> memref<160x125xi32, #tpu.memory_space<hbm>>
      %dma_start3A_17 = arith.constant 0 : i32
      %dma_start3A_18 = tpu.memref_slice %arg4[%mul3A_2, %dma_start3A_17] : memref<5120x125xi32, #tpu.memory_space<hbm>> -> memref<160x125xi32, #tpu.memory_space<hbm>>
      tpu.enqueue_dma source(%dma_start3A_18 : memref<160x125xi32, #tpu.memory_space<hbm>>) target(%arg7 : memref<160x125xi32, #tpu.memory_space<vmem>>) target_semaphore(%run_scoped3A : memref<!tpu.dma_semaphore, #tpu.memory_space<semaphore_mem>>)
      %dma_wait3A = arith.constant 0 : i32
      %dma_wait3A_19 = tpu.memref_slice %arg4[%mul3A_2, %dma_wait3A] : memref<5120x125xi32, #tpu.memory_space<hbm>> -> memref<160x125xi32, #tpu.memory_space<hbm>>
      %dma_wait3A_20 = arith.constant 0 : i32
      %dma_wait3A_21 = tpu.memref_slice %arg4[%mul3A_2, %dma_wait3A_20] : memref<5120x125xi32, #tpu.memory_space<hbm>> -> memref<160x125xi32, #tpu.memory_space<hbm>>
      tpu.wait_dma2 semaphore(%run_scoped3A : memref<!tpu.dma_semaphore, #tpu.memory_space<semaphore_mem>>) src(%dma_wait3A_21 : memref<160x125xi32, #tpu.memory_space<hbm>>) dst(%arg7 : memref<160x125xi32, #tpu.memory_space<vmem>>)
      tpu.yield
    }) : () -> ()
    %add3A = arith.constant 2560 : i32
    %add3A_3 = arith.addi %add3A, %mul3A_2 : i32
    "tpu.region"() ({
      %run_scoped3A = tpu.sem_alloc : memref<!tpu.dma_semaphore, #tpu.memory_space<semaphore_mem>>
      %dma_start3A = arith.constant 0 : i32
      %dma_start3A_16 = tpu.memref_slice %arg4[%add3A_3, %dma_start3A] : memref<5120x125xi32, #tpu.memory_space<hbm>> -> memref<160x125xi32, #tpu.memory_space<hbm>>
      %dma_start3A_17 = arith.constant 0 : i32
      %dma_start3A_18 = tpu.memref_slice %arg4[%add3A_3, %dma_start3A_17] : memref<5120x125xi32, #tpu.memory_space<hbm>> -> memref<160x125xi32, #tpu.memory_space<hbm>>
      tpu.enqueue_dma source(%dma_start3A_18 : memref<160x125xi32, #tpu.memory_space<hbm>>) target(%arg8 : memref<160x125xi32, #tpu.memory_space<vmem>>) target_semaphore(%run_scoped3A : memref<!tpu.dma_semaphore, #tpu.memory_space<semaphore_mem>>)
      %dma_wait3A = arith.constant 0 : i32
      %dma_wait3A_19 = tpu.memref_slice %arg4[%add3A_3, %dma_wait3A] : memref<5120x125xi32, #tpu.memory_space<hbm>> -> memref<160x125xi32, #tpu.memory_space<hbm>>
      %dma_wait3A_20 = arith.constant 0 : i32
      %dma_wait3A_21 = tpu.memref_slice %arg4[%add3A_3, %dma_wait3A_20] : memref<5120x125xi32, #tpu.memory_space<hbm>> -> memref<160x125xi32, #tpu.memory_space<hbm>>
      tpu.wait_dma2 semaphore(%run_scoped3A : memref<!tpu.dma_semaphore, #tpu.memory_space<semaphore_mem>>) src(%dma_wait3A_21 : memref<160x125xi32, #tpu.memory_space<hbm>>) dst(%arg8 : memref<160x125xi32, #tpu.memory_space<vmem>>)
      tpu.yield
    }) : () -> ()
    %barrier3A = arith.constant 0 : index
    tpu.barrier barrier_id(%barrier3A)
    %eq3A = arith.constant 0 : i32
    %eq3A_4 = arith.cmpi eq, %arg0, %eq3A : i32
    %convert_element_type3A = arith.extui %eq3A_4 : i1 to i32
    %cond3A = arith.constant 0 : i32
    %cond3A_5 = arith.cmpi ne, %convert_element_type3A, %cond3A : i32
    scf.if %cond3A_5 {
      %dma_start3A = arith.constant 0 : i32
      %dma_start3A_16 = arith.constant 0 : i32
      %dma_start3A_17 = tpu.memref_slice %arg7[%dma_start3A, %dma_start3A_16] : memref<160x125xi32, #tpu.memory_space<vmem>> -> memref<1x125xi32, #tpu.memory_space<vmem>>
      %dma_start3A_18 = tpu.memref_squeeze %dma_start3A_17 : memref<1x125xi32, #tpu.memory_space<vmem>> -> memref<125xi32, #tpu.memory_space<vmem>>
      %dma_start3A_19 = arith.constant 0 : i32
      %dma_start3A_20 = arith.constant 0 : i32
      %dma_start3A_21 = tpu.memref_slice %arg2[%dma_start3A_19, %dma_start3A_20] : memref<10000x64xf32, #tpu.memory_space<hbm>> -> memref<10000x64xf32, #tpu.memory_space<hbm>>
      tpu.enqueue_indirect_dma source(%dma_start3A_21 : memref<10000x64xf32, #tpu.memory_space<hbm>>) target(%arg9 : memref<125x64xf32, #tpu.memory_space<vmem>>) offsets(%dma_start3A_18 : memref<125xi32, #tpu.memory_space<vmem>>) semaphore(%arg15 : memref<!tpu.dma_semaphore, #tpu.memory_space<semaphore_mem>>)
      %dma_start3A_22 = arith.constant 1 : i32
      %dma_start3A_23 = arith.constant 0 : i32
      %dma_start3A_24 = tpu.memref_slice %arg7[%dma_start3A_22, %dma_start3A_23] : memref<160x125xi32, #tpu.memory_space<vmem>> -> memref<1x125xi32, #tpu.memory_space<vmem>>
      %dma_start3A_25 = tpu.memref_squeeze %dma_start3A_24 : memref<1x125xi32, #tpu.memory_space<vmem>> -> memref<125xi32, #tpu.memory_space<vmem>>
      %dma_start3A_26 = arith.constant 0 : i32
      %dma_start3A_27 = arith.constant 0 : i32
      %dma_start3A_28 = tpu.memref_slice %arg2[%dma_start3A_26, %dma_start3A_27] : memref<10000x64xf32, #tpu.memory_space<hbm>> -> memref<10000x64xf32, #tpu.memory_space<hbm>>
      tpu.enqueue_indirect_dma source(%dma_start3A_28 : memref<10000x64xf32, #tpu.memory_space<hbm>>) target(%arg10 : memref<125x64xf32, #tpu.memory_space<vmem>>) offsets(%dma_start3A_25 : memref<125xi32, #tpu.memory_space<vmem>>) semaphore(%arg16 : memref<!tpu.dma_semaphore, #tpu.memory_space<semaphore_mem>>)
      %dma_start3A_29 = arith.constant 2 : i32
      %dma_start3A_30 = arith.constant 0 : i32
      %dma_start3A_31 = tpu.memref_slice %arg7[%dma_start3A_29, %dma_start3A_30] : memref<160x125xi32, #tpu.memory_space<vmem>> -> memref<1x125xi32, #tpu.memory_space<vmem>>
      %dma_start3A_32 = tpu.memref_squeeze %dma_start3A_31 : memref<1x125xi32, #tpu.memory_space<vmem>> -> memref<125xi32, #tpu.memory_space<vmem>>
      %dma_start3A_33 = arith.constant 0 : i32
      %dma_start3A_34 = arith.constant 0 : i32
      %dma_start3A_35 = tpu.memref_slice %arg2[%dma_start3A_33, %dma_start3A_34] : memref<10000x64xf32, #tpu.memory_space<hbm>> -> memref<10000x64xf32, #tpu.memory_space<hbm>>
      tpu.enqueue_indirect_dma source(%dma_start3A_35 : memref<10000x64xf32, #tpu.memory_space<hbm>>) target(%arg11 : memref<125x64xf32, #tpu.memory_space<vmem>>) offsets(%dma_start3A_32 : memref<125xi32, #tpu.memory_space<vmem>>) semaphore(%arg17 : memref<!tpu.dma_semaphore, #tpu.memory_space<semaphore_mem>>)
      %scan3A = arith.constant 0 : i32
      %scan3A_36 = arith.constant 0 : i32
      %scan3A_37 = arith.constant 32 : i32
      %scan3A_38 = arith.addi %scan3A_36, %scan3A_37 : i32
      %scan3A_39 = arith.constant 1 : i32
      scf.for %scan3A_54 = %scan3A_36 to %scan3A_38 step %scan3A_39  : i32 {
        %mul3A_55 = arith.constant 5 : i32
        %mul3A_56 = arith.muli %scan3A_54, %mul3A_55 : i32
        %add3A_57 = arith.constant 0 : i32
        %add3A_58 = arith.addi %mul3A_56, %add3A_57 : i32
        %gt3A = arith.constant 0 : i32
        %gt3A_59 = arith.cmpi sgt, %scan3A_54, %gt3A : i32
        %convert_element_type3A_60 = arith.extui %gt3A_59 : i1 to i32
        %cond3A_61 = arith.constant 0 : i32
        %cond3A_62 = arith.cmpi ne, %convert_element_type3A_60, %cond3A_61 : i32
        scf.if %cond3A_62 {
          %sub3A_197 = arith.constant 2 : i32
          %sub3A_198 = arith.subi %add3A_58, %sub3A_197 : i32
          %dma_wait3A_199 = arith.constant 0 : i32
          %dma_wait3A_200 = tpu.memref_slice %arg8[%sub3A_198, %dma_wait3A_199] : memref<160x125xi32, #tpu.memory_space<vmem>> -> memref<1x125xi32, #tpu.memory_space<vmem>>
          %dma_wait3A_201 = tpu.memref_squeeze %dma_wait3A_200 : memref<1x125xi32, #tpu.memory_space<vmem>> -> memref<125xi32, #tpu.memory_space<vmem>>
          %dma_wait3A_202 = arith.constant 0 : i32
          %dma_wait3A_203 = arith.constant 0 : i32
          %dma_wait3A_204 = tpu.memref_slice %arg14[%dma_wait3A_202, %dma_wait3A_203] : memref<10000x64xf32, #tpu.memory_space<vmem_shared>> -> memref<10000x64xf32, #tpu.memory_space<vmem_shared>>
          tpu.wait_indirect_dma semaphore(%arg23 : memref<!tpu.dma_semaphore, #tpu.memory_space<semaphore_mem>>) src(%arg12 : memref<125x64xf32, #tpu.memory_space<vmem>>) dst(%dma_wait3A_204 : memref<10000x64xf32, #tpu.memory_space<vmem_shared>>)
        } else {
        }
        %add3A_63 = arith.constant 3 : i32
        %add3A_64 = arith.addi %add3A_58, %add3A_63 : i32
        %dma_start3A_65 = arith.constant 0 : i32
        %dma_start3A_66 = tpu.memref_slice %arg7[%add3A_64, %dma_start3A_65] : memref<160x125xi32, #tpu.memory_space<vmem>> -> memref<1x125xi32, #tpu.memory_space<vmem>>
        %dma_start3A_67 = tpu.memref_squeeze %dma_start3A_66 : memref<1x125xi32, #tpu.memory_space<vmem>> -> memref<125xi32, #tpu.memory_space<vmem>>
        %dma_start3A_68 = arith.constant 0 : i32
        %dma_start3A_69 = arith.constant 0 : i32
        %dma_start3A_70 = tpu.memref_slice %arg2[%dma_start3A_68, %dma_start3A_69] : memref<10000x64xf32, #tpu.memory_space<hbm>> -> memref<10000x64xf32, #tpu.memory_space<hbm>>
        tpu.enqueue_indirect_dma source(%dma_start3A_70 : memref<10000x64xf32, #tpu.memory_space<hbm>>) target(%arg12 : memref<125x64xf32, #tpu.memory_space<vmem>>) offsets(%dma_start3A_67 : memref<125xi32, #tpu.memory_space<vmem>>) semaphore(%arg18 : memref<!tpu.dma_semaphore, #tpu.memory_space<semaphore_mem>>)
        %dma_wait3A_71 = arith.constant 0 : i32
        %dma_wait3A_72 = tpu.memref_slice %arg7[%add3A_58, %dma_wait3A_71] : memref<160x125xi32, #tpu.memory_space<vmem>> -> memref<1x125xi32, #tpu.memory_space<vmem>>
        %dma_wait3A_73 = tpu.memref_squeeze %dma_wait3A_72 : memref<1x125xi32, #tpu.memory_space<vmem>> -> memref<125xi32, #tpu.memory_space<vmem>>
        %dma_wait3A_74 = arith.constant 0 : i32
        %dma_wait3A_75 = arith.constant 0 : i32
        %dma_wait3A_76 = tpu.memref_slice %arg2[%dma_wait3A_74, %dma_wait3A_75] : memref<10000x64xf32, #tpu.memory_space<hbm>> -> memref<10000x64xf32, #tpu.memory_space<hbm>>
        tpu.wait_indirect_dma semaphore(%arg15 : memref<!tpu.dma_semaphore, #tpu.memory_space<semaphore_mem>>) src(%dma_wait3A_76 : memref<10000x64xf32, #tpu.memory_space<hbm>>) dst(%arg9 : memref<125x64xf32, #tpu.memory_space<vmem>>)
        %dma_start3A_77 = arith.constant 0 : i32
        %dma_start3A_78 = tpu.memref_slice %arg8[%add3A_58, %dma_start3A_77] : memref<160x125xi32, #tpu.memory_space<vmem>> -> memref<1x125xi32, #tpu.memory_space<vmem>>
        %dma_start3A_79 = tpu.memref_squeeze %dma_start3A_78 : memref<1x125xi32, #tpu.memory_space<vmem>> -> memref<125xi32, #tpu.memory_space<vmem>>
        %dma_start3A_80 = arith.constant 0 : i32
        %dma_start3A_81 = arith.constant 0 : i32
        %dma_start3A_82 = tpu.memref_slice %arg14[%dma_start3A_80, %dma_start3A_81] : memref<10000x64xf32, #tpu.memory_space<vmem_shared>> -> memref<10000x64xf32, #tpu.memory_space<vmem_shared>>
        tpu.enqueue_indirect_dma source(%arg9 : memref<125x64xf32, #tpu.memory_space<vmem>>) target(%dma_start3A_82 : memref<10000x64xf32, #tpu.memory_space<vmem_shared>>) offsets(%dma_start3A_79 : memref<125xi32, #tpu.memory_space<vmem>>) semaphore(%arg20 : memref<!tpu.dma_semaphore, #tpu.memory_space<semaphore_mem>>) {add = true}
        %mul3A_83 = arith.constant 5 : i32
        %mul3A_84 = arith.muli %scan3A_54, %mul3A_83 : i32
        %add3A_85 = arith.constant 1 : i32
        %add3A_86 = arith.addi %mul3A_84, %add3A_85 : i32
        %gt3A_87 = arith.constant 0 : i32
        %gt3A_88 = arith.cmpi sgt, %scan3A_54, %gt3A_87 : i32
        %convert_element_type3A_89 = arith.extui %gt3A_88 : i1 to i32
        %cond3A_90 = arith.constant 0 : i32
        %cond3A_91 = arith.cmpi ne, %convert_element_type3A_89, %cond3A_90 : i32
        scf.if %cond3A_91 {
          %sub3A_197 = arith.constant 2 : i32
          %sub3A_198 = arith.subi %add3A_86, %sub3A_197 : i32
          %dma_wait3A_199 = arith.constant 0 : i32
          %dma_wait3A_200 = tpu.memref_slice %arg8[%sub3A_198, %dma_wait3A_199] : memref<160x125xi32, #tpu.memory_space<vmem>> -> memref<1x125xi32, #tpu.memory_space<vmem>>
          %dma_wait3A_201 = tpu.memref_squeeze %dma_wait3A_200 : memref<1x125xi32, #tpu.memory_space<vmem>> -> memref<125xi32, #tpu.memory_space<vmem>>
          %dma_wait3A_202 = arith.constant 0 : i32
          %dma_wait3A_203 = arith.constant 0 : i32
          %dma_wait3A_204 = tpu.memref_slice %arg14[%dma_wait3A_202, %dma_wait3A_203] : memref<10000x64xf32, #tpu.memory_space<vmem_shared>> -> memref<10000x64xf32, #tpu.memory_space<vmem_shared>>
          tpu.wait_indirect_dma semaphore(%arg24 : memref<!tpu.dma_semaphore, #tpu.memory_space<semaphore_mem>>) src(%arg13 : memref<125x64xf32, #tpu.memory_space<vmem>>) dst(%dma_wait3A_204 : memref<10000x64xf32, #tpu.memory_space<vmem_shared>>)
        } else {
        }
        %add3A_92 = arith.constant 3 : i32
        %add3A_93 = arith.addi %add3A_86, %add3A_92 : i32
        %dma_start3A_94 = arith.constant 0 : i32
        %dma_start3A_95 = tpu.memref_slice %arg7[%add3A_93, %dma_start3A_94] : memref<160x125xi32, #tpu.memory_space<vmem>> -> memref<1x125xi32, #tpu.memory_space<vmem>>
        %dma_start3A_96 = tpu.memref_squeeze %dma_start3A_95 : memref<1x125xi32, #tpu.memory_space<vmem>> -> memref<125xi32, #tpu.memory_space<vmem>>
        %dma_start3A_97 = arith.constant 0 : i32
        %dma_start3A_98 = arith.constant 0 : i32
        %dma_start3A_99 = tpu.memref_slice %arg2[%dma_start3A_97, %dma_start3A_98] : memref<10000x64xf32, #tpu.memory_space<hbm>> -> memref<10000x64xf32, #tpu.memory_space<hbm>>
        tpu.enqueue_indirect_dma source(%dma_start3A_99 : memref<10000x64xf32, #tpu.memory_space<hbm>>) target(%arg13 : memref<125x64xf32, #tpu.memory_space<vmem>>) offsets(%dma_start3A_96 : memref<125xi32, #tpu.memory_space<vmem>>) semaphore(%arg19 : memref<!tpu.dma_semaphore, #tpu.memory_space<semaphore_mem>>)
        %dma_wait3A_100 = arith.constant 0 : i32
        %dma_wait3A_101 = tpu.memref_slice %arg7[%add3A_86, %dma_wait3A_100] : memref<160x125xi32, #tpu.memory_space<vmem>> -> memref<1x125xi32, #tpu.memory_space<vmem>>
        %dma_wait3A_102 = tpu.memref_squeeze %dma_wait3A_101 : memref<1x125xi32, #tpu.memory_space<vmem>> -> memref<125xi32, #tpu.memory_space<vmem>>
        %dma_wait3A_103 = arith.constant 0 : i32
        %dma_wait3A_104 = arith.constant 0 : i32
        %dma_wait3A_105 = tpu.memref_slice %arg2[%dma_wait3A_103, %dma_wait3A_104] : memref<10000x64xf32, #tpu.memory_space<hbm>> -> memref<10000x64xf32, #tpu.memory_space<hbm>>
        tpu.wait_indirect_dma semaphore(%arg16 : memref<!tpu.dma_semaphore, #tpu.memory_space<semaphore_mem>>) src(%dma_wait3A_105 : memref<10000x64xf32, #tpu.memory_space<hbm>>) dst(%arg10 : memref<125x64xf32, #tpu.memory_space<vmem>>)
        %dma_start3A_106 = arith.constant 0 : i32
        %dma_start3A_107 = tpu.memref_slice %arg8[%add3A_86, %dma_start3A_106] : memref<160x125xi32, #tpu.memory_space<vmem>> -> memref<1x125xi32, #tpu.memory_space<vmem>>
        %dma_start3A_108 = tpu.memref_squeeze %dma_start3A_107 : memref<1x125xi32, #tpu.memory_space<vmem>> -> memref<125xi32, #tpu.memory_space<vmem>>
        %dma_start3A_109 = arith.constant 0 : i32
        %dma_start3A_110 = arith.constant 0 : i32
        %dma_start3A_111 = tpu.memref_slice %arg14[%dma_start3A_109, %dma_start3A_110] : memref<10000x64xf32, #tpu.memory_space<vmem_shared>> -> memref<10000x64xf32, #tpu.memory_space<vmem_shared>>
        tpu.enqueue_indirect_dma source(%arg10 : memref<125x64xf32, #tpu.memory_space<vmem>>) target(%dma_start3A_111 : memref<10000x64xf32, #tpu.memory_space<vmem_shared>>) offsets(%dma_start3A_108 : memref<125xi32, #tpu.memory_space<vmem>>) semaphore(%arg21 : memref<!tpu.dma_semaphore, #tpu.memory_space<semaphore_mem>>) {add = true}
        %mul3A_112 = arith.constant 5 : i32
        %mul3A_113 = arith.muli %scan3A_54, %mul3A_112 : i32
        %add3A_114 = arith.constant 2 : i32
        %add3A_115 = arith.addi %mul3A_113, %add3A_114 : i32
        %sub3A = arith.constant 2 : i32
        %sub3A_116 = arith.subi %add3A_115, %sub3A : i32
        %dma_wait3A_117 = arith.constant 0 : i32
        %dma_wait3A_118 = tpu.memref_slice %arg8[%sub3A_116, %dma_wait3A_117] : memref<160x125xi32, #tpu.memory_space<vmem>> -> memref<1x125xi32, #tpu.memory_space<vmem>>
        %dma_wait3A_119 = tpu.memref_squeeze %dma_wait3A_118 : memref<1x125xi32, #tpu.memory_space<vmem>> -> memref<125xi32, #tpu.memory_space<vmem>>
        %dma_wait3A_120 = arith.constant 0 : i32
        %dma_wait3A_121 = arith.constant 0 : i32
        %dma_wait3A_122 = tpu.memref_slice %arg14[%dma_wait3A_120, %dma_wait3A_121] : memref<10000x64xf32, #tpu.memory_space<vmem_shared>> -> memref<10000x64xf32, #tpu.memory_space<vmem_shared>>
        tpu.wait_indirect_dma semaphore(%arg20 : memref<!tpu.dma_semaphore, #tpu.memory_space<semaphore_mem>>) src(%arg9 : memref<125x64xf32, #tpu.memory_space<vmem>>) dst(%dma_wait3A_122 : memref<10000x64xf32, #tpu.memory_space<vmem_shared>>)
        %lt3A = arith.constant 31 : i32
        %lt3A_123 = arith.cmpi slt, %scan3A_54, %lt3A : i32
        %convert_element_type3A_124 = arith.extui %lt3A_123 : i1 to i32
        %cond3A_125 = arith.constant 0 : i32
        %cond3A_126 = arith.cmpi ne, %convert_element_type3A_124, %cond3A_125 : i32
        scf.if %cond3A_126 {
          %add3A_197 = arith.constant 3 : i32
          %add3A_198 = arith.addi %add3A_115, %add3A_197 : i32
          %dma_start3A_199 = arith.constant 0 : i32
          %dma_start3A_200 = tpu.memref_slice %arg7[%add3A_198, %dma_start3A_199] : memref<160x125xi32, #tpu.memory_space<vmem>> -> memref<1x125xi32, #tpu.memory_space<vmem>>
          %dma_start3A_201 = tpu.memref_squeeze %dma_start3A_200 : memref<1x125xi32, #tpu.memory_space<vmem>> -> memref<125xi32, #tpu.memory_space<vmem>>
          %dma_start3A_202 = arith.constant 0 : i32
          %dma_start3A_203 = arith.constant 0 : i32
          %dma_start3A_204 = tpu.memref_slice %arg2[%dma_start3A_202, %dma_start3A_203] : memref<10000x64xf32, #tpu.memory_space<hbm>> -> memref<10000x64xf32, #tpu.memory_space<hbm>>
          tpu.enqueue_indirect_dma source(%dma_start3A_204 : memref<10000x64xf32, #tpu.memory_space<hbm>>) target(%arg9 : memref<125x64xf32, #tpu.memory_space<vmem>>) offsets(%dma_start3A_201 : memref<125xi32, #tpu.memory_space<vmem>>) semaphore(%arg15 : memref<!tpu.dma_semaphore, #tpu.memory_space<semaphore_mem>>)
        } else {
        }
        %dma_wait3A_127 = arith.constant 0 : i32
        %dma_wait3A_128 = tpu.memref_slice %arg7[%add3A_115, %dma_wait3A_127] : memref<160x125xi32, #tpu.memory_space<vmem>> -> memref<1x125xi32, #tpu.memory_space<vmem>>
        %dma_wait3A_129 = tpu.memref_squeeze %dma_wait3A_128 : memref<1x125xi32, #tpu.memory_space<vmem>> -> memref<125xi32, #tpu.memory_space<vmem>>
        %dma_wait3A_130 = arith.constant 0 : i32
        %dma_wait3A_131 = arith.constant 0 : i32
        %dma_wait3A_132 = tpu.memref_slice %arg2[%dma_wait3A_130, %dma_wait3A_131] : memref<10000x64xf32, #tpu.memory_space<hbm>> -> memref<10000x64xf32, #tpu.memory_space<hbm>>
        tpu.wait_indirect_dma semaphore(%arg17 : memref<!tpu.dma_semaphore, #tpu.memory_space<semaphore_mem>>) src(%dma_wait3A_132 : memref<10000x64xf32, #tpu.memory_space<hbm>>) dst(%arg11 : memref<125x64xf32, #tpu.memory_space<vmem>>)
        %dma_start3A_133 = arith.constant 0 : i32
        %dma_start3A_134 = tpu.memref_slice %arg8[%add3A_115, %dma_start3A_133] : memref<160x125xi32, #tpu.memory_space<vmem>> -> memref<1x125xi32, #tpu.memory_space<vmem>>
        %dma_start3A_135 = tpu.memref_squeeze %dma_start3A_134 : memref<1x125xi32, #tpu.memory_space<vmem>> -> memref<125xi32, #tpu.memory_space<vmem>>
        %dma_start3A_136 = arith.constant 0 : i32
        %dma_start3A_137 = arith.constant 0 : i32
        %dma_start3A_138 = tpu.memref_slice %arg14[%dma_start3A_136, %dma_start3A_137] : memref<10000x64xf32, #tpu.memory_space<vmem_shared>> -> memref<10000x64xf32, #tpu.memory_space<vmem_shared>>
        tpu.enqueue_indirect_dma source(%arg11 : memref<125x64xf32, #tpu.memory_space<vmem>>) target(%dma_start3A_138 : memref<10000x64xf32, #tpu.memory_space<vmem_shared>>) offsets(%dma_start3A_135 : memref<125xi32, #tpu.memory_space<vmem>>) semaphore(%arg22 : memref<!tpu.dma_semaphore, #tpu.memory_space<semaphore_mem>>) {add = true}
        %mul3A_139 = arith.constant 5 : i32
        %mul3A_140 = arith.muli %scan3A_54, %mul3A_139 : i32
        %add3A_141 = arith.constant 3 : i32
        %add3A_142 = arith.addi %mul3A_140, %add3A_141 : i32
        %sub3A_143 = arith.constant 2 : i32
        %sub3A_144 = arith.subi %add3A_142, %sub3A_143 : i32
        %dma_wait3A_145 = arith.constant 0 : i32
        %dma_wait3A_146 = tpu.memref_slice %arg8[%sub3A_144, %dma_wait3A_145] : memref<160x125xi32, #tpu.memory_space<vmem>> -> memref<1x125xi32, #tpu.memory_space<vmem>>
        %dma_wait3A_147 = tpu.memref_squeeze %dma_wait3A_146 : memref<1x125xi32, #tpu.memory_space<vmem>> -> memref<125xi32, #tpu.memory_space<vmem>>
        %dma_wait3A_148 = arith.constant 0 : i32
        %dma_wait3A_149 = arith.constant 0 : i32
        %dma_wait3A_150 = tpu.memref_slice %arg14[%dma_wait3A_148, %dma_wait3A_149] : memref<10000x64xf32, #tpu.memory_space<vmem_shared>> -> memref<10000x64xf32, #tpu.memory_space<vmem_shared>>
        tpu.wait_indirect_dma semaphore(%arg21 : memref<!tpu.dma_semaphore, #tpu.memory_space<semaphore_mem>>) src(%arg10 : memref<125x64xf32, #tpu.memory_space<vmem>>) dst(%dma_wait3A_150 : memref<10000x64xf32, #tpu.memory_space<vmem_shared>>)
        %lt3A_151 = arith.constant 31 : i32
        %lt3A_152 = arith.cmpi slt, %scan3A_54, %lt3A_151 : i32
        %convert_element_type3A_153 = arith.extui %lt3A_152 : i1 to i32
        %cond3A_154 = arith.constant 0 : i32
        %cond3A_155 = arith.cmpi ne, %convert_element_type3A_153, %cond3A_154 : i32
        scf.if %cond3A_155 {
          %add3A_197 = arith.constant 3 : i32
          %add3A_198 = arith.addi %add3A_142, %add3A_197 : i32
          %dma_start3A_199 = arith.constant 0 : i32
          %dma_start3A_200 = tpu.memref_slice %arg7[%add3A_198, %dma_start3A_199] : memref<160x125xi32, #tpu.memory_space<vmem>> -> memref<1x125xi32, #tpu.memory_space<vmem>>
          %dma_start3A_201 = tpu.memref_squeeze %dma_start3A_200 : memref<1x125xi32, #tpu.memory_space<vmem>> -> memref<125xi32, #tpu.memory_space<vmem>>
          %dma_start3A_202 = arith.constant 0 : i32
          %dma_start3A_203 = arith.constant 0 : i32
          %dma_start3A_204 = tpu.memref_slice %arg2[%dma_start3A_202, %dma_start3A_203] : memref<10000x64xf32, #tpu.memory_space<hbm>> -> memref<10000x64xf32, #tpu.memory_space<hbm>>
          tpu.enqueue_indirect_dma source(%dma_start3A_204 : memref<10000x64xf32, #tpu.memory_space<hbm>>) target(%arg10 : memref<125x64xf32, #tpu.memory_space<vmem>>) offsets(%dma_start3A_201 : memref<125xi32, #tpu.memory_space<vmem>>) semaphore(%arg16 : memref<!tpu.dma_semaphore, #tpu.memory_space<semaphore_mem>>)
        } else {
        }
        %dma_wait3A_156 = arith.constant 0 : i32
        %dma_wait3A_157 = tpu.memref_slice %arg7[%add3A_142, %dma_wait3A_156] : memref<160x125xi32, #tpu.memory_space<vmem>> -> memref<1x125xi32, #tpu.memory_space<vmem>>
        %dma_wait3A_158 = tpu.memref_squeeze %dma_wait3A_157 : memref<1x125xi32, #tpu.memory_space<vmem>> -> memref<125xi32, #tpu.memory_space<vmem>>
        %dma_wait3A_159 = arith.constant 0 : i32
        %dma_wait3A_160 = arith.constant 0 : i32
        %dma_wait3A_161 = tpu.memref_slice %arg2[%dma_wait3A_159, %dma_wait3A_160] : memref<10000x64xf32, #tpu.memory_space<hbm>> -> memref<10000x64xf32, #tpu.memory_space<hbm>>
        tpu.wait_indirect_dma semaphore(%arg18 : memref<!tpu.dma_semaphore, #tpu.memory_space<semaphore_mem>>) src(%dma_wait3A_161 : memref<10000x64xf32, #tpu.memory_space<hbm>>) dst(%arg12 : memref<125x64xf32, #tpu.memory_space<vmem>>)
        %dma_start3A_162 = arith.constant 0 : i32
        %dma_start3A_163 = tpu.memref_slice %arg8[%add3A_142, %dma_start3A_162] : memref<160x125xi32, #tpu.memory_space<vmem>> -> memref<1x125xi32, #tpu.memory_space<vmem>>
        %dma_start3A_164 = tpu.memref_squeeze %dma_start3A_163 : memref<1x125xi32, #tpu.memory_space<vmem>> -> memref<125xi32, #tpu.memory_space<vmem>>
        %dma_start3A_165 = arith.constant 0 : i32
        %dma_start3A_166 = arith.constant 0 : i32
        %dma_start3A_167 = tpu.memref_slice %arg14[%dma_start3A_165, %dma_start3A_166] : memref<10000x64xf32, #tpu.memory_space<vmem_shared>> -> memref<10000x64xf32, #tpu.memory_space<vmem_shared>>
        tpu.enqueue_indirect_dma source(%arg12 : memref<125x64xf32, #tpu.memory_space<vmem>>) target(%dma_start3A_167 : memref<10000x64xf32, #tpu.memory_space<vmem_shared>>) offsets(%dma_start3A_164 : memref<125xi32, #tpu.memory_space<vmem>>) semaphore(%arg23 : memref<!tpu.dma_semaphore, #tpu.memory_space<semaphore_mem>>) {add = true}
        %mul3A_168 = arith.constant 5 : i32
        %mul3A_169 = arith.muli %scan3A_54, %mul3A_168 : i32
        %add3A_170 = arith.constant 4 : i32
        %add3A_171 = arith.addi %mul3A_169, %add3A_170 : i32
        %sub3A_172 = arith.constant 2 : i32
        %sub3A_173 = arith.subi %add3A_171, %sub3A_172 : i32
        %dma_wait3A_174 = arith.constant 0 : i32
        %dma_wait3A_175 = tpu.memref_slice %arg8[%sub3A_173, %dma_wait3A_174] : memref<160x125xi32, #tpu.memory_space<vmem>> -> memref<1x125xi32, #tpu.memory_space<vmem>>
        %dma_wait3A_176 = tpu.memref_squeeze %dma_wait3A_175 : memref<1x125xi32, #tpu.memory_space<vmem>> -> memref<125xi32, #tpu.memory_space<vmem>>
        %dma_wait3A_177 = arith.constant 0 : i32
        %dma_wait3A_178 = arith.constant 0 : i32
        %dma_wait3A_179 = tpu.memref_slice %arg14[%dma_wait3A_177, %dma_wait3A_178] : memref<10000x64xf32, #tpu.memory_space<vmem_shared>> -> memref<10000x64xf32, #tpu.memory_space<vmem_shared>>
        tpu.wait_indirect_dma semaphore(%arg22 : memref<!tpu.dma_semaphore, #tpu.memory_space<semaphore_mem>>) src(%arg11 : memref<125x64xf32, #tpu.memory_space<vmem>>) dst(%dma_wait3A_179 : memref<10000x64xf32, #tpu.memory_space<vmem_shared>>)
        %lt3A_180 = arith.constant 31 : i32
        %lt3A_181 = arith.cmpi slt, %scan3A_54, %lt3A_180 : i32
        %convert_element_type3A_182 = arith.extui %lt3A_181 : i1 to i32
        %cond3A_183 = arith.constant 0 : i32
        %cond3A_184 = arith.cmpi ne, %convert_element_type3A_182, %cond3A_183 : i32
        scf.if %cond3A_184 {
          %add3A_197 = arith.constant 3 : i32
          %add3A_198 = arith.addi %add3A_171, %add3A_197 : i32
          %dma_start3A_199 = arith.constant 0 : i32
          %dma_start3A_200 = tpu.memref_slice %arg7[%add3A_198, %dma_start3A_199] : memref<160x125xi32, #tpu.memory_space<vmem>> -> memref<1x125xi32, #tpu.memory_space<vmem>>
          %dma_start3A_201 = tpu.memref_squeeze %dma_start3A_200 : memref<1x125xi32, #tpu.memory_space<vmem>> -> memref<125xi32, #tpu.memory_space<vmem>>
          %dma_start3A_202 = arith.constant 0 : i32
          %dma_start3A_203 = arith.constant 0 : i32
          %dma_start3A_204 = tpu.memref_slice %arg2[%dma_start3A_202, %dma_start3A_203] : memref<10000x64xf32, #tpu.memory_space<hbm>> -> memref<10000x64xf32, #tpu.memory_space<hbm>>
          tpu.enqueue_indirect_dma source(%dma_start3A_204 : memref<10000x64xf32, #tpu.memory_space<hbm>>) target(%arg11 : memref<125x64xf32, #tpu.memory_space<vmem>>) offsets(%dma_start3A_201 : memref<125xi32, #tpu.memory_space<vmem>>) semaphore(%arg17 : memref<!tpu.dma_semaphore, #tpu.memory_space<semaphore_mem>>)
        } else {
        }
        %dma_wait3A_185 = arith.constant 0 : i32
        %dma_wait3A_186 = tpu.memref_slice %arg7[%add3A_171, %dma_wait3A_185] : memref<160x125xi32, #tpu.memory_space<vmem>> -> memref<1x125xi32, #tpu.memory_space<vmem>>
        %dma_wait3A_187 = tpu.memref_squeeze %dma_wait3A_186 : memref<1x125xi32, #tpu.memory_space<vmem>> -> memref<125xi32, #tpu.memory_space<vmem>>
        %dma_wait3A_188 = arith.constant 0 : i32
        %dma_wait3A_189 = arith.constant 0 : i32
        %dma_wait3A_190 = tpu.memref_slice %arg2[%dma_wait3A_188, %dma_wait3A_189] : memref<10000x64xf32, #tpu.memory_space<hbm>> -> memref<10000x64xf32, #tpu.memory_space<hbm>>
        tpu.wait_indirect_dma semaphore(%arg19 : memref<!tpu.dma_semaphore, #tpu.memory_space<semaphore_mem>>) src(%dma_wait3A_190 : memref<10000x64xf32, #tpu.memory_space<hbm>>) dst(%arg13 : memref<125x64xf32, #tpu.memory_space<vmem>>)
        %dma_start3A_191 = arith.constant 0 : i32
        %dma_start3A_192 = tpu.memref_slice %arg8[%add3A_171, %dma_start3A_191] : memref<160x125xi32, #tpu.memory_space<vmem>> -> memref<1x125xi32, #tpu.memory_space<vmem>>
        %dma_start3A_193 = tpu.memref_squeeze %dma_start3A_192 : memref<1x125xi32, #tpu.memory_space<vmem>> -> memref<125xi32, #tpu.memory_space<vmem>>
        %dma_start3A_194 = arith.constant 0 : i32
        %dma_start3A_195 = arith.constant 0 : i32
        %dma_start3A_196 = tpu.memref_slice %arg14[%dma_start3A_194, %dma_start3A_195] : memref<10000x64xf32, #tpu.memory_space<vmem_shared>> -> memref<10000x64xf32, #tpu.memory_space<vmem_shared>>
        tpu.enqueue_indirect_dma source(%arg13 : memref<125x64xf32, #tpu.memory_space<vmem>>) target(%dma_start3A_196 : memref<10000x64xf32, #tpu.memory_space<vmem_shared>>) offsets(%dma_start3A_193 : memref<125xi32, #tpu.memory_space<vmem>>) semaphore(%arg24 : memref<!tpu.dma_semaphore, #tpu.memory_space<semaphore_mem>>) {add = true}
      }
      %scan3A_40 = arith.constant 32 : i32
      %dma_wait3A = arith.constant 158 : i32
      %dma_wait3A_41 = arith.constant 0 : i32
      %dma_wait3A_42 = tpu.memref_slice %arg8[%dma_wait3A, %dma_wait3A_41] : memref<160x125xi32, #tpu.memory_space<vmem>> -> memref<1x125xi32, #tpu.memory_space<vmem>>
      %dma_wait3A_43 = tpu.memref_squeeze %dma_wait3A_42 : memref<1x125xi32, #tpu.memory_space<vmem>> -> memref<125xi32, #tpu.memory_space<vmem>>
      %dma_wait3A_44 = arith.constant 0 : i32
      %dma_wait3A_45 = arith.constant 0 : i32
      %dma_wait3A_46 = tpu.memref_slice %arg14[%dma_wait3A_44, %dma_wait3A_45] : memref<10000x64xf32, #tpu.memory_space<vmem_shared>> -> memref<10000x64xf32, #tpu.memory_space<vmem_shared>>
      tpu.wait_indirect_dma semaphore(%arg23 : memref<!tpu.dma_semaphore, #tpu.memory_space<semaphore_mem>>) src(%arg12 : memref<125x64xf32, #tpu.memory_space<vmem>>) dst(%dma_wait3A_46 : memref<10000x64xf32, #tpu.memory_space<vmem_shared>>)
      %dma_wait3A_47 = arith.constant 159 : i32
      %dma_wait3A_48 = arith.constant 0 : i32
      %dma_wait3A_49 = tpu.memref_slice %arg8[%dma_wait3A_47, %dma_wait3A_48] : memref<160x125xi32, #tpu.memory_space<vmem>> -> memref<1x125xi32, #tpu.memory_space<vmem>>
      %dma_wait3A_50 = tpu.memref_squeeze %dma_wait3A_49 : memref<1x125xi32, #tpu.memory_space<vmem>> -> memref<125xi32, #tpu.memory_space<vmem>>
      %dma_wait3A_51 = arith.constant 0 : i32
      %dma_wait3A_52 = arith.constant 0 : i32
      %dma_wait3A_53 = tpu.memref_slice %arg14[%dma_wait3A_51, %dma_wait3A_52] : memref<10000x64xf32, #tpu.memory_space<vmem_shared>> -> memref<10000x64xf32, #tpu.memory_space<vmem_shared>>
      tpu.wait_indirect_dma semaphore(%arg24 : memref<!tpu.dma_semaphore, #tpu.memory_space<semaphore_mem>>) src(%arg13 : memref<125x64xf32, #tpu.memory_space<vmem>>) dst(%dma_wait3A_53 : memref<10000x64xf32, #tpu.memory_space<vmem_shared>>)
    } else {
    }
    %eq3A_6 = arith.constant 1 : i32
    %eq3A_7 = arith.cmpi eq, %arg0, %eq3A_6 : i32
    %convert_element_type3A_8 = arith.extui %eq3A_7 : i1 to i32
    %cond3A_9 = arith.constant 0 : i32
    %cond3A_10 = arith.cmpi ne, %convert_element_type3A_8, %cond3A_9 : i32
    scf.if %cond3A_10 {
      %dma_start3A = arith.constant 0 : i32
      %dma_start3A_16 = arith.constant 0 : i32
      %dma_start3A_17 = tpu.memref_slice %arg7[%dma_start3A, %dma_start3A_16] : memref<160x125xi32, #tpu.memory_space<vmem>> -> memref<1x125xi32, #tpu.memory_space<vmem>>
      %dma_start3A_18 = tpu.memref_squeeze %dma_start3A_17 : memref<1x125xi32, #tpu.memory_space<vmem>> -> memref<125xi32, #tpu.memory_space<vmem>>
      %dma_start3A_19 = arith.constant 0 : i32
      %dma_start3A_20 = arith.constant 0 : i32
      %dma_start3A_21 = tpu.memref_slice %arg3[%dma_start3A_19, %dma_start3A_20] : memref<10000x64xf32, #tpu.memory_space<hbm>> -> memref<10000x64xf32, #tpu.memory_space<hbm>>
      tpu.enqueue_indirect_dma source(%dma_start3A_21 : memref<10000x64xf32, #tpu.memory_space<hbm>>) target(%arg9 : memref<125x64xf32, #tpu.memory_space<vmem>>) offsets(%dma_start3A_18 : memref<125xi32, #tpu.memory_space<vmem>>) semaphore(%arg15 : memref<!tpu.dma_semaphore, #tpu.memory_space<semaphore_mem>>)
      %dma_start3A_22 = arith.constant 1 : i32
      %dma_start3A_23 = arith.constant 0 : i32
      %dma_start3A_24 = tpu.memref_slice %arg7[%dma_start3A_22, %dma_start3A_23] : memref<160x125xi32, #tpu.memory_space<vmem>> -> memref<1x125xi32, #tpu.memory_space<vmem>>
      %dma_start3A_25 = tpu.memref_squeeze %dma_start3A_24 : memref<1x125xi32, #tpu.memory_space<vmem>> -> memref<125xi32, #tpu.memory_space<vmem>>
      %dma_start3A_26 = arith.constant 0 : i32
      %dma_start3A_27 = arith.constant 0 : i32
      %dma_start3A_28 = tpu.memref_slice %arg3[%dma_start3A_26, %dma_start3A_27] : memref<10000x64xf32, #tpu.memory_space<hbm>> -> memref<10000x64xf32, #tpu.memory_space<hbm>>
      tpu.enqueue_indirect_dma source(%dma_start3A_28 : memref<10000x64xf32, #tpu.memory_space<hbm>>) target(%arg10 : memref<125x64xf32, #tpu.memory_space<vmem>>) offsets(%dma_start3A_25 : memref<125xi32, #tpu.memory_space<vmem>>) semaphore(%arg16 : memref<!tpu.dma_semaphore, #tpu.memory_space<semaphore_mem>>)
      %dma_start3A_29 = arith.constant 2 : i32
      %dma_start3A_30 = arith.constant 0 : i32
      %dma_start3A_31 = tpu.memref_slice %arg7[%dma_start3A_29, %dma_start3A_30] : memref<160x125xi32, #tpu.memory_space<vmem>> -> memref<1x125xi32, #tpu.memory_space<vmem>>
      %dma_start3A_32 = tpu.memref_squeeze %dma_start3A_31 : memref<1x125xi32, #tpu.memory_space<vmem>> -> memref<125xi32, #tpu.memory_space<vmem>>
      %dma_start3A_33 = arith.constant 0 : i32
      %dma_start3A_34 = arith.constant 0 : i32
      %dma_start3A_35 = tpu.memref_slice %arg3[%dma_start3A_33, %dma_start3A_34] : memref<10000x64xf32, #tpu.memory_space<hbm>> -> memref<10000x64xf32, #tpu.memory_space<hbm>>
      tpu.enqueue_indirect_dma source(%dma_start3A_35 : memref<10000x64xf32, #tpu.memory_space<hbm>>) target(%arg11 : memref<125x64xf32, #tpu.memory_space<vmem>>) offsets(%dma_start3A_32 : memref<125xi32, #tpu.memory_space<vmem>>) semaphore(%arg17 : memref<!tpu.dma_semaphore, #tpu.memory_space<semaphore_mem>>)
      %scan3A = arith.constant 0 : i32
      %scan3A_36 = arith.constant 0 : i32
      %scan3A_37 = arith.constant 32 : i32
      %scan3A_38 = arith.addi %scan3A_36, %scan3A_37 : i32
      %scan3A_39 = arith.constant 1 : i32
      scf.for %scan3A_54 = %scan3A_36 to %scan3A_38 step %scan3A_39  : i32 {
        %mul3A_55 = arith.constant 5 : i32
        %mul3A_56 = arith.muli %scan3A_54, %mul3A_55 : i32
        %add3A_57 = arith.constant 0 : i32
        %add3A_58 = arith.addi %mul3A_56, %add3A_57 : i32
        %gt3A = arith.constant 0 : i32
        %gt3A_59 = arith.cmpi sgt, %scan3A_54, %gt3A : i32
        %convert_element_type3A_60 = arith.extui %gt3A_59 : i1 to i32
        %cond3A_61 = arith.constant 0 : i32
        %cond3A_62 = arith.cmpi ne, %convert_element_type3A_60, %cond3A_61 : i32
        scf.if %cond3A_62 {
          %sub3A_197 = arith.constant 2 : i32
          %sub3A_198 = arith.subi %add3A_58, %sub3A_197 : i32
          %dma_wait3A_199 = arith.constant 0 : i32
          %dma_wait3A_200 = tpu.memref_slice %arg8[%sub3A_198, %dma_wait3A_199] : memref<160x125xi32, #tpu.memory_space<vmem>> -> memref<1x125xi32, #tpu.memory_space<vmem>>
          %dma_wait3A_201 = tpu.memref_squeeze %dma_wait3A_200 : memref<1x125xi32, #tpu.memory_space<vmem>> -> memref<125xi32, #tpu.memory_space<vmem>>
          %dma_wait3A_202 = arith.constant 0 : i32
          %dma_wait3A_203 = arith.constant 0 : i32
          %dma_wait3A_204 = tpu.memref_slice %arg14[%dma_wait3A_202, %dma_wait3A_203] : memref<10000x64xf32, #tpu.memory_space<vmem_shared>> -> memref<10000x64xf32, #tpu.memory_space<vmem_shared>>
          tpu.wait_indirect_dma semaphore(%arg23 : memref<!tpu.dma_semaphore, #tpu.memory_space<semaphore_mem>>) src(%arg12 : memref<125x64xf32, #tpu.memory_space<vmem>>) dst(%dma_wait3A_204 : memref<10000x64xf32, #tpu.memory_space<vmem_shared>>)
        } else {
        }
        %add3A_63 = arith.constant 3 : i32
        %add3A_64 = arith.addi %add3A_58, %add3A_63 : i32
        %dma_start3A_65 = arith.constant 0 : i32
        %dma_start3A_66 = tpu.memref_slice %arg7[%add3A_64, %dma_start3A_65] : memref<160x125xi32, #tpu.memory_space<vmem>> -> memref<1x125xi32, #tpu.memory_space<vmem>>
        %dma_start3A_67 = tpu.memref_squeeze %dma_start3A_66 : memref<1x125xi32, #tpu.memory_space<vmem>> -> memref<125xi32, #tpu.memory_space<vmem>>
        %dma_start3A_68 = arith.constant 0 : i32
        %dma_start3A_69 = arith.constant 0 : i32
        %dma_start3A_70 = tpu.memref_slice %arg3[%dma_start3A_68, %dma_start3A_69] : memref<10000x64xf32, #tpu.memory_space<hbm>> -> memref<10000x64xf32, #tpu.memory_space<hbm>>
        tpu.enqueue_indirect_dma source(%dma_start3A_70 : memref<10000x64xf32, #tpu.memory_space<hbm>>) target(%arg12 : memref<125x64xf32, #tpu.memory_space<vmem>>) offsets(%dma_start3A_67 : memref<125xi32, #tpu.memory_space<vmem>>) semaphore(%arg18 : memref<!tpu.dma_semaphore, #tpu.memory_space<semaphore_mem>>)
        %dma_wait3A_71 = arith.constant 0 : i32
        %dma_wait3A_72 = tpu.memref_slice %arg7[%add3A_58, %dma_wait3A_71] : memref<160x125xi32, #tpu.memory_space<vmem>> -> memref<1x125xi32, #tpu.memory_space<vmem>>
        %dma_wait3A_73 = tpu.memref_squeeze %dma_wait3A_72 : memref<1x125xi32, #tpu.memory_space<vmem>> -> memref<125xi32, #tpu.memory_space<vmem>>
        %dma_wait3A_74 = arith.constant 0 : i32
        %dma_wait3A_75 = arith.constant 0 : i32
        %dma_wait3A_76 = tpu.memref_slice %arg3[%dma_wait3A_74, %dma_wait3A_75] : memref<10000x64xf32, #tpu.memory_space<hbm>> -> memref<10000x64xf32, #tpu.memory_space<hbm>>
        tpu.wait_indirect_dma semaphore(%arg15 : memref<!tpu.dma_semaphore, #tpu.memory_space<semaphore_mem>>) src(%dma_wait3A_76 : memref<10000x64xf32, #tpu.memory_space<hbm>>) dst(%arg9 : memref<125x64xf32, #tpu.memory_space<vmem>>)
        %dma_start3A_77 = arith.constant 0 : i32
        %dma_start3A_78 = tpu.memref_slice %arg8[%add3A_58, %dma_start3A_77] : memref<160x125xi32, #tpu.memory_space<vmem>> -> memref<1x125xi32, #tpu.memory_space<vmem>>
        %dma_start3A_79 = tpu.memref_squeeze %dma_start3A_78 : memref<1x125xi32, #tpu.memory_space<vmem>> -> memref<125xi32, #tpu.memory_space<vmem>>
        %dma_start3A_80 = arith.constant 0 : i32
        %dma_start3A_81 = arith.constant 0 : i32
        %dma_start3A_82 = tpu.memref_slice %arg14[%dma_start3A_80, %dma_start3A_81] : memref<10000x64xf32, #tpu.memory_space<vmem_shared>> -> memref<10000x64xf32, #tpu.memory_space<vmem_shared>>
        tpu.enqueue_indirect_dma source(%arg9 : memref<125x64xf32, #tpu.memory_space<vmem>>) target(%dma_start3A_82 : memref<10000x64xf32, #tpu.memory_space<vmem_shared>>) offsets(%dma_start3A_79 : memref<125xi32, #tpu.memory_space<vmem>>) semaphore(%arg20 : memref<!tpu.dma_semaphore, #tpu.memory_space<semaphore_mem>>) {add = true}
        %mul3A_83 = arith.constant 5 : i32
        %mul3A_84 = arith.muli %scan3A_54, %mul3A_83 : i32
        %add3A_85 = arith.constant 1 : i32
        %add3A_86 = arith.addi %mul3A_84, %add3A_85 : i32
        %gt3A_87 = arith.constant 0 : i32
        %gt3A_88 = arith.cmpi sgt, %scan3A_54, %gt3A_87 : i32
        %convert_element_type3A_89 = arith.extui %gt3A_88 : i1 to i32
        %cond3A_90 = arith.constant 0 : i32
        %cond3A_91 = arith.cmpi ne, %convert_element_type3A_89, %cond3A_90 : i32
        scf.if %cond3A_91 {
          %sub3A_197 = arith.constant 2 : i32
          %sub3A_198 = arith.subi %add3A_86, %sub3A_197 : i32
          %dma_wait3A_199 = arith.constant 0 : i32
          %dma_wait3A_200 = tpu.memref_slice %arg8[%sub3A_198, %dma_wait3A_199] : memref<160x125xi32, #tpu.memory_space<vmem>> -> memref<1x125xi32, #tpu.memory_space<vmem>>
          %dma_wait3A_201 = tpu.memref_squeeze %dma_wait3A_200 : memref<1x125xi32, #tpu.memory_space<vmem>> -> memref<125xi32, #tpu.memory_space<vmem>>
          %dma_wait3A_202 = arith.constant 0 : i32
          %dma_wait3A_203 = arith.constant 0 : i32
          %dma_wait3A_204 = tpu.memref_slice %arg14[%dma_wait3A_202, %dma_wait3A_203] : memref<10000x64xf32, #tpu.memory_space<vmem_shared>> -> memref<10000x64xf32, #tpu.memory_space<vmem_shared>>
          tpu.wait_indirect_dma semaphore(%arg24 : memref<!tpu.dma_semaphore, #tpu.memory_space<semaphore_mem>>) src(%arg13 : memref<125x64xf32, #tpu.memory_space<vmem>>) dst(%dma_wait3A_204 : memref<10000x64xf32, #tpu.memory_space<vmem_shared>>)
        } else {
        }
        %add3A_92 = arith.constant 3 : i32
        %add3A_93 = arith.addi %add3A_86, %add3A_92 : i32
        %dma_start3A_94 = arith.constant 0 : i32
        %dma_start3A_95 = tpu.memref_slice %arg7[%add3A_93, %dma_start3A_94] : memref<160x125xi32, #tpu.memory_space<vmem>> -> memref<1x125xi32, #tpu.memory_space<vmem>>
        %dma_start3A_96 = tpu.memref_squeeze %dma_start3A_95 : memref<1x125xi32, #tpu.memory_space<vmem>> -> memref<125xi32, #tpu.memory_space<vmem>>
        %dma_start3A_97 = arith.constant 0 : i32
        %dma_start3A_98 = arith.constant 0 : i32
        %dma_start3A_99 = tpu.memref_slice %arg3[%dma_start3A_97, %dma_start3A_98] : memref<10000x64xf32, #tpu.memory_space<hbm>> -> memref<10000x64xf32, #tpu.memory_space<hbm>>
        tpu.enqueue_indirect_dma source(%dma_start3A_99 : memref<10000x64xf32, #tpu.memory_space<hbm>>) target(%arg13 : memref<125x64xf32, #tpu.memory_space<vmem>>) offsets(%dma_start3A_96 : memref<125xi32, #tpu.memory_space<vmem>>) semaphore(%arg19 : memref<!tpu.dma_semaphore, #tpu.memory_space<semaphore_mem>>)
        %dma_wait3A_100 = arith.constant 0 : i32
        %dma_wait3A_101 = tpu.memref_slice %arg7[%add3A_86, %dma_wait3A_100] : memref<160x125xi32, #tpu.memory_space<vmem>> -> memref<1x125xi32, #tpu.memory_space<vmem>>
        %dma_wait3A_102 = tpu.memref_squeeze %dma_wait3A_101 : memref<1x125xi32, #tpu.memory_space<vmem>> -> memref<125xi32, #tpu.memory_space<vmem>>
        %dma_wait3A_103 = arith.constant 0 : i32
        %dma_wait3A_104 = arith.constant 0 : i32
        %dma_wait3A_105 = tpu.memref_slice %arg3[%dma_wait3A_103, %dma_wait3A_104] : memref<10000x64xf32, #tpu.memory_space<hbm>> -> memref<10000x64xf32, #tpu.memory_space<hbm>>
        tpu.wait_indirect_dma semaphore(%arg16 : memref<!tpu.dma_semaphore, #tpu.memory_space<semaphore_mem>>) src(%dma_wait3A_105 : memref<10000x64xf32, #tpu.memory_space<hbm>>) dst(%arg10 : memref<125x64xf32, #tpu.memory_space<vmem>>)
        %dma_start3A_106 = arith.constant 0 : i32
        %dma_start3A_107 = tpu.memref_slice %arg8[%add3A_86, %dma_start3A_106] : memref<160x125xi32, #tpu.memory_space<vmem>> -> memref<1x125xi32, #tpu.memory_space<vmem>>
        %dma_start3A_108 = tpu.memref_squeeze %dma_start3A_107 : memref<1x125xi32, #tpu.memory_space<vmem>> -> memref<125xi32, #tpu.memory_space<vmem>>
        %dma_start3A_109 = arith.constant 0 : i32
        %dma_start3A_110 = arith.constant 0 : i32
        %dma_start3A_111 = tpu.memref_slice %arg14[%dma_start3A_109, %dma_start3A_110] : memref<10000x64xf32, #tpu.memory_space<vmem_shared>> -> memref<10000x64xf32, #tpu.memory_space<vmem_shared>>
        tpu.enqueue_indirect_dma source(%arg10 : memref<125x64xf32, #tpu.memory_space<vmem>>) target(%dma_start3A_111 : memref<10000x64xf32, #tpu.memory_space<vmem_shared>>) offsets(%dma_start3A_108 : memref<125xi32, #tpu.memory_space<vmem>>) semaphore(%arg21 : memref<!tpu.dma_semaphore, #tpu.memory_space<semaphore_mem>>) {add = true}
        %mul3A_112 = arith.constant 5 : i32
        %mul3A_113 = arith.muli %scan3A_54, %mul3A_112 : i32
        %add3A_114 = arith.constant 2 : i32
        %add3A_115 = arith.addi %mul3A_113, %add3A_114 : i32
        %sub3A = arith.constant 2 : i32
        %sub3A_116 = arith.subi %add3A_115, %sub3A : i32
        %dma_wait3A_117 = arith.constant 0 : i32
        %dma_wait3A_118 = tpu.memref_slice %arg8[%sub3A_116, %dma_wait3A_117] : memref<160x125xi32, #tpu.memory_space<vmem>> -> memref<1x125xi32, #tpu.memory_space<vmem>>
        %dma_wait3A_119 = tpu.memref_squeeze %dma_wait3A_118 : memref<1x125xi32, #tpu.memory_space<vmem>> -> memref<125xi32, #tpu.memory_space<vmem>>
        %dma_wait3A_120 = arith.constant 0 : i32
        %dma_wait3A_121 = arith.constant 0 : i32
        %dma_wait3A_122 = tpu.memref_slice %arg14[%dma_wait3A_120, %dma_wait3A_121] : memref<10000x64xf32, #tpu.memory_space<vmem_shared>> -> memref<10000x64xf32, #tpu.memory_space<vmem_shared>>
        tpu.wait_indirect_dma semaphore(%arg20 : memref<!tpu.dma_semaphore, #tpu.memory_space<semaphore_mem>>) src(%arg9 : memref<125x64xf32, #tpu.memory_space<vmem>>) dst(%dma_wait3A_122 : memref<10000x64xf32, #tpu.memory_space<vmem_shared>>)
        %lt3A = arith.constant 31 : i32
        %lt3A_123 = arith.cmpi slt, %scan3A_54, %lt3A : i32
        %convert_element_type3A_124 = arith.extui %lt3A_123 : i1 to i32
        %cond3A_125 = arith.constant 0 : i32
        %cond3A_126 = arith.cmpi ne, %convert_element_type3A_124, %cond3A_125 : i32
        scf.if %cond3A_126 {
          %add3A_197 = arith.constant 3 : i32
          %add3A_198 = arith.addi %add3A_115, %add3A_197 : i32
          %dma_start3A_199 = arith.constant 0 : i32
          %dma_start3A_200 = tpu.memref_slice %arg7[%add3A_198, %dma_start3A_199] : memref<160x125xi32, #tpu.memory_space<vmem>> -> memref<1x125xi32, #tpu.memory_space<vmem>>
          %dma_start3A_201 = tpu.memref_squeeze %dma_start3A_200 : memref<1x125xi32, #tpu.memory_space<vmem>> -> memref<125xi32, #tpu.memory_space<vmem>>
          %dma_start3A_202 = arith.constant 0 : i32
          %dma_start3A_203 = arith.constant 0 : i32
          %dma_start3A_204 = tpu.memref_slice %arg3[%dma_start3A_202, %dma_start3A_203] : memref<10000x64xf32, #tpu.memory_space<hbm>> -> memref<10000x64xf32, #tpu.memory_space<hbm>>
          tpu.enqueue_indirect_dma source(%dma_start3A_204 : memref<10000x64xf32, #tpu.memory_space<hbm>>) target(%arg9 : memref<125x64xf32, #tpu.memory_space<vmem>>) offsets(%dma_start3A_201 : memref<125xi32, #tpu.memory_space<vmem>>) semaphore(%arg15 : memref<!tpu.dma_semaphore, #tpu.memory_space<semaphore_mem>>)
        } else {
        }
        %dma_wait3A_127 = arith.constant 0 : i32
        %dma_wait3A_128 = tpu.memref_slice %arg7[%add3A_115, %dma_wait3A_127] : memref<160x125xi32, #tpu.memory_space<vmem>> -> memref<1x125xi32, #tpu.memory_space<vmem>>
        %dma_wait3A_129 = tpu.memref_squeeze %dma_wait3A_128 : memref<1x125xi32, #tpu.memory_space<vmem>> -> memref<125xi32, #tpu.memory_space<vmem>>
        %dma_wait3A_130 = arith.constant 0 : i32
        %dma_wait3A_131 = arith.constant 0 : i32
        %dma_wait3A_132 = tpu.memref_slice %arg3[%dma_wait3A_130, %dma_wait3A_131] : memref<10000x64xf32, #tpu.memory_space<hbm>> -> memref<10000x64xf32, #tpu.memory_space<hbm>>
        tpu.wait_indirect_dma semaphore(%arg17 : memref<!tpu.dma_semaphore, #tpu.memory_space<semaphore_mem>>) src(%dma_wait3A_132 : memref<10000x64xf32, #tpu.memory_space<hbm>>) dst(%arg11 : memref<125x64xf32, #tpu.memory_space<vmem>>)
        %dma_start3A_133 = arith.constant 0 : i32
        %dma_start3A_134 = tpu.memref_slice %arg8[%add3A_115, %dma_start3A_133] : memref<160x125xi32, #tpu.memory_space<vmem>> -> memref<1x125xi32, #tpu.memory_space<vmem>>
        %dma_start3A_135 = tpu.memref_squeeze %dma_start3A_134 : memref<1x125xi32, #tpu.memory_space<vmem>> -> memref<125xi32, #tpu.memory_space<vmem>>
        %dma_start3A_136 = arith.constant 0 : i32
        %dma_start3A_137 = arith.constant 0 : i32
        %dma_start3A_138 = tpu.memref_slice %arg14[%dma_start3A_136, %dma_start3A_137] : memref<10000x64xf32, #tpu.memory_space<vmem_shared>> -> memref<10000x64xf32, #tpu.memory_space<vmem_shared>>
        tpu.enqueue_indirect_dma source(%arg11 : memref<125x64xf32, #tpu.memory_space<vmem>>) target(%dma_start3A_138 : memref<10000x64xf32, #tpu.memory_space<vmem_shared>>) offsets(%dma_start3A_135 : memref<125xi32, #tpu.memory_space<vmem>>) semaphore(%arg22 : memref<!tpu.dma_semaphore, #tpu.memory_space<semaphore_mem>>) {add = true}
        %mul3A_139 = arith.constant 5 : i32
        %mul3A_140 = arith.muli %scan3A_54, %mul3A_139 : i32
        %add3A_141 = arith.constant 3 : i32
        %add3A_142 = arith.addi %mul3A_140, %add3A_141 : i32
        %sub3A_143 = arith.constant 2 : i32
        %sub3A_144 = arith.subi %add3A_142, %sub3A_143 : i32
        %dma_wait3A_145 = arith.constant 0 : i32
        %dma_wait3A_146 = tpu.memref_slice %arg8[%sub3A_144, %dma_wait3A_145] : memref<160x125xi32, #tpu.memory_space<vmem>> -> memref<1x125xi32, #tpu.memory_space<vmem>>
        %dma_wait3A_147 = tpu.memref_squeeze %dma_wait3A_146 : memref<1x125xi32, #tpu.memory_space<vmem>> -> memref<125xi32, #tpu.memory_space<vmem>>
        %dma_wait3A_148 = arith.constant 0 : i32
        %dma_wait3A_149 = arith.constant 0 : i32
        %dma_wait3A_150 = tpu.memref_slice %arg14[%dma_wait3A_148, %dma_wait3A_149] : memref<10000x64xf32, #tpu.memory_space<vmem_shared>> -> memref<10000x64xf32, #tpu.memory_space<vmem_shared>>
        tpu.wait_indirect_dma semaphore(%arg21 : memref<!tpu.dma_semaphore, #tpu.memory_space<semaphore_mem>>) src(%arg10 : memref<125x64xf32, #tpu.memory_space<vmem>>) dst(%dma_wait3A_150 : memref<10000x64xf32, #tpu.memory_space<vmem_shared>>)
        %lt3A_151 = arith.constant 31 : i32
        %lt3A_152 = arith.cmpi slt, %scan3A_54, %lt3A_151 : i32
        %convert_element_type3A_153 = arith.extui %lt3A_152 : i1 to i32
        %cond3A_154 = arith.constant 0 : i32
        %cond3A_155 = arith.cmpi ne, %convert_element_type3A_153, %cond3A_154 : i32
        scf.if %cond3A_155 {
          %add3A_197 = arith.constant 3 : i32
          %add3A_198 = arith.addi %add3A_142, %add3A_197 : i32
          %dma_start3A_199 = arith.constant 0 : i32
          %dma_start3A_200 = tpu.memref_slice %arg7[%add3A_198, %dma_start3A_199] : memref<160x125xi32, #tpu.memory_space<vmem>> -> memref<1x125xi32, #tpu.memory_space<vmem>>
          %dma_start3A_201 = tpu.memref_squeeze %dma_start3A_200 : memref<1x125xi32, #tpu.memory_space<vmem>> -> memref<125xi32, #tpu.memory_space<vmem>>
          %dma_start3A_202 = arith.constant 0 : i32
          %dma_start3A_203 = arith.constant 0 : i32
          %dma_start3A_204 = tpu.memref_slice %arg3[%dma_start3A_202, %dma_start3A_203] : memref<10000x64xf32, #tpu.memory_space<hbm>> -> memref<10000x64xf32, #tpu.memory_space<hbm>>
          tpu.enqueue_indirect_dma source(%dma_start3A_204 : memref<10000x64xf32, #tpu.memory_space<hbm>>) target(%arg10 : memref<125x64xf32, #tpu.memory_space<vmem>>) offsets(%dma_start3A_201 : memref<125xi32, #tpu.memory_space<vmem>>) semaphore(%arg16 : memref<!tpu.dma_semaphore, #tpu.memory_space<semaphore_mem>>)
        } else {
        }
        %dma_wait3A_156 = arith.constant 0 : i32
        %dma_wait3A_157 = tpu.memref_slice %arg7[%add3A_142, %dma_wait3A_156] : memref<160x125xi32, #tpu.memory_space<vmem>> -> memref<1x125xi32, #tpu.memory_space<vmem>>
        %dma_wait3A_158 = tpu.memref_squeeze %dma_wait3A_157 : memref<1x125xi32, #tpu.memory_space<vmem>> -> memref<125xi32, #tpu.memory_space<vmem>>
        %dma_wait3A_159 = arith.constant 0 : i32
        %dma_wait3A_160 = arith.constant 0 : i32
        %dma_wait3A_161 = tpu.memref_slice %arg3[%dma_wait3A_159, %dma_wait3A_160] : memref<10000x64xf32, #tpu.memory_space<hbm>> -> memref<10000x64xf32, #tpu.memory_space<hbm>>
        tpu.wait_indirect_dma semaphore(%arg18 : memref<!tpu.dma_semaphore, #tpu.memory_space<semaphore_mem>>) src(%dma_wait3A_161 : memref<10000x64xf32, #tpu.memory_space<hbm>>) dst(%arg12 : memref<125x64xf32, #tpu.memory_space<vmem>>)
        %dma_start3A_162 = arith.constant 0 : i32
        %dma_start3A_163 = tpu.memref_slice %arg8[%add3A_142, %dma_start3A_162] : memref<160x125xi32, #tpu.memory_space<vmem>> -> memref<1x125xi32, #tpu.memory_space<vmem>>
        %dma_start3A_164 = tpu.memref_squeeze %dma_start3A_163 : memref<1x125xi32, #tpu.memory_space<vmem>> -> memref<125xi32, #tpu.memory_space<vmem>>
        %dma_start3A_165 = arith.constant 0 : i32
        %dma_start3A_166 = arith.constant 0 : i32
        %dma_start3A_167 = tpu.memref_slice %arg14[%dma_start3A_165, %dma_start3A_166] : memref<10000x64xf32, #tpu.memory_space<vmem_shared>> -> memref<10000x64xf32, #tpu.memory_space<vmem_shared>>
        tpu.enqueue_indirect_dma source(%arg12 : memref<125x64xf32, #tpu.memory_space<vmem>>) target(%dma_start3A_167 : memref<10000x64xf32, #tpu.memory_space<vmem_shared>>) offsets(%dma_start3A_164 : memref<125xi32, #tpu.memory_space<vmem>>) semaphore(%arg23 : memref<!tpu.dma_semaphore, #tpu.memory_space<semaphore_mem>>) {add = true}
        %mul3A_168 = arith.constant 5 : i32
        %mul3A_169 = arith.muli %scan3A_54, %mul3A_168 : i32
        %add3A_170 = arith.constant 4 : i32
        %add3A_171 = arith.addi %mul3A_169, %add3A_170 : i32
        %sub3A_172 = arith.constant 2 : i32
        %sub3A_173 = arith.subi %add3A_171, %sub3A_172 : i32
        %dma_wait3A_174 = arith.constant 0 : i32
        %dma_wait3A_175 = tpu.memref_slice %arg8[%sub3A_173, %dma_wait3A_174] : memref<160x125xi32, #tpu.memory_space<vmem>> -> memref<1x125xi32, #tpu.memory_space<vmem>>
        %dma_wait3A_176 = tpu.memref_squeeze %dma_wait3A_175 : memref<1x125xi32, #tpu.memory_space<vmem>> -> memref<125xi32, #tpu.memory_space<vmem>>
        %dma_wait3A_177 = arith.constant 0 : i32
        %dma_wait3A_178 = arith.constant 0 : i32
        %dma_wait3A_179 = tpu.memref_slice %arg14[%dma_wait3A_177, %dma_wait3A_178] : memref<10000x64xf32, #tpu.memory_space<vmem_shared>> -> memref<10000x64xf32, #tpu.memory_space<vmem_shared>>
        tpu.wait_indirect_dma semaphore(%arg22 : memref<!tpu.dma_semaphore, #tpu.memory_space<semaphore_mem>>) src(%arg11 : memref<125x64xf32, #tpu.memory_space<vmem>>) dst(%dma_wait3A_179 : memref<10000x64xf32, #tpu.memory_space<vmem_shared>>)
        %lt3A_180 = arith.constant 31 : i32
        %lt3A_181 = arith.cmpi slt, %scan3A_54, %lt3A_180 : i32
        %convert_element_type3A_182 = arith.extui %lt3A_181 : i1 to i32
        %cond3A_183 = arith.constant 0 : i32
        %cond3A_184 = arith.cmpi ne, %convert_element_type3A_182, %cond3A_183 : i32
        scf.if %cond3A_184 {
          %add3A_197 = arith.constant 3 : i32
          %add3A_198 = arith.addi %add3A_171, %add3A_197 : i32
          %dma_start3A_199 = arith.constant 0 : i32
          %dma_start3A_200 = tpu.memref_slice %arg7[%add3A_198, %dma_start3A_199] : memref<160x125xi32, #tpu.memory_space<vmem>> -> memref<1x125xi32, #tpu.memory_space<vmem>>
          %dma_start3A_201 = tpu.memref_squeeze %dma_start3A_200 : memref<1x125xi32, #tpu.memory_space<vmem>> -> memref<125xi32, #tpu.memory_space<vmem>>
          %dma_start3A_202 = arith.constant 0 : i32
          %dma_start3A_203 = arith.constant 0 : i32
          %dma_start3A_204 = tpu.memref_slice %arg3[%dma_start3A_202, %dma_start3A_203] : memref<10000x64xf32, #tpu.memory_space<hbm>> -> memref<10000x64xf32, #tpu.memory_space<hbm>>
          tpu.enqueue_indirect_dma source(%dma_start3A_204 : memref<10000x64xf32, #tpu.memory_space<hbm>>) target(%arg11 : memref<125x64xf32, #tpu.memory_space<vmem>>) offsets(%dma_start3A_201 : memref<125xi32, #tpu.memory_space<vmem>>) semaphore(%arg17 : memref<!tpu.dma_semaphore, #tpu.memory_space<semaphore_mem>>)
        } else {
        }
        %dma_wait3A_185 = arith.constant 0 : i32
        %dma_wait3A_186 = tpu.memref_slice %arg7[%add3A_171, %dma_wait3A_185] : memref<160x125xi32, #tpu.memory_space<vmem>> -> memref<1x125xi32, #tpu.memory_space<vmem>>
        %dma_wait3A_187 = tpu.memref_squeeze %dma_wait3A_186 : memref<1x125xi32, #tpu.memory_space<vmem>> -> memref<125xi32, #tpu.memory_space<vmem>>
        %dma_wait3A_188 = arith.constant 0 : i32
        %dma_wait3A_189 = arith.constant 0 : i32
        %dma_wait3A_190 = tpu.memref_slice %arg3[%dma_wait3A_188, %dma_wait3A_189] : memref<10000x64xf32, #tpu.memory_space<hbm>> -> memref<10000x64xf32, #tpu.memory_space<hbm>>
        tpu.wait_indirect_dma semaphore(%arg19 : memref<!tpu.dma_semaphore, #tpu.memory_space<semaphore_mem>>) src(%dma_wait3A_190 : memref<10000x64xf32, #tpu.memory_space<hbm>>) dst(%arg13 : memref<125x64xf32, #tpu.memory_space<vmem>>)
        %dma_start3A_191 = arith.constant 0 : i32
        %dma_start3A_192 = tpu.memref_slice %arg8[%add3A_171, %dma_start3A_191] : memref<160x125xi32, #tpu.memory_space<vmem>> -> memref<1x125xi32, #tpu.memory_space<vmem>>
        %dma_start3A_193 = tpu.memref_squeeze %dma_start3A_192 : memref<1x125xi32, #tpu.memory_space<vmem>> -> memref<125xi32, #tpu.memory_space<vmem>>
        %dma_start3A_194 = arith.constant 0 : i32
        %dma_start3A_195 = arith.constant 0 : i32
        %dma_start3A_196 = tpu.memref_slice %arg14[%dma_start3A_194, %dma_start3A_195] : memref<10000x64xf32, #tpu.memory_space<vmem_shared>> -> memref<10000x64xf32, #tpu.memory_space<vmem_shared>>
        tpu.enqueue_indirect_dma source(%arg13 : memref<125x64xf32, #tpu.memory_space<vmem>>) target(%dma_start3A_196 : memref<10000x64xf32, #tpu.memory_space<vmem_shared>>) offsets(%dma_start3A_193 : memref<125xi32, #tpu.memory_space<vmem>>) semaphore(%arg24 : memref<!tpu.dma_semaphore, #tpu.memory_space<semaphore_mem>>) {add = true}
      }
      %scan3A_40 = arith.constant 32 : i32
      %dma_wait3A = arith.constant 158 : i32
      %dma_wait3A_41 = arith.constant 0 : i32
      %dma_wait3A_42 = tpu.memref_slice %arg8[%dma_wait3A, %dma_wait3A_41] : memref<160x125xi32, #tpu.memory_space<vmem>> -> memref<1x125xi32, #tpu.memory_space<vmem>>
      %dma_wait3A_43 = tpu.memref_squeeze %dma_wait3A_42 : memref<1x125xi32, #tpu.memory_space<vmem>> -> memref<125xi32, #tpu.memory_space<vmem>>
      %dma_wait3A_44 = arith.constant 0 : i32
      %dma_wait3A_45 = arith.constant 0 : i32
      %dma_wait3A_46 = tpu.memref_slice %arg14[%dma_wait3A_44, %dma_wait3A_45] : memref<10000x64xf32, #tpu.memory_space<vmem_shared>> -> memref<10000x64xf32, #tpu.memory_space<vmem_shared>>
      tpu.wait_indirect_dma semaphore(%arg23 : memref<!tpu.dma_semaphore, #tpu.memory_space<semaphore_mem>>) src(%arg12 : memref<125x64xf32, #tpu.memory_space<vmem>>) dst(%dma_wait3A_46 : memref<10000x64xf32, #tpu.memory_space<vmem_shared>>)
      %dma_wait3A_47 = arith.constant 159 : i32
      %dma_wait3A_48 = arith.constant 0 : i32
      %dma_wait3A_49 = tpu.memref_slice %arg8[%dma_wait3A_47, %dma_wait3A_48] : memref<160x125xi32, #tpu.memory_space<vmem>> -> memref<1x125xi32, #tpu.memory_space<vmem>>
      %dma_wait3A_50 = tpu.memref_squeeze %dma_wait3A_49 : memref<1x125xi32, #tpu.memory_space<vmem>> -> memref<125xi32, #tpu.memory_space<vmem>>
      %dma_wait3A_51 = arith.constant 0 : i32
      %dma_wait3A_52 = arith.constant 0 : i32
      %dma_wait3A_53 = tpu.memref_slice %arg14[%dma_wait3A_51, %dma_wait3A_52] : memref<10000x64xf32, #tpu.memory_space<vmem_shared>> -> memref<10000x64xf32, #tpu.memory_space<vmem_shared>>
      tpu.wait_indirect_dma semaphore(%arg24 : memref<!tpu.dma_semaphore, #tpu.memory_space<semaphore_mem>>) src(%arg13 : memref<125x64xf32, #tpu.memory_space<vmem>>) dst(%dma_wait3A_53 : memref<10000x64xf32, #tpu.memory_space<vmem_shared>>)
    } else {
    }
    %barrier3A_11 = arith.constant 0 : index
    tpu.barrier barrier_id(%barrier3A_11)
    %mul3A_12 = arith.constant 625 : i32
    %mul3A_13 = arith.muli %arg1, %mul3A_12 : i32
    %mul3A_14 = arith.constant 625 : i32
    %mul3A_15 = arith.muli %arg1, %mul3A_14 : i32
    "tpu.region"() ({
      %run_scoped3A = tpu.sem_alloc : memref<!tpu.dma_semaphore, #tpu.memory_space<semaphore_mem>>
      %dma_start3A = arith.constant 0 : i32
      %dma_start3A_16 = tpu.memref_slice %arg6[%arg0, %mul3A_15, %dma_start3A] : memref<2x10000x64xf32, #tpu.memory_space<hbm>> -> memref<1x625x64xf32, #tpu.memory_space<hbm>>
      %dma_start3A_17 = tpu.memref_squeeze %dma_start3A_16 : memref<1x625x64xf32, #tpu.memory_space<hbm>> -> memref<625x64xf32, #tpu.memory_space<hbm>>
      %dma_start3A_18 = arith.constant 0 : i32
      %dma_start3A_19 = tpu.memref_slice %arg14[%mul3A_13, %dma_start3A_18] : memref<10000x64xf32, #tpu.memory_space<vmem_shared>> -> memref<625x64xf32, #tpu.memory_space<vmem_shared>>
      tpu.enqueue_dma source(%dma_start3A_19 : memref<625x64xf32, #tpu.memory_space<vmem_shared>>) target(%dma_start3A_17 : memref<625x64xf32, #tpu.memory_space<hbm>>) target_semaphore(%run_scoped3A : memref<!tpu.dma_semaphore, #tpu.memory_space<semaphore_mem>>)
      %dma_wait3A = arith.constant 0 : i32
      %dma_wait3A_20 = tpu.memref_slice %arg6[%arg0, %mul3A_15, %dma_wait3A] : memref<2x10000x64xf32, #tpu.memory_space<hbm>> -> memref<1x625x64xf32, #tpu.memory_space<hbm>>
      %dma_wait3A_21 = tpu.memref_squeeze %dma_wait3A_20 : memref<1x625x64xf32, #tpu.memory_space<hbm>> -> memref<625x64xf32, #tpu.memory_space<hbm>>
      %dma_wait3A_22 = arith.constant 0 : i32
      %dma_wait3A_23 = tpu.memref_slice %arg14[%mul3A_13, %dma_wait3A_22] : memref<10000x64xf32, #tpu.memory_space<vmem_shared>> -> memref<625x64xf32, #tpu.memory_space<vmem_shared>>
      tpu.wait_dma2 semaphore(%run_scoped3A : memref<!tpu.dma_semaphore, #tpu.memory_space<semaphore_mem>>) src(%dma_wait3A_23 : memref<625x64xf32, #tpu.memory_space<vmem_shared>>) dst(%dma_wait3A_21 : memref<625x64xf32, #tpu.memory_space<hbm>>)
      tpu.yield
    }) : () -> ()
    return
  }
}

module attributes {stable_mosaic.version = 14 : i64} {
  func.func @_tc_l1_body(%arg0: i32, %arg1: memref<1000x128xf32, #tpu.memory_space<vmem>>, %arg2: memref<128x128xf32, #tpu.memory_space<vmem>>, %arg3: memref<1000x128xf32, #tpu.memory_space<vmem>>, %arg4: memref<1000x64xf32, #tpu.memory_space<vmem>>, %arg5: memref<1000x64xf32, #tpu.memory_space<vmem>>) attributes {dimension_semantics = [#tpu.dimension_semantics<arbitrary>], iteration_bounds = array<i64: 10>, scalar_prefetch = 0 : i64, scratch_operands = 0 : i64, tpu.core_type = #tpu.core_type<tc>, window_params = [{transform_indices = @transform_0, window_bounds = array<i64: 1000, 128>}, {pipeline_mode = #tpu.pipeline_mode<synchronous>, transform_indices = @transform_1, window_bounds = array<i64: 128, 128>}, {transform_indices = @transform_2, window_bounds = array<i64: 1000, 128>}, {transform_indices = @transform_3, window_bounds = array<i64: 1000, 64>}, {transform_indices = @transform_4, window_bounds = array<i64: 1000, 64>}]} {
    %get3A = arith.constant 0 : index
    %get3A_0 = arith.constant 0 : index
    %get3A_1 = vector.load %arg3[%get3A, %get3A_0] : memref<1000x128xf32, #tpu.memory_space<vmem>>, vector<1000x128xf32>
    %add3A = arith.constant 1.000000e+00 : f32
    %add3A_2 = vector.broadcast %add3A : f32 to vector<1000x128xf32>
    %add3A_3 = arith.addf %get3A_1, %add3A_2 : vector<1000x128xf32>
    %rsqrt3A = math.rsqrt %add3A_3 : vector<1000x128xf32>
    %get3A_4 = arith.constant 0 : index
    %get3A_5 = arith.constant 0 : index
    %get3A_6 = vector.load %arg1[%get3A_4, %get3A_5] : memref<1000x128xf32, #tpu.memory_space<vmem>>, vector<1000x128xf32>
    %get3A_7 = arith.constant 0 : index
    %get3A_8 = arith.constant 0 : index
    %get3A_9 = vector.load %arg2[%get3A_7, %get3A_8] : memref<128x128xf32, #tpu.memory_space<vmem>>, vector<128x128xf32>
    %dot_general3A = arith.constant dense<0.000000e+00> : vector<1000x128xf32>
    %dot_general3A_10 = tpu.matmul %get3A_6, %get3A_9, %dot_general3A {dimension_numbers = #tpu.dot_dimension_numbers<[1], [0], [0], [1], [0, 0, 1, 1], [], []>, transpose_lhs_hint = false} : vector<1000x128xf32>, vector<128x128xf32>, vector<1000x128xf32> -> vector<1000x128xf32>
    %mul3A = arith.mulf %dot_general3A_10, %rsqrt3A : vector<1000x128xf32>
    %slice3A = vector.extract_strided_slice %mul3A {offsets = [0, 0], sizes = [1000, 64], strides = [1, 1]} : vector<1000x128xf32> to vector<1000x64xf32>
    %swap3A = arith.constant 0 : index
    %swap3A_11 = arith.constant 0 : index
    %swap3A_12 = vector.load %arg4[%swap3A, %swap3A_11] : memref<1000x64xf32, #tpu.memory_space<vmem>>, vector<1000x64xf32>
    tpu.vector_store %arg4[%swap3A, %swap3A_11], %slice3A {strides = array<i32>} : memref<1000x64xf32, #tpu.memory_space<vmem>>, vector<1000x64xf32>,
    %slice3A_13 = vector.extract_strided_slice %mul3A {offsets = [0, 64], sizes = [1000, 64], strides = [1, 1]} : vector<1000x128xf32> to vector<1000x64xf32>
    %swap3A_14 = arith.constant 0 : index
    %swap3A_15 = arith.constant 0 : index
    %swap3A_16 = vector.load %arg5[%swap3A_14, %swap3A_15] : memref<1000x64xf32, #tpu.memory_space<vmem>>, vector<1000x64xf32>
    tpu.vector_store %arg5[%swap3A_14, %swap3A_15], %slice3A_13 {strides = array<i32>} : memref<1000x64xf32, #tpu.memory_space<vmem>>, vector<1000x64xf32>,
    return
  }
  func.func @transform_0(%arg0: i32) -> (i32, i32) {
    %c0_i32 = arith.constant 0 : i32
    %c0_i32_0 = arith.constant 0 : i32
    return %arg0, %c0_i32 : i32, i32
  }
  func.func @transform_1(%arg0: i32) -> (i32, i32) {
    %c0_i32 = arith.constant 0 : i32
    %c0_i32_0 = arith.constant 0 : i32
    %c0_i32_1 = arith.constant 0 : i32
    return %c0_i32, %c0_i32_0 : i32, i32
  }
  func.func @transform_2(%arg0: i32) -> (i32, i32) {
    %c0_i32 = arith.constant 0 : i32
    %c0_i32_0 = arith.constant 0 : i32
    return %arg0, %c0_i32 : i32, i32
  }
  func.func @transform_3(%arg0: i32) -> (i32, i32) {
    %c0_i32 = arith.constant 0 : i32
    %c0_i32_0 = arith.constant 0 : i32
    return %arg0, %c0_i32 : i32, i32
  }
  func.func @transform_4(%arg0: i32) -> (i32, i32) {
    %c0_i32 = arith.constant 0 : i32
    %c0_i32_0 = arith.constant 0 : i32
    return %arg0, %c0_i32 : i32, i32
  }
}

module attributes {stable_mosaic.version = 14 : i64} {
  func.func @_tc_l2_body(%arg0: i32, %arg1: memref<1x1000x64xf32, #tpu.memory_space<vmem>>, %arg2: memref<1x1000x64xf32, #tpu.memory_space<vmem>>, %arg3: memref<1000x64xf32, #tpu.memory_space<vmem>>, %arg4: memref<1000x64xf32, #tpu.memory_space<vmem>>, %arg5: memref<1000x128xf32, #tpu.memory_space<vmem>>, %arg6: memref<1x128xf32, #tpu.memory_space<vmem>>, %arg7: memref<128x128xf32, #tpu.memory_space<vmem>>, %arg8: memref<1000x64xf32, #tpu.memory_space<vmem>>, %arg9: memref<1000x64xf32, #tpu.memory_space<vmem>>) attributes {dimension_semantics = [#tpu.dimension_semantics<arbitrary>], iteration_bounds = array<i64: 10>, scalar_prefetch = 0 : i64, scratch_operands = 0 : i64, tpu.core_type = #tpu.core_type<tc>, window_params = [{transform_indices = @transform_0, window_bounds = array<i64: 1, 1000, 64>}, {transform_indices = @transform_1, window_bounds = array<i64: 1, 1000, 64>}, {transform_indices = @transform_2, window_bounds = array<i64: 1000, 64>}, {transform_indices = @transform_3, window_bounds = array<i64: 1000, 64>}, {transform_indices = @transform_4, window_bounds = array<i64: 1000, 128>}, {pipeline_mode = #tpu.pipeline_mode<synchronous>, transform_indices = @transform_5, window_bounds = array<i64: 1, 128>}, {pipeline_mode = #tpu.pipeline_mode<synchronous>, transform_indices = @transform_6, window_bounds = array<i64: 128, 128>}, {transform_indices = @transform_7, window_bounds = array<i64: 1000, 64>}, {transform_indices = @transform_8, window_bounds = array<i64: 1000, 64>}]} {
    %get3A = arith.constant 0 : index
    %get3A_0 = arith.constant 0 : index
    %get3A_1 = vector.load %arg5[%get3A, %get3A_0] : memref<1000x128xf32, #tpu.memory_space<vmem>>, vector<1000x128xf32>
    %add3A = arith.constant 1.000000e+00 : f32
    %add3A_2 = vector.broadcast %add3A : f32 to vector<1000x128xf32>
    %add3A_3 = arith.addf %get3A_1, %add3A_2 : vector<1000x128xf32>
    %rsqrt3A = math.rsqrt %add3A_3 : vector<1000x128xf32>
    %get3A_4 = arith.constant 0 : index
    %get3A_5 = arith.constant 0 : index
    %get3A_6 = arith.constant 0 : index
    %get3A_7 = vector.load %arg1[%get3A_4, %get3A_5, %get3A_6] : memref<1x1000x64xf32, #tpu.memory_space<vmem>>, vector<1x1000x64xf32>
    %get3A_8 = vector.shape_cast %get3A_7 : vector<1x1000x64xf32> to vector<1000x64xf32>
    %get3A_9 = arith.constant 0 : index
    %get3A_10 = arith.constant 0 : index
    %get3A_11 = arith.constant 0 : index
    %get3A_12 = vector.load %arg2[%get3A_9, %get3A_10, %get3A_11] : memref<1x1000x64xf32, #tpu.memory_space<vmem>>, vector<1x1000x64xf32>
    %get3A_13 = vector.shape_cast %get3A_12 : vector<1x1000x64xf32> to vector<1000x64xf32>
    %concatenate3A = tpu.concatenate %get3A_8, %get3A_13 in 1 : vector<1000x64xf32>, vector<1000x64xf32> -> vector<1000x128xf32>
    %get3A_14 = arith.constant 0 : index
    %get3A_15 = arith.constant 0 : index
    %get3A_16 = vector.load %arg3[%get3A_14, %get3A_15] : memref<1000x64xf32, #tpu.memory_space<vmem>>, vector<1000x64xf32>
    %get3A_17 = arith.constant 0 : index
    %get3A_18 = arith.constant 0 : index
    %get3A_19 = vector.load %arg4[%get3A_17, %get3A_18] : memref<1000x64xf32, #tpu.memory_space<vmem>>, vector<1000x64xf32>
    %concatenate3A_20 = tpu.concatenate %get3A_16, %get3A_19 in 1 : vector<1000x64xf32>, vector<1000x64xf32> -> vector<1000x128xf32>
    %add3A_21 = arith.addf %concatenate3A, %concatenate3A_20 : vector<1000x128xf32>
    %mul3A = arith.mulf %rsqrt3A, %add3A_21 : vector<1000x128xf32>
    %get3A_22 = arith.constant 0 : index
    %get3A_23 = arith.constant 0 : index
    %get3A_24 = vector.load %arg6[%get3A_22, %get3A_23] : memref<1x128xf32, #tpu.memory_space<vmem>>, vector<1x128xf32>
    %add3A_25 = vector.broadcast %get3A_24 : vector<1x128xf32> to vector<1000x128xf32>
    %add3A_26 = arith.addf %mul3A, %add3A_25 : vector<1000x128xf32>
    %max3A = arith.constant 0.000000e+00 : f32
    %max3A_27 = vector.broadcast %max3A : f32 to vector<1000x128xf32>
    %max3A_28 = arith.maximumf %add3A_26, %max3A_27 : vector<1000x128xf32>
    %get3A_29 = arith.constant 0 : index
    %get3A_30 = arith.constant 0 : index
    %get3A_31 = vector.load %arg7[%get3A_29, %get3A_30] : memref<128x128xf32, #tpu.memory_space<vmem>>, vector<128x128xf32>
    %dot_general3A = arith.constant dense<0.000000e+00> : vector<1000x128xf32>
    %dot_general3A_32 = tpu.matmul %max3A_28, %get3A_31, %dot_general3A {dimension_numbers = #tpu.dot_dimension_numbers<[1], [0], [0], [1], [0, 0, 1, 1], [], []>, transpose_lhs_hint = false} : vector<1000x128xf32>, vector<128x128xf32>, vector<1000x128xf32> -> vector<1000x128xf32>
    %mul3A_33 = arith.mulf %dot_general3A_32, %rsqrt3A : vector<1000x128xf32>
    %slice3A = vector.extract_strided_slice %mul3A_33 {offsets = [0, 0], sizes = [1000, 64], strides = [1, 1]} : vector<1000x128xf32> to vector<1000x64xf32>
    %swap3A = arith.constant 0 : index
    %swap3A_34 = arith.constant 0 : index
    %swap3A_35 = vector.load %arg8[%swap3A, %swap3A_34] : memref<1000x64xf32, #tpu.memory_space<vmem>>, vector<1000x64xf32>
    tpu.vector_store %arg8[%swap3A, %swap3A_34], %slice3A {strides = array<i32>} : memref<1000x64xf32, #tpu.memory_space<vmem>>, vector<1000x64xf32>,
    %slice3A_36 = vector.extract_strided_slice %mul3A_33 {offsets = [0, 64], sizes = [1000, 64], strides = [1, 1]} : vector<1000x128xf32> to vector<1000x64xf32>
    %swap3A_37 = arith.constant 0 : index
    %swap3A_38 = arith.constant 0 : index
    %swap3A_39 = vector.load %arg9[%swap3A_37, %swap3A_38] : memref<1000x64xf32, #tpu.memory_space<vmem>>, vector<1000x64xf32>
    tpu.vector_store %arg9[%swap3A_37, %swap3A_38], %slice3A_36 {strides = array<i32>} : memref<1000x64xf32, #tpu.memory_space<vmem>>, vector<1000x64xf32>,
    return
  }
  func.func @transform_0(%arg0: i32) -> (i32, i32, i32) {
    %c0_i32 = arith.constant 0 : i32
    %c0_i32_0 = arith.constant 0 : i32
    %c0_i32_1 = arith.constant 0 : i32
    return %c0_i32, %arg0, %c0_i32_0 : i32, i32, i32
  }
  func.func @transform_1(%arg0: i32) -> (i32, i32, i32) {
    %c1_i32 = arith.constant 1 : i32
    %c0_i32 = arith.constant 0 : i32
    %c0_i32_0 = arith.constant 0 : i32
    return %c1_i32, %arg0, %c0_i32 : i32, i32, i32
  }
  func.func @transform_2(%arg0: i32) -> (i32, i32) {
    %c0_i32 = arith.constant 0 : i32
    %c0_i32_0 = arith.constant 0 : i32
    return %arg0, %c0_i32 : i32, i32
  }
  func.func @transform_3(%arg0: i32) -> (i32, i32) {
    %c0_i32 = arith.constant 0 : i32
    %c0_i32_0 = arith.constant 0 : i32
    return %arg0, %c0_i32 : i32, i32
  }
  func.func @transform_4(%arg0: i32) -> (i32, i32) {
    %c0_i32 = arith.constant 0 : i32
    %c0_i32_0 = arith.constant 0 : i32
    return %arg0, %c0_i32 : i32, i32
  }
  func.func @transform_5(%arg0: i32) -> (i32, i32) {
    %c0_i32 = arith.constant 0 : i32
    %c0_i32_0 = arith.constant 0 : i32
    %c0_i32_1 = arith.constant 0 : i32
    return %c0_i32, %c0_i32_0 : i32, i32
  }
  func.func @transform_6(%arg0: i32) -> (i32, i32) {
    %c0_i32 = arith.constant 0 : i32
    %c0_i32_0 = arith.constant 0 : i32
    %c0_i32_1 = arith.constant 0 : i32
    return %c0_i32, %c0_i32_0 : i32, i32
  }
  func.func @transform_7(%arg0: i32) -> (i32, i32) {
    %c0_i32 = arith.constant 0 : i32
    %c0_i32_0 = arith.constant 0 : i32
    return %arg0, %c0_i32 : i32, i32
  }
  func.func @transform_8(%arg0: i32) -> (i32, i32) {
    %c0_i32 = arith.constant 0 : i32
    %c0_i32_0 = arith.constant 0 : i32
    return %arg0, %c0_i32 : i32, i32
  }
}

module attributes {stable_mosaic.version = 14 : i64} {
  func.func @_tc_out_body(%arg0: i32, %arg1: memref<1x1000x64xf32, #tpu.memory_space<vmem>>, %arg2: memref<1x1000x64xf32, #tpu.memory_space<vmem>>, %arg3: memref<1000x64xf32, #tpu.memory_space<vmem>>, %arg4: memref<1000x64xf32, #tpu.memory_space<vmem>>, %arg5: memref<1000x128xf32, #tpu.memory_space<vmem>>, %arg6: memref<1x128xf32, #tpu.memory_space<vmem>>, %arg7: memref<1000x128xf32, #tpu.memory_space<vmem>>) attributes {dimension_semantics = [#tpu.dimension_semantics<arbitrary>], iteration_bounds = array<i64: 10>, scalar_prefetch = 0 : i64, scratch_operands = 0 : i64, tpu.core_type = #tpu.core_type<tc>, window_params = [{transform_indices = @transform_0, window_bounds = array<i64: 1, 1000, 64>}, {transform_indices = @transform_1, window_bounds = array<i64: 1, 1000, 64>}, {transform_indices = @transform_2, window_bounds = array<i64: 1000, 64>}, {transform_indices = @transform_3, window_bounds = array<i64: 1000, 64>}, {transform_indices = @transform_4, window_bounds = array<i64: 1000, 128>}, {pipeline_mode = #tpu.pipeline_mode<synchronous>, transform_indices = @transform_5, window_bounds = array<i64: 1, 128>}, {transform_indices = @transform_6, window_bounds = array<i64: 1000, 128>}]} {
    %get3A = arith.constant 0 : index
    %get3A_0 = arith.constant 0 : index
    %get3A_1 = vector.load %arg5[%get3A, %get3A_0] : memref<1000x128xf32, #tpu.memory_space<vmem>>, vector<1000x128xf32>
    %add3A = arith.constant 1.000000e+00 : f32
    %add3A_2 = vector.broadcast %add3A : f32 to vector<1000x128xf32>
    %add3A_3 = arith.addf %get3A_1, %add3A_2 : vector<1000x128xf32>
    %rsqrt3A = math.rsqrt %add3A_3 : vector<1000x128xf32>
    %get3A_4 = arith.constant 0 : index
    %get3A_5 = arith.constant 0 : index
    %get3A_6 = arith.constant 0 : index
    %get3A_7 = vector.load %arg1[%get3A_4, %get3A_5, %get3A_6] : memref<1x1000x64xf32, #tpu.memory_space<vmem>>, vector<1x1000x64xf32>
    %get3A_8 = vector.shape_cast %get3A_7 : vector<1x1000x64xf32> to vector<1000x64xf32>
    %get3A_9 = arith.constant 0 : index
    %get3A_10 = arith.constant 0 : index
    %get3A_11 = arith.constant 0 : index
    %get3A_12 = vector.load %arg2[%get3A_9, %get3A_10, %get3A_11] : memref<1x1000x64xf32, #tpu.memory_space<vmem>>, vector<1x1000x64xf32>
    %get3A_13 = vector.shape_cast %get3A_12 : vector<1x1000x64xf32> to vector<1000x64xf32>
    %concatenate3A = tpu.concatenate %get3A_8, %get3A_13 in 1 : vector<1000x64xf32>, vector<1000x64xf32> -> vector<1000x128xf32>
    %get3A_14 = arith.constant 0 : index
    %get3A_15 = arith.constant 0 : index
    %get3A_16 = vector.load %arg3[%get3A_14, %get3A_15] : memref<1000x64xf32, #tpu.memory_space<vmem>>, vector<1000x64xf32>
    %get3A_17 = arith.constant 0 : index
    %get3A_18 = arith.constant 0 : index
    %get3A_19 = vector.load %arg4[%get3A_17, %get3A_18] : memref<1000x64xf32, #tpu.memory_space<vmem>>, vector<1000x64xf32>
    %concatenate3A_20 = tpu.concatenate %get3A_16, %get3A_19 in 1 : vector<1000x64xf32>, vector<1000x64xf32> -> vector<1000x128xf32>
    %add3A_21 = arith.addf %concatenate3A, %concatenate3A_20 : vector<1000x128xf32>
    %mul3A = arith.mulf %rsqrt3A, %add3A_21 : vector<1000x128xf32>
    %get3A_22 = arith.constant 0 : index
    %get3A_23 = arith.constant 0 : index
    %get3A_24 = vector.load %arg6[%get3A_22, %get3A_23] : memref<1x128xf32, #tpu.memory_space<vmem>>, vector<1x128xf32>
    %add3A_25 = vector.broadcast %get3A_24 : vector<1x128xf32> to vector<1000x128xf32>
    %add3A_26 = arith.addf %mul3A, %add3A_25 : vector<1000x128xf32>
    %swap3A = arith.constant 0 : index
    %swap3A_27 = arith.constant 0 : index
    %swap3A_28 = vector.load %arg7[%swap3A, %swap3A_27] : memref<1000x128xf32, #tpu.memory_space<vmem>>, vector<1000x128xf32>
    tpu.vector_store %arg7[%swap3A, %swap3A_27], %add3A_26 {strides = array<i32>} : memref<1000x128xf32, #tpu.memory_space<vmem>>, vector<1000x128xf32>,
    return
  }
  func.func @transform_0(%arg0: i32) -> (i32, i32, i32) {
    %c0_i32 = arith.constant 0 : i32
    %c0_i32_0 = arith.constant 0 : i32
    %c0_i32_1 = arith.constant 0 : i32
    return %c0_i32, %arg0, %c0_i32_0 : i32, i32, i32
  }
  func.func @transform_1(%arg0: i32) -> (i32, i32, i32) {
    %c1_i32 = arith.constant 1 : i32
    %c0_i32 = arith.constant 0 : i32
    %c0_i32_0 = arith.constant 0 : i32
    return %c1_i32, %arg0, %c0_i32 : i32, i32, i32
  }
  func.func @transform_2(%arg0: i32) -> (i32, i32) {
    %c0_i32 = arith.constant 0 : i32
    %c0_i32_0 = arith.constant 0 : i32
    return %arg0, %c0_i32 : i32, i32
  }
  func.func @transform_3(%arg0: i32) -> (i32, i32) {
    %c0_i32 = arith.constant 0 : i32
    %c0_i32_0 = arith.constant 0 : i32
    return %arg0, %c0_i32 : i32, i32
  }
  func.func @transform_4(%arg0: i32) -> (i32, i32) {
    %c0_i32 = arith.constant 0 : i32
    %c0_i32_0 = arith.constant 0 : i32
    return %arg0, %c0_i32 : i32, i32
  }
  func.func @transform_5(%arg0: i32) -> (i32, i32) {
    %c0_i32 = arith.constant 0 : i32
    %c0_i32_0 = arith.constant 0 : i32
    %c0_i32_1 = arith.constant 0 : i32
    return %c0_i32, %c0_i32_0 : i32, i32
  }
  func.func @transform_6(%arg0: i32) -> (i32, i32) {
    %c0_i32 = arith.constant 0 : i32
    %c0_i32_0 = arith.constant 0 : i32
    return %arg0, %c0_i32 : i32, i32
  }
}

</mosaic_0001>

<sc_bundles>
// kernel: kernel.11.cloned.1.call-start
scs
__scs_entry_jumppad:
0x0: {  	(pc) =	sbr.rel $0x88, $3  }
0x1: {  	(tag) =	ssettag $0x0;
	lr =	simm.s32 $0x1  }
0x2: {  	[smem:$0x3F9B] =	sst lr;
	_ =	strace $0xD0000000  }
0x3: {  	_ = 	snop  }
0x4: {  	_ = 	snop  }
0x5: {  	_ = 	snop  }
0x6: {  	_ = 	snop  }
0x7: {  	_ = 	snop  }
__scs_overlays_trampoline_lowered:
0x8: {  	[smem:$0x3FAA] =	sst s0  }
0x9: {  	[smem:$0x3FAB] =	sst s1  }
0xa: {  	[smem:$0x3FAC] =	sst s2  }
0xb: {  	[smem:$0x3FAD] =	sst s3  }
0xc: {  	[smem:$0x3FAE] =	sst s4  }
0xd: {  	[smem:$0x3FAF] =	sst s5  }
0xe: {  	[smem:$0x3FB0] =	sst s6  }
0xf: {  	[smem:$0x3FB1] =	sst s7  }
0x10: {  	[smem:$0x3FB2] =	sst s8  }
0x11: {  	[smem:$0x3FB3] =	sst s9;
	s0 =	simm.s32 @!p0 $0x0  }
0x12: {  	s1 =	sld [smem:$0x3F99];
	s0 =	simm.s32 @p0 $0x1  }
0x13: {  	[smem:$0x3FB4] =	sst s0;
	s0 =	simm.s32 @!p1 $0x0  }
0x14: {  	s2 =	sld [smem:$0x3F98];
	s0 =	simm.s32 @p1 $0x1  }
0x15: {  	[smem:$0x3FB5] =	sst s0;
	s0 =	simm.s32 @!p2 $0x0  }
0x16: {  	s3 =	sld [smem:$0x3FDB];
	s0 =	simm.s32 @p2 $0x1  }
0x17: {  	s4 =	simm.s32 $0x1BF5;
	[smem:$0x3FB7] =	sst s0  }
0x18: {  	s0 =	sld [smem:$0x3F9A];
	_ =	swait.ge [sflag:s4], $0x0  }
0x19: {  	s7 =	sld [smem:$0x3F9B]  }
0x1a: {  	s8 =	sadd.s32 $0xFFFFE003, lr  }
0x1b: {  	s9 =	sadd.s32 $0xFFFFFEF7, lr;
	s5 =	simm.s32 $0xFFFFFFFF;
	p2 =	slt.u32 s8, $0xFFFFF086  }
0x1c: {  	p1 =	slt.u32 s9, $0xF7A;
	s5 =	simm.s32 @!p2 $0x0  }
0x1d: {  	s5 =	simm.s32 @p1 $0x1;
	p0 =	seq.s32 s7, s2  }
0x1e: {  	s7 =	smul.u32 @!p0 $0xF7A, s2;
	p2 =	seq.s32 @!p0 s5, $0x0  }
0x1f: {  	s9 =	smul.u32 $0xF7A, s1;
	s8 =	simm.s32 @!p0 $0x1BF5;
	p2 =	por !p2, p0  }
0x20: {  	[sflag:s8] =	ssyncset.s32 @!p0 $0xFFFFF086;
	s6 =	sadd.s32 @!p0 s3, s7;
	s7 =	simm.s32 @!p0 $0x108  }
0x21: {  	s3 =	sadd.s32 s3, s9;
	s6 =	sadd.s32 @!p0 $0x88, s6;
	s7 =	simm.s32 @p2 $0x1082  }
0x22: {  	[simem:s7], [sflag:s8] =	dma.local @!p0 [hbm:s6], $0xF7A  }
0x23: {  	s9 =	sor.u32 $0xD0000000, s2;
	s6 =	simm.s32 $0x108;
	_ =	swait.ge @!p0 [sflag:s8], $0x0  }
0x24: {  	s3 =	sadd.s32 $0x88, s3;
	s6 =	simm.s32 @!p1 $0x1082;
	[sflag:s4] =	ssyncset.s32 $0xFFFFF086  }
0x25: {  	[simem:s6], [sflag:s4] =	dma.local [hbm:s3], $0xF7A  }
0x26: {  	[smem:$0x3F9B] =	sst s1;
	(tag) =	ssettag s2;
	_ =	strace s9  }
0x27: {  	s1 =	sld [smem:$0x3FAB]  }
0x28: {  	s2 =	sld [smem:$0x3FAC]  }
0x29: {  	s4 =	sld [smem:$0x3FAE]  }
0x2a: {  	p0 =	seq.s32 s5, $0x0;
	s5 =	sld [smem:$0x3FAF]  }
0x2b: {  	s6 =	sld [smem:$0x3FB0]  }
0x2c: {  	s7 =	sld [smem:$0x3FB1]  }
0x2d: {  	s3 =	simm.s32 $0x108;
	s8 =	sld [smem:$0x3FB2]  }
0x2e: {  	s3 =	simm.s32 @!p0 $0x1082;
	s9 =	sld [smem:$0x3FB3]  }
0x2f: {  	lr =	sadd.s32 s0, s3;
	s0 =	sld [smem:$0x3FAA]  }
0x30: {  	s3 =	sld [smem:$0x3FAD]  }
0x31: {  	[smem:$0x3FB6] =	sst s10  }
0x32: {  	s10 =	sld [smem:$0x3FB4];
	_ =	sdelay $0x3  }
0x33: {  	p0 =	seq.s32 s10, $0x1;
	s10 =	sld [smem:$0x3FB6];
	_ =	sdelay $0x3  }
0x34: {  	[smem:$0x3FB6] =	sst s10  }
0x35: {  	s10 =	sld [smem:$0x3FB5];
	_ =	sdelay $0x3  }
0x36: {  	p1 =	seq.s32 s10, $0x1;
	s10 =	sld [smem:$0x3FB6];
	_ =	sdelay $0x3  }
0x37: {  	[smem:$0x3FB6] =	sst s10  }
0x38: {  	s10 =	sld [smem:$0x3FB7]  }
0x39: {  	_ = 	snop;
	(pc) =	sbr.ind lr, $3  }
0x3a: {  	_ = 	snop  }
0x3b: {  	_ = 	snop  }
0x3c: {  	p2 =	seq.s32 s10, $0x1;
	s10 =	sld [smem:$0x3FB6]  }
0x3d: {  	_ =	shalt  }
0x3e: {  	_ =	shalt  }
0x3f: {  	_ =	shalt  }
0x40: {  	_ =	shalt  }
0x41: {  	_ =	shalt  }
0x42: {  	_ =	shalt  }
0x43: {  	_ =	shalt  }
0x44: {  	_ =	shalt  }
0x45: {  	_ =	shalt  }
0x46: {  	_ =	shalt  }
0x47: {  	_ =	shalt  }
0x48: {  	_ =	shalt  }
0x49: {  	_ =	shalt  }
0x4a: {  	_ =	shalt  }
0x4b: {  	_ =	shalt  }
0x4c: {  	_ =	shalt  }
0x4d: {  	_ =	shalt  }
0x4e: {  	_ =	shalt  }
0x4f: {  	_ =	shalt  }
0x50: {  	_ =	shalt  }
0x51: {  	_ =	shalt  }
0x52: {  	_ =	shalt  }
0x53: {  	_ =	shalt  }
0x54: {  	_ =	shalt  }
0x55: {  	_ =	shalt  }
0x56: {  	_ =	shalt  }
0x57: {  	_ =	shalt  }
0x58: {  	_ =	shalt  }
0x59: {  	_ =	shalt  }
0x5a: {  	_ =	shalt  }
0x5b: {  	_ =	shalt  }
0x5c: {  	_ =	shalt  }
0x5d: {  	_ =	shalt  }
0x5e: {  	_ =	shalt  }
0x5f: {  	_ =	shalt  }
0x60: {  	_ =	shalt  }
0x61: {  	_ =	shalt  }
0x62: {  	_ =	shalt  }
0x63: {  	_ =	shalt  }
0x64: {  	_ =	shalt  }
0x65: {  	_ =	shalt  }
0x66: {  	_ =	shalt  }
0x67: {  	_ =	shalt  }
0x68: {  	_ =	shalt  }
0x69: {  	_ =	shalt  }
0x6a: {  	_ =	shalt  }
0x6b: {  	_ =	shalt  }
0x6c: {  	_ =	shalt  }
0x6d: {  	_ =	shalt  }
0x6e: {  	_ =	shalt  }
0x6f: {  	_ =	shalt  }
0x70: {  	_ =	shalt  }
0x71: {  	_ =	shalt  }
0x72: {  	_ =	shalt  }
0x73: {  	_ =	shalt  }
0x74: {  	_ =	shalt  }
0x75: {  	_ =	shalt  }
0x76: {  	_ =	shalt  }
0x77: {  	_ =	shalt  }
0x78: {  	_ =	shalt  }
0x79: {  	_ =	shalt  }
0x7a: {  	_ =	shalt  }
0x7b: {  	_ =	shalt  }
0x7c: {  	_ =	shalt  }
0x7d: {  	_ =	shalt  }
0x7e: {  	_ =	shalt  }
0x7f: {  	_ =	shalt  }
0x80: {  	_ =	shalt  }
0x81: {  	_ =	shalt  }
0x82: {  	_ =	shalt  }
0x83: {  	_ =	shalt  }
0x84: {  	_ =	shalt  }
0x85: {  	_ =	shalt  }
0x86: {  	_ =	shalt  }
0x87: {  	_ =	shalt  }
.Lfunc_end0:
.L_simem_size_0:
called_computation.1_lowered:
.L_overlay_start_0:
0x88: {  	s2 =	sld [smem:$0x3FD9]  }
0x89: {  	s3 =	sld [smem:$0x3FFE];
	_ =	sdelay $0x1  }
0x8a: {  	s1 =	srdreg.scid  }
0x8b: {  	s0 =	sand.u32 $0x1, s1  }
0x8c: {  	s16 =	sshll.u32 s0, $0xA;
	s2 =	sadd.s32 s3, s2  }
0x8d: {  	s2 =	sadd.s32 s2, s16  }
0x8e: {  	[smem:$0x3FC2] =	sst s2  }
0x8f: {  	_ = 	snop  }
0x90: {  	(tm) =	ssettm $0x1  }
0x91: {  	s17 =	sld [smem:$0x3FFB];
	_ =	sdelay $0x3  }
0x92: {  	_ =	strace s17  }
0x93: {  	s2 =	sld [smem:$0x3FFC];
	_ =	sdelay $0x3  }
0x94: {  	_ =	strace s2  }
0x95: {  	s2 =	sld [smem:$0x3FFD];
	_ =	sdelay $0x3  }
0x96: {  	_ =	strace s2  }
0x97: {  	_ =	strace $0x8FFFFFFF  }
0x98: {  	s18 =	sld [smem:$0x3FDB];
	_ =	sdelay $0x1  }
0x99: {  	s19 =	simm.s32 $_scs_section_size  }
0x9a: {  	s4 =	simm.s32 $_size__tile_overlayer_lowered;
	s5 =	simm.s32 $_tile_overlayer_lowered  }
0x9b: {  	s22 =	simm.s32 $0x1BFF;
	s21 =	sshll.u32 s5, $0x1;
	s2 =	sadd.s32 s19, s18  }
0x9c: {  	s6 =	simm.s32 $0x0;
	s20 =	sshll.u32 s4, $0x1;
	s4 =	sadd.s32 s21, s2  }
0x9d: {  	[timem:s6], [sflag:s22] =	dma.local [hbm:s4], s20  }
0x9e: {  	_ =	swait.ge [sflag:s22], s20  }
0x9f: {  	s3 =	ssub.s32 $0x0, s20;
	[sflag:s22] =	ssyncset.done $0x0  }
0xa0: {  	[sflag:s22] =	ssyncadd.s32 s3;
	_ =	sdelay $0x1  }
0xa1: {  	s23 =	simm.s32 $0x1B8B  }
0xa2: {  	_ =	swait.ge [sflag:s23], $0x1  }
0xa3: {  	[sflag:s23] =	ssyncset.done $0x0  }
0xa4: {  	s25 =	simm.s32 $0x1B8E;
	s24 =	sld [smem:$0x3FFE];
	[sflag:s23] =	ssyncadd.s32 $0xFFFFFFFF  }
0xa5: {  	s26 =	simm.s32 $execute0_lowered;
	[smem:$0x3FD2] =	sst s25  }
0xa6: {  	s4 =	sshll.u32 s26, $0x1;
	_ =	strace $0x80000049;
	[dreg:$0x1] =	wrdreg $0xFFFFFFFF  }
0xa7: {  	s28 =	simm.s32 $_size_execute0_lowered;
	s2 =	sadd.s32 s2, s4;
	[dreg:$0x0] =	wrdreg $0x0  }
0xa8: {  	s4 =	sshll.u32 s28, $0x1;
	[dreg:$0x2] =	wrdreg s2  }
0xa9: {  	[dreg:$0x3] =	wrdreg s4  }
0xaa: {  	[dreg:$0x4] =	wrdreg $0xC0  }
0xab: {  	_ =	task [dreg:s6], $0x5FFFF  }
0xac: {  	[dreg:$0x1] =	wrdreg $0xFFFFFFFF  }
0xad: {  	[dreg:$0x0] =	wrdreg $0x60  }
0xae: {  	[dreg:$0x2] =	wrdreg s24  }
0xaf: {  	[dreg:$0x3] =	wrdreg $0x13C400  }
0xb0: {  	[dreg:$0x4] =	wrdreg $0x9  }
0xb1: {  	_ =	task.clear_ibuf [dreg:s6], $0x5FFFF;
	_ =	strace $0x90000049  }
0xb2: {  	s29 =	simm.s32 $0x9;
	_ =	strace $0x8000004B  }
0xb3: {  	_ =	swait.ge [sflag:s29], $0x1  }
0xb4: {  	[sflag:s29] =	ssyncadd.s32 $0xFFFFFFFF  }
0xb5: {  	_ =	strace $0x9000004B  }
0xb6: {  	_ =	sfence  }
0xb7: {  	s30 =	sld [smem:$0x0];
	_ =	sdelay $0x2  }
0xb8: {  	s31 =	sshll.u32 s1, $0xD;
	s1 =	sshrl.u32 s1, $0x2  }
0xb9: {  	s3 =	sand.u32 $0x4000, s31;
	s1 =	sadd.s32 s1, s30  }
0xba: {  	s0 =	sor.u32 s3, s0;
	s1 =	sshll.u32 s1, $0x11  }
0xbb: {  	s0 =	sor.u32 s1, s0  }
0xbc: {  	s0 =	sadd.s32 $0x8F2B, s0  }
0xbd: {  	[sflag:s0] =	ssyncadd.remote.s32 $0x1  }
0xbe: {  	_ =	sfence.sel $0xFFFF  }
0xbf: {  	[dreg:$0x0] =	wrdreg $0xFFFFFFFF;
	(pc) =	sbr.abs _section_cstart, $3  }
0xc0: {  	[dreg:$0x1] =	wrdreg $0xFFFFFFFF  }
0xc1: {  	_ =	task.clear_ibuf [dreg:s6], $0x2FFFF;
	_ =	strace $0x9FFFFFFF  }
0xc2: {  	(tm) =	ssettm $0x7FFFFFFF  }
0xc3: {  	_ =	shalt  }
tec
execute0_lowered:
.L_overlay_start_1:
0x0: {  	(tag) =	ssettag $0x1  }
0x1: {  	s0 =	rddreg [dreg:$0x0]  }
0x2: {  	s2 =	rddreg [dreg:$0x1];
	s1 =	srdreg.scid  }
0x3: {  	s12 =	stileid.u32;
	s4 =	simm.s32 $0x0;
	s13 =	simm.s32 $0xB  }
0x4: {  	s14 =	simm.s32 $0x5000;
	s15 =	simm.s32 $0x7D;
	s16 =	simm.s32 $0xA000  }
0x5: {  	s18 =	simm.s32 $0xBF40;
	s20 =	simm.s32 $0xDE80;
	s29 =	simm.s32 $0x6  }
0x6: {  	s31 =	simm.s32 $0x3;
	s19 =	simm.s32 $0x4;
	s30 =	simm.s32 $0x5  }
0x7: {  	s17 =	simm.s32 $0x9;
	s28 =	simm.s32 $0x0;
	s1 =	sand.u32 $0x1, s1  }
0x8: {  	s3 =	smul.u32 $0x9C40, s12;
	[smem:$0x7FF] =	sst s4;
	s4 =	sadd.s32 $0x3E000, s0  }
0x9: {  	s5 =	sadd.s32 $0x51A00, s0;
	s8 =	sadd.s32 $0x2E00, s0;
	s10 =	smul.u32 $0x5000, s12  }
0xa: {  	s21 =	sadd.s32 $0x65400, s0;
	s23 =	smul.u32 $0xA00, s12;
	s25 =	sshll.u32 s12, $0x6  }
0xb: {  	s6 =	smul.u32 $0x9C400, s1;
	_ =	strace $0x8000004A;
	s9 =	ssub.s32 $0x2, s1  }
0xc: {  	[dreg:$0x3] =	wrdreg s21;
	p0 =	seq.s32 s1, $0x1;
	s1 =	simm.s32 $0x7  }
0xd: {  	s21 =	simm.s32 $0xA;
	s22 =	sshrl.u32 s9, $0x1;
	s24 =	sshrl.u32 s10, $0x3  }
0xe: {  	s6 =	sadd.s32 s3, s6;
	s11 =	ssub.s32 s9, s22;
	s3 =	sadd.s32 s3, s2  }
.Ltmp0:
0xf: {  	s26 =	sadd.s32 s8, s24;
	s8 =	sadd.s32 s8, s23;
	(pc) =	sbr.rel .LBB2_1-.Ltmp0, $4  }
0x10: {  	s22 =	simm.s32 $0xFDC0;
	s23 =	simm.s32 $0x1;
	s24 =	simm.s32 $0x8  }
0x11: {  	s7 =	sshrl.u32 s6, $0x3;
	s9 =	sadd.s32 $0xA000, s26;
	s11 =	smax.u32 s11, $0x1  }
0x12: {  	s12 =	sshrl.u32 s3, $0x3;
	s26 =	simm.s32 $0x2;
	s0 =	sadd.s32 s7, s0  }
0x13: {  	s7 =	sor.u32 $0x1C0B, s25;
	s25 =	simm.s32 $0x11D00;
	s10 =	sadd.s32 $0x66800, s0  }
.LBB2_7:
0x14: {  	[spmem:s2] =	stream.indirect.scatter.add.f32 [tilespmem:s25], [sflag:$0xA], $0x40, s3, s15, $0xb8;
	[tilespmem:$0x1D880] =	vst v63  }
0x15: {  	_ =	swait.ge [sflag:s17], $0x1F40  }
0x16: {  	s0 =	sshra.s32 s0, $0x2;
	[sflag:s17] =	ssyncset.done $0x0  }
0x17: {  	s6 =	sadd.s32 $0x400, s0;
	[sflag:s17] =	ssyncadd.s32 $0xFFFFE0C0  }
0x18: {  	[tilespmem:s22], [sflag:$0x4] =	stream.indirect.gather [hbm4b:s5+s15], $0x40, s6, s15, $0xb8;
	[tilespmem:$0x1D880] =	vst v63  }
0x19: {  	_ =	swait.ge [sflag:s23], $0x1F40  }
0x1a: {  	[sflag:s23] =	ssyncset.done $0x0  }
0x1b: {  	s6 =	sadd.s32 $0x5280, s0;
	[sflag:s23] =	ssyncadd.s32 $0xFFFFE0C0  }
0x1c: {  	[spmem:s2] =	stream.indirect.scatter.add.f32 [tilespmem:s16], [sflag:$0x6], $0x40, s6, s15, $0xb8;
	[tilespmem:$0x1D880] =	vst v63  }
0x1d: {  	_ =	swait.ge [sflag:s21], $0x1F40  }
0x1e: {  	[sflag:s21] =	ssyncset.done $0x0  }
0x1f: {  	s6 =	simm.s32 $0x4F80;
	[sflag:s21] =	ssyncadd.s32 $0xFFFFE0C0  }
0x20: {  	[tilespmem:s25], [sflag:$0x5] =	stream.indirect.gather [hbm4b:s5+s15], $0x40, s6, s15, $0xb8;
	[tilespmem:$0x1D880] =	vst v63  }
0x21: {  	_ =	swait.ge [sflag:s26], $0x1F40  }
0x22: {  	[sflag:s26] =	ssyncset.done $0x0  }
0x23: {  	s6 =	sadd.s32 $0x5300, s0;
	[sflag:s26] =	ssyncadd.s32 $0xFFFFE0C0  }
0x24: {  	[spmem:s2] =	stream.indirect.scatter.add.f32 [tilespmem:s18], [sflag:$0x7], $0x40, s6, s15, $0xb8;
	[tilespmem:$0x1D880] =	vst v63  }
0x25: {  	_ =	swait.ge [sflag:s29], $0x1F40  }
0x26: {  	[sflag:s29] =	ssyncset.done $0x0  }
0x27: {  	[sflag:s29] =	ssyncadd.s32 $0xFFFFE0C0  }
0x28: {  	_ =	swait.ge [sflag:s31], $0x1F40  }
0x29: {  	[sflag:s31] =	ssyncset.done $0x0  }
0x2a: {  	s6 =	sadd.s32 $0x5380, s0;
	[sflag:s31] =	ssyncadd.s32 $0xFFFFE0C0  }
0x2b: {  	[spmem:s2] =	stream.indirect.scatter.add.f32 [tilespmem:s20], [sflag:$0x8], $0x40, s6, s15, $0xb8;
	[tilespmem:$0x1D880] =	vst v63  }
0x2c: {  	_ =	swait.ge [sflag:s1], $0x1F40  }
0x2d: {  	[sflag:s1] =	ssyncset.done $0x0  }
0x2e: {  	[sflag:s1] =	ssyncadd.s32 $0xFFFFE0C0  }
0x2f: {  	_ =	swait.ge [sflag:s19], $0x1F40  }
0x30: {  	[sflag:s19] =	ssyncset.done $0x0  }
0x31: {  	s0 =	sadd.s32 $0x5400, s0;
	[sflag:s19] =	ssyncadd.s32 $0xFFFFE0C0  }
0x32: {  	[spmem:s2] =	stream.indirect.scatter.add.f32 [tilespmem:s22], [sflag:$0x9], $0x40, s0, s15, $0xb8;
	[tilespmem:$0x1D880] =	vst v63  }
0x33: {  	_ =	swait.ge [sflag:s24], $0x1F40  }
0x34: {  	[sflag:s24] =	ssyncset.done $0x0  }
0x35: {  	[sflag:s24] =	ssyncadd.s32 $0xFFFFE0C0  }
0x36: {  	_ =	swait.ge [sflag:s30], $0x1F40  }
0x37: {  	[sflag:s30] =	ssyncset.done $0x0  }
0x38: {  	s6 =	simm.s32 $0x9F80;
	[sflag:s30] =	ssyncadd.s32 $0xFFFFE0C0  }
0x39: {  	[spmem:s2] =	stream.indirect.scatter.add.f32 [tilespmem:s25], [sflag:$0xA], $0x40, s6, s15, $0xb8;
	[tilespmem:$0x1D880] =	vst v63  }
.LBB2_8:
0x3a: {  	_ =	swait.ge [sflag:s17], $0x1F40  }
0x3b: {  	[sflag:s17] =	ssyncset.done $0x0  }
0x3c: {  	[sflag:s17] =	ssyncadd.s32 $0xFFFFE0C0  }
0x3d: {  	_ =	swait.ge [sflag:s21], $0x1F40  }
0x3e: {  	s28 =	sadd.s32 $0x1, s28;
	[sflag:s21] =	ssyncset.done $0x0  }
0x3f: {  	p1 =	sne.s32 s28, s11;
	[sflag:s21] =	ssyncadd.s32 $0xFFFFE0C0  }
.Ltmp1:
0x40: {  	[bflag:$0x0] =	sbarrier.arrive $0xFFFF;
	(pc) =	sbr.rel @!p1 .LBB2_9-.Ltmp1, $4  }
0x41: {  	[hbm:s10], [sflag:s7] =	dma.local [spmem:s12], $0x1388  }
0x42: {  	_ =	swait.ge [sflag:s13], $0x1388  }
0x43: {  	[sflag:s13] =	ssyncset.done $0x0  }
0x44: {  	[sflag:s13] =	ssyncadd.s32 $0xFFFFEC78  }
.LBB2_1:
0x45: {  	s0 =	rddreg [dreg:$0x3]  }
0x46: {  	[spmem:s12], [sflag:s7] =	dma.local [hbm:s0], $0x1388  }
0x47: {  	_ =	swait.ge [sflag:s13], $0x1388  }
0x48: {  	[sflag:s13] =	ssyncset.done $0x0  }
0x49: {  	s6 =	simm.s32 $0x0;
	[sflag:s13] =	ssyncadd.s32 $0xFFFFEC78  }
0x4a: {  	[tilespmem:s6], [sflag:$0xB] =	stream.linear.gather [hbm4b:s8+s6], $0x5000, $0x38;
	[tilespmem:$0x1D880] =	vst v63  }
0x4b: {  	_ =	swait.ge [sflag:s13], $0x5000  }
0x4c: {  	[sflag:s13] =	ssyncset.done $0x0  }
0x4d: {  	[sflag:s13] =	ssyncadd.s32 $0xFFFFB000  }
0x4e: {  	[tilespmem:s14], [sflag:$0xB] =	stream.linear.gather [hbm4b:s9+s6], $0x5000, $0x38;
	[tilespmem:$0x1D880] =	vst v63  }
.Ltmp2:
0x4f: {  	_ =	swait.ge [sflag:s13], $0x5000;
	(pc) =	sbr.rel @!p0 .LBB2_2-.Ltmp2, $4  }
0x50: {  	[sflag:s13] =	ssyncset.done $0x0  }
0x51: {  	[sflag:s13] =	ssyncadd.s32 $0xFFFFB000  }
0x52: {  	[bflag:$0x0] =	sbarrier.arrive $0xFFFF  }
0x53: {  	s0 =	simm.s32 $0x0  }
0x54: {  	[tilespmem:s16], [sflag:$0x1] =	stream.indirect.gather [hbm4b:s5+s15], $0x40, s0, s15, $0xb8;
	[tilespmem:$0x1D880] =	vst v63  }
0x55: {  	s3 =	simm.s32 $0x80  }
0x56: {  	[tilespmem:s18], [sflag:$0x2] =	stream.indirect.gather [hbm4b:s5+s15], $0x40, s3, s15, $0xb8;
	[tilespmem:$0x1D880] =	vst v63  }
0x57: {  	s6 =	simm.s32 $0x100  }
0x58: {  	[tilespmem:s20], [sflag:$0x3] =	stream.indirect.gather [hbm4b:s5+s15], $0x40, s6, s15, $0xb8;
	[tilespmem:$0x1D880] =	vst v63  }
0x59: {  	s3 =	simm.s32 $0x180  }
0x5a: {  	[tilespmem:s22], [sflag:$0x4] =	stream.indirect.gather [hbm4b:s5+s15], $0x40, s3, s15, $0xb8;
	[tilespmem:$0x1D880] =	vst v63  }
0x5b: {  	_ =	swait.ge [sflag:s23], $0x1F40  }
0x5c: {  	[sflag:s23] =	ssyncset.done $0x0  }
0x5d: {  	[sflag:s23] =	ssyncadd.s32 $0xFFFFE0C0  }
0x5e: {  	[spmem:s2] =	stream.indirect.scatter.add.f32 [tilespmem:s16], [sflag:$0x6], $0x40, s14, s15, $0xb8;
	[tilespmem:$0x1D880] =	vst v63  }
0x5f: {  	s6 =	simm.s32 $0x200  }
0x60: {  	[tilespmem:s25], [sflag:$0x5] =	stream.indirect.gather [hbm4b:s5+s15], $0x40, s6, s15, $0xb8;
	[tilespmem:$0x1D880] =	vst v63  }
0x61: {  	_ =	swait.ge [sflag:s26], $0x1F40  }
0x62: {  	[sflag:s26] =	ssyncset.done $0x0  }
0x63: {  	s3 =	simm.s32 $0x5080;
	[sflag:s26] =	ssyncadd.s32 $0xFFFFE0C0  }
0x64: {  	[spmem:s2] =	stream.indirect.scatter.add.f32 [tilespmem:s18], [sflag:$0x7], $0x40, s3, s15, $0xb8;
	[tilespmem:$0x1D880] =	vst v63  }
0x65: {  	_ =	swait.ge [sflag:s29], $0x1F40  }
0x66: {  	[sflag:s29] =	ssyncset.done $0x0  }
0x67: {  	s6 =	simm.s32 $0x280;
	[sflag:s29] =	ssyncadd.s32 $0xFFFFE0C0  }
0x68: {  	[tilespmem:s16], [sflag:$0x1] =	stream.indirect.gather [hbm4b:s5+s15], $0x40, s6, s15, $0xb8;
	[tilespmem:$0x1D880] =	vst v63  }
0x69: {  	_ =	swait.ge [sflag:s31], $0x1F40  }
0x6a: {  	[sflag:s31] =	ssyncset.done $0x0  }
0x6b: {  	s3 =	simm.s32 $0x5100;
	[sflag:s31] =	ssyncadd.s32 $0xFFFFE0C0  }
0x6c: {  	[spmem:s2] =	stream.indirect.scatter.add.f32 [tilespmem:s20], [sflag:$0x8], $0x40, s3, s15, $0xb8;
	[tilespmem:$0x1D880] =	vst v63  }
0x6d: {  	_ =	swait.ge [sflag:s1], $0x1F40  }
0x6e: {  	[sflag:s1] =	ssyncset.done $0x0  }
0x6f: {  	s6 =	simm.s32 $0x300;
	[sflag:s1] =	ssyncadd.s32 $0xFFFFE0C0  }
0x70: {  	[tilespmem:s18], [sflag:$0x2] =	stream.indirect.gather [hbm4b:s5+s15], $0x40, s6, s15, $0xb8;
	[tilespmem:$0x1D880] =	vst v63  }
0x71: {  	_ =	swait.ge [sflag:s19], $0x1F40  }
0x72: {  	[sflag:s19] =	ssyncset.done $0x0  }
0x73: {  	s3 =	simm.s32 $0x5180;
	[sflag:s19] =	ssyncadd.s32 $0xFFFFE0C0  }
0x74: {  	[spmem:s2] =	stream.indirect.scatter.add.f32 [tilespmem:s22], [sflag:$0x9], $0x40, s3, s15, $0xb8;
	[tilespmem:$0x1D880] =	vst v63  }
0x75: {  	_ =	swait.ge [sflag:s24], $0x1F40  }
0x76: {  	[sflag:s24] =	ssyncset.done $0x0  }
0x77: {  	s6 =	simm.s32 $0x380;
	[sflag:s24] =	ssyncadd.s32 $0xFFFFE0C0  }
0x78: {  	[tilespmem:s20], [sflag:$0x3] =	stream.indirect.gather [hbm4b:s5+s15], $0x40, s6, s15, $0xb8;
	[tilespmem:$0x1D880] =	vst v63  }
0x79: {  	_ =	swait.ge [sflag:s30], $0x1F40  }
0x7a: {  	[sflag:s30] =	ssyncset.done $0x0  }
0x7b: {  	s3 =	simm.s32 $0x5200;
	[sflag:s30] =	ssyncadd.s32 $0xFFFFE0C0  }
0x7c: {  	[spmem:s2] =	stream.indirect.scatter.add.f32 [tilespmem:s25], [sflag:$0xA], $0x40, s3, s15, $0xb8;
	[tilespmem:$0x1D880] =	vst v63  }
0x7d: {  	_ =	swait.ge [sflag:s17], $0x1F40  }
0x7e: {  	[sflag:s17] =	ssyncset.done $0x0  }
0x7f: {  	s6 =	simm.s32 $0x400;
	[sflag:s17] =	ssyncadd.s32 $0xFFFFE0C0  }
0x80: {  	[tilespmem:s22], [sflag:$0x4] =	stream.indirect.gather [hbm4b:s5+s15], $0x40, s6, s15, $0xb8;
	[tilespmem:$0x1D880] =	vst v63  }
0x81: {  	_ =	swait.ge [sflag:s23], $0x1F40  }
0x82: {  	[sflag:s23] =	ssyncset.done $0x0  }
0x83: {  	s3 =	simm.s32 $0x5280;
	[sflag:s23] =	ssyncadd.s32 $0xFFFFE0C0  }
0x84: {  	[spmem:s2] =	stream.indirect.scatter.add.f32 [tilespmem:s16], [sflag:$0x6], $0x40, s3, s15, $0xb8;
	[tilespmem:$0x1D880] =	vst v63  }
0x85: {  	_ =	swait.ge [sflag:s21], $0x1F40  }
0x86: {  	[sflag:s21] =	ssyncset.done $0x0  }
0x87: {  	s6 =	simm.s32 $0x480;
	[sflag:s21] =	ssyncadd.s32 $0xFFFFE0C0  }
0x88: {  	[tilespmem:s25], [sflag:$0x5] =	stream.indirect.gather [hbm4b:s5+s15], $0x40, s6, s15, $0xb8;
	[tilespmem:$0x1D880] =	vst v63  }
0x89: {  	_ =	swait.ge [sflag:s26], $0x1F40  }
0x8a: {  	[sflag:s26] =	ssyncset.done $0x0  }
0x8b: {  	s3 =	simm.s32 $0x5300;
	[sflag:s26] =	ssyncadd.s32 $0xFFFFE0C0  }
0x8c: {  	[spmem:s2] =	stream.indirect.scatter.add.f32 [tilespmem:s18], [sflag:$0x7], $0x40, s3, s15, $0xb8;
	[tilespmem:$0x1D880] =	vst v63  }
0x8d: {  	_ =	swait.ge [sflag:s29], $0x1F40  }
0x8e: {  	[sflag:s29] =	ssyncset.done $0x0  }
0x8f: {  	s6 =	simm.s32 $0x500;
	[sflag:s29] =	ssyncadd.s32 $0xFFFFE0C0  }
0x90: {  	[tilespmem:s16], [sflag:$0x1] =	stream.indirect.gather [hbm4b:s5+s15], $0x40, s6, s15, $0xb8;
	[tilespmem:$0x1D880] =	vst v63  }
0x91: {  	_ =	swait.ge [sflag:s31], $0x1F40  }
0x92: {  	[sflag:s31] =	ssyncset.done $0x0  }
0x93: {  	s3 =	simm.s32 $0x5380;
	[sflag:s31] =	ssyncadd.s32 $0xFFFFE0C0  }
0x94: {  	[spmem:s2] =	stream.indirect.scatter.add.f32 [tilespmem:s20], [sflag:$0x8], $0x40, s3, s15, $0xb8;
	[tilespmem:$0x1D880] =	vst v63  }
0x95: {  	_ =	swait.ge [sflag:s1], $0x1F40  }
0x96: {  	[sflag:s1] =	ssyncset.done $0x0  }
0x97: {  	s6 =	simm.s32 $0x580;
	[sflag:s1] =	ssyncadd.s32 $0xFFFFE0C0  }
0x98: {  	[tilespmem:s18], [sflag:$0x2] =	stream.indirect.gather [hbm4b:s5+s15], $0x40, s6, s15, $0xb8;
	[tilespmem:$0x1D880] =	vst v63  }
0x99: {  	_ =	swait.ge [sflag:s19], $0x1F40  }
0x9a: {  	[sflag:s19] =	ssyncset.done $0x0  }
0x9b: {  	s3 =	simm.s32 $0x5400;
	[sflag:s19] =	ssyncadd.s32 $0xFFFFE0C0  }
0x9c: {  	[spmem:s2] =	stream.indirect.scatter.add.f32 [tilespmem:s22], [sflag:$0x9], $0x40, s3, s15, $0xb8;
	[tilespmem:$0x1D880] =	vst v63  }
0x9d: {  	_ =	swait.ge [sflag:s24], $0x1F40  }
0x9e: {  	[sflag:s24] =	ssyncset.done $0x0  }
0x9f: {  	s6 =	simm.s32 $0x600;
	[sflag:s24] =	ssyncadd.s32 $0xFFFFE0C0  }
0xa0: {  	[tilespmem:s20], [sflag:$0x3] =	stream.indirect.gather [hbm4b:s5+s15], $0x40, s6, s15, $0xb8;
	[tilespmem:$0x1D880] =	vst v63  }
0xa1: {  	_ =	swait.ge [sflag:s30], $0x1F40  }
0xa2: {  	[sflag:s30] =	ssyncset.done $0x0  }
0xa3: {  	s0 =	simm.s32 $0xA00;
	s3 =	simm.s32 $0x5480;
	[sflag:s30] =	ssyncadd.s32 $0xFFFFE0C0  }
.LBB2_6:
0xa4: {  	[spmem:s2] =	stream.indirect.scatter.add.f32 [tilespmem:s25], [sflag:$0xA], $0x40, s3, s15, $0xb8;
	[tilespmem:$0x1D880] =	vst v63  }
0xa5: {  	s3 =	smov.u32 s0;
	s0 =	sadd.s32 $0xA00, s0;
	_ =	swait.ge [sflag:s17], $0x1F40  }
0xa6: {  	s3 =	sshra.s32 s3, $0x2;
	p1 =	sne.s32 s0, $0x12C00;
	[sflag:s17] =	ssyncset.done $0x0  }
0xa7: {  	s6 =	sadd.s32 $0x400, s3;
	[sflag:s17] =	ssyncadd.s32 $0xFFFFE0C0  }
0xa8: {  	[tilespmem:s22], [sflag:$0x4] =	stream.indirect.gather [hbm4b:s5+s15], $0x40, s6, s15, $0xb8;
	[tilespmem:$0x1D880] =	vst v63  }
0xa9: {  	_ =	swait.ge [sflag:s23], $0x1F40  }
0xaa: {  	[sflag:s23] =	ssyncset.done $0x0  }
0xab: {  	s6 =	sadd.s32 $0x5280, s3;
	[sflag:s23] =	ssyncadd.s32 $0xFFFFE0C0  }
0xac: {  	[spmem:s2] =	stream.indirect.scatter.add.f32 [tilespmem:s16], [sflag:$0x6], $0x40, s6, s15, $0xb8;
	[tilespmem:$0x1D880] =	vst v63  }
0xad: {  	_ =	swait.ge [sflag:s21], $0x1F40  }
0xae: {  	[sflag:s21] =	ssyncset.done $0x0  }
0xaf: {  	s6 =	sadd.s32 $0x480, s3;
	[sflag:s21] =	ssyncadd.s32 $0xFFFFE0C0  }
0xb0: {  	[tilespmem:s25], [sflag:$0x5] =	stream.indirect.gather [hbm4b:s5+s15], $0x40, s6, s15, $0xb8;
	[tilespmem:$0x1D880] =	vst v63  }
0xb1: {  	_ =	swait.ge [sflag:s26], $0x1F40  }
0xb2: {  	[sflag:s26] =	ssyncset.done $0x0  }
0xb3: {  	s6 =	sadd.s32 $0x5300, s3;
	[sflag:s26] =	ssyncadd.s32 $0xFFFFE0C0  }
0xb4: {  	[spmem:s2] =	stream.indirect.scatter.add.f32 [tilespmem:s18], [sflag:$0x7], $0x40, s6, s15, $0xb8;
	[tilespmem:$0x1D880] =	vst v63  }
0xb5: {  	_ =	swait.ge [sflag:s29], $0x1F40  }
0xb6: {  	[sflag:s29] =	ssyncset.done $0x0  }
0xb7: {  	s6 =	sadd.s32 $0x500, s3;
	[sflag:s29] =	ssyncadd.s32 $0xFFFFE0C0  }
0xb8: {  	[tilespmem:s16], [sflag:$0x1] =	stream.indirect.gather [hbm4b:s5+s15], $0x40, s6, s15, $0xb8;
	[tilespmem:$0x1D880] =	vst v63  }
0xb9: {  	_ =	swait.ge [sflag:s31], $0x1F40  }
0xba: {  	[sflag:s31] =	ssyncset.done $0x0  }
0xbb: {  	s6 =	sadd.s32 $0x5380, s3;
	[sflag:s31] =	ssyncadd.s32 $0xFFFFE0C0  }
0xbc: {  	[spmem:s2] =	stream.indirect.scatter.add.f32 [tilespmem:s20], [sflag:$0x8], $0x40, s6, s15, $0xb8;
	[tilespmem:$0x1D880] =	vst v63  }
0xbd: {  	_ =	swait.ge [sflag:s1], $0x1F40  }
0xbe: {  	[sflag:s1] =	ssyncset.done $0x0  }
0xbf: {  	s6 =	sadd.s32 $0x580, s3;
	[sflag:s1] =	ssyncadd.s32 $0xFFFFE0C0  }
0xc0: {  	[tilespmem:s18], [sflag:$0x2] =	stream.indirect.gather [hbm4b:s5+s15], $0x40, s6, s15, $0xb8;
	[tilespmem:$0x1D880] =	vst v63  }
0xc1: {  	_ =	swait.ge [sflag:s19], $0x1F40  }
0xc2: {  	[sflag:s19] =	ssyncset.done $0x0  }
0xc3: {  	s6 =	sadd.s32 $0x5400, s3;
	[sflag:s19] =	ssyncadd.s32 $0xFFFFE0C0  }
0xc4: {  	[spmem:s2] =	stream.indirect.scatter.add.f32 [tilespmem:s22], [sflag:$0x9], $0x40, s6, s15, $0xb8;
	[tilespmem:$0x1D880] =	vst v63  }
0xc5: {  	_ =	swait.ge [sflag:s24], $0x1F40  }
0xc6: {  	[sflag:s24] =	ssyncset.done $0x0  }
.Ltmp3:
0xc7: {  	s6 =	sadd.s32 $0x600, s3;
	[sflag:s24] =	ssyncadd.s32 $0xFFFFE0C0;
	(pc) =	sbr.rel @p1 .LBB2_6-.Ltmp3, $4  }
0xc8: {  	[tilespmem:s20], [sflag:$0x3] =	stream.indirect.gather [hbm4b:s5+s15], $0x40, s6, s15, $0xb8;
	[tilespmem:$0x1D880] =	vst v63  }
0xc9: {  	_ =	swait.ge [sflag:s30], $0x1F40  }
0xca: {  	[sflag:s30] =	ssyncset.done $0x0  }
0xcb: {  	s3 =	sadd.s32 $0x5480, s3;
	[sflag:s30] =	ssyncadd.s32 $0xFFFFE0C0  }
.Ltmp4:
0xcc: {  	_ = 	snop;
	(pc) =	sbr.rel .LBB2_7-.Ltmp4, $1  }
0xcd: {  	_ =	sdelay $0x3  }
.LBB2_2:
0xce: {  	[tilespmem:s16], [sflag:$0x1] =	stream.indirect.gather [hbm4b:s4+s15], $0x40, s0, s15, $0xb8;
	[tilespmem:$0x1D880] =	vst v63  }
0xcf: {  	s3 =	simm.s32 $0x80  }
0xd0: {  	[tilespmem:s18], [sflag:$0x2] =	stream.indirect.gather [hbm4b:s4+s15], $0x40, s3, s15, $0xb8;
	[tilespmem:$0x1D880] =	vst v63  }
0xd1: {  	s6 =	simm.s32 $0x100  }
0xd2: {  	[tilespmem:s20], [sflag:$0x3] =	stream.indirect.gather [hbm4b:s4+s15], $0x40, s6, s15, $0xb8;
	[tilespmem:$0x1D880] =	vst v63  }
0xd3: {  	s3 =	simm.s32 $0x180  }
0xd4: {  	[tilespmem:s22], [sflag:$0x4] =	stream.indirect.gather [hbm4b:s4+s15], $0x40, s3, s15, $0xb8;
	[tilespmem:$0x1D880] =	vst v63  }
0xd5: {  	_ =	swait.ge [sflag:s23], $0x1F40  }
0xd6: {  	[sflag:s23] =	ssyncset.done $0x0  }
0xd7: {  	[sflag:s23] =	ssyncadd.s32 $0xFFFFE0C0  }
0xd8: {  	[spmem:s2] =	stream.indirect.scatter.add.f32 [tilespmem:s16], [sflag:$0x6], $0x40, s14, s15, $0xb8;
	[tilespmem:$0x1D880] =	vst v63  }
0xd9: {  	s6 =	simm.s32 $0x200  }
0xda: {  	[tilespmem:s25], [sflag:$0x5] =	stream.indirect.gather [hbm4b:s4+s15], $0x40, s6, s15, $0xb8;
	[tilespmem:$0x1D880] =	vst v63  }
0xdb: {  	_ =	swait.ge [sflag:s26], $0x1F40  }
0xdc: {  	[sflag:s26] =	ssyncset.done $0x0  }
0xdd: {  	s3 =	simm.s32 $0x5080;
	[sflag:s26] =	ssyncadd.s32 $0xFFFFE0C0  }
0xde: {  	[spmem:s2] =	stream.indirect.scatter.add.f32 [tilespmem:s18], [sflag:$0x7], $0x40, s3, s15, $0xb8;
	[tilespmem:$0x1D880] =	vst v63  }
0xdf: {  	_ =	swait.ge [sflag:s29], $0x1F40  }
0xe0: {  	[sflag:s29] =	ssyncset.done $0x0  }
0xe1: {  	s6 =	simm.s32 $0x280;
	[sflag:s29] =	ssyncadd.s32 $0xFFFFE0C0  }
0xe2: {  	[tilespmem:s16], [sflag:$0x1] =	stream.indirect.gather [hbm4b:s4+s15], $0x40, s6, s15, $0xb8;
	[tilespmem:$0x1D880] =	vst v63  }
0xe3: {  	_ =	swait.ge [sflag:s31], $0x1F40  }
0xe4: {  	[sflag:s31] =	ssyncset.done $0x0  }
0xe5: {  	s3 =	simm.s32 $0x5100;
	[sflag:s31] =	ssyncadd.s32 $0xFFFFE0C0  }
0xe6: {  	[spmem:s2] =	stream.indirect.scatter.add.f32 [tilespmem:s20], [sflag:$0x8], $0x40, s3, s15, $0xb8;
	[tilespmem:$0x1D880] =	vst v63  }
0xe7: {  	_ =	swait.ge [sflag:s1], $0x1F40  }
0xe8: {  	[sflag:s1] =	ssyncset.done $0x0  }
0xe9: {  	s6 =	simm.s32 $0x300;
	[sflag:s1] =	ssyncadd.s32 $0xFFFFE0C0  }
0xea: {  	[tilespmem:s18], [sflag:$0x2] =	stream.indirect.gather [hbm4b:s4+s15], $0x40, s6, s15, $0xb8;
	[tilespmem:$0x1D880] =	vst v63  }
0xeb: {  	_ =	swait.ge [sflag:s19], $0x1F40  }
0xec: {  	[sflag:s19] =	ssyncset.done $0x0  }
0xed: {  	s3 =	simm.s32 $0x5180;
	[sflag:s19] =	ssyncadd.s32 $0xFFFFE0C0  }
0xee: {  	[spmem:s2] =	stream.indirect.scatter.add.f32 [tilespmem:s22], [sflag:$0x9], $0x40, s3, s15, $0xb8;
	[tilespmem:$0x1D880] =	vst v63  }
0xef: {  	_ =	swait.ge [sflag:s24], $0x1F40  }
0xf0: {  	[sflag:s24] =	ssyncset.done $0x0  }
0xf1: {  	s6 =	simm.s32 $0x380;
	[sflag:s24] =	ssyncadd.s32 $0xFFFFE0C0  }
0xf2: {  	[tilespmem:s20], [sflag:$0x3] =	stream.indirect.gather [hbm4b:s4+s15], $0x40, s6, s15, $0xb8;
	[tilespmem:$0x1D880] =	vst v63  }
0xf3: {  	_ =	swait.ge [sflag:s30], $0x1F40  }
0xf4: {  	[sflag:s30] =	ssyncset.done $0x0  }
0xf5: {  	s3 =	simm.s32 $0x5200;
	[sflag:s30] =	ssyncadd.s32 $0xFFFFE0C0  }
0xf6: {  	[spmem:s2] =	stream.indirect.scatter.add.f32 [tilespmem:s25], [sflag:$0xA], $0x40, s3, s15, $0xb8;
	[tilespmem:$0x1D880] =	vst v63  }
0xf7: {  	_ =	swait.ge [sflag:s17], $0x1F40  }
0xf8: {  	[sflag:s17] =	ssyncset.done $0x0  }
0xf9: {  	s6 =	simm.s32 $0x400;
	[sflag:s17] =	ssyncadd.s32 $0xFFFFE0C0  }
0xfa: {  	[tilespmem:s22], [sflag:$0x4] =	stream.indirect.gather [hbm4b:s4+s15], $0x40, s6, s15, $0xb8;
	[tilespmem:$0x1D880] =	vst v63  }
0xfb: {  	_ =	swait.ge [sflag:s23], $0x1F40  }
0xfc: {  	[sflag:s23] =	ssyncset.done $0x0  }
0xfd: {  	s3 =	simm.s32 $0x5280;
	[sflag:s23] =	ssyncadd.s32 $0xFFFFE0C0  }
0xfe: {  	[spmem:s2] =	stream.indirect.scatter.add.f32 [tilespmem:s16], [sflag:$0x6], $0x40, s3, s15, $0xb8;
	[tilespmem:$0x1D880] =	vst v63  }
0xff: {  	_ =	swait.ge [sflag:s21], $0x1F40  }
0x100: {  	[sflag:s21] =	ssyncset.done $0x0  }
0x101: {  	s6 =	simm.s32 $0x480;
	[sflag:s21] =	ssyncadd.s32 $0xFFFFE0C0  }
0x102: {  	[tilespmem:s25], [sflag:$0x5] =	stream.indirect.gather [hbm4b:s4+s15], $0x40, s6, s15, $0xb8;
	[tilespmem:$0x1D880] =	vst v63  }
0x103: {  	_ =	swait.ge [sflag:s26], $0x1F40  }
0x104: {  	[sflag:s26] =	ssyncset.done $0x0  }
0x105: {  	s3 =	simm.s32 $0x5300;
	[sflag:s26] =	ssyncadd.s32 $0xFFFFE0C0  }
0x106: {  	[spmem:s2] =	stream.indirect.scatter.add.f32 [tilespmem:s18], [sflag:$0x7], $0x40, s3, s15, $0xb8;
	[tilespmem:$0x1D880] =	vst v63  }
0x107: {  	_ =	swait.ge [sflag:s29], $0x1F40  }
0x108: {  	[sflag:s29] =	ssyncset.done $0x0  }
0x109: {  	s6 =	simm.s32 $0x500;
	[sflag:s29] =	ssyncadd.s32 $0xFFFFE0C0  }
0x10a: {  	[tilespmem:s16], [sflag:$0x1] =	stream.indirect.gather [hbm4b:s4+s15], $0x40, s6, s15, $0xb8;
	[tilespmem:$0x1D880] =	vst v63  }
0x10b: {  	_ =	swait.ge [sflag:s31], $0x1F40  }
0x10c: {  	[sflag:s31] =	ssyncset.done $0x0  }
0x10d: {  	s3 =	simm.s32 $0x5380;
	[sflag:s31] =	ssyncadd.s32 $0xFFFFE0C0  }
0x10e: {  	[spmem:s2] =	stream.indirect.scatter.add.f32 [tilespmem:s20], [sflag:$0x8], $0x40, s3, s15, $0xb8;
	[tilespmem:$0x1D880] =	vst v63  }
0x10f: {  	_ =	swait.ge [sflag:s1], $0x1F40  }
0x110: {  	[sflag:s1] =	ssyncset.done $0x0  }
0x111: {  	s6 =	simm.s32 $0x580;
	[sflag:s1] =	ssyncadd.s32 $0xFFFFE0C0  }
0x112: {  	[tilespmem:s18], [sflag:$0x2] =	stream.indirect.gather [hbm4b:s4+s15], $0x40, s6, s15, $0xb8;
	[tilespmem:$0x1D880] =	vst v63  }
0x113: {  	_ =	swait.ge [sflag:s19], $0x1F40  }
0x114: {  	[sflag:s19] =	ssyncset.done $0x0  }
0x115: {  	s3 =	simm.s32 $0x5400;
	[sflag:s19] =	ssyncadd.s32 $0xFFFFE0C0  }
0x116: {  	[spmem:s2] =	stream.indirect.scatter.add.f32 [tilespmem:s22], [sflag:$0x9], $0x40, s3, s15, $0xb8;
	[tilespmem:$0x1D880] =	vst v63  }
0x117: {  	_ =	swait.ge [sflag:s24], $0x1F40  }
0x118: {  	[sflag:s24] =	ssyncset.done $0x0  }
0x119: {  	s6 =	simm.s32 $0x600;
	[sflag:s24] =	ssyncadd.s32 $0xFFFFE0C0  }
0x11a: {  	[tilespmem:s20], [sflag:$0x3] =	stream.indirect.gather [hbm4b:s4+s15], $0x40, s6, s15, $0xb8;
	[tilespmem:$0x1D880] =	vst v63  }
0x11b: {  	_ =	swait.ge [sflag:s30], $0x1F40  }
0x11c: {  	[sflag:s30] =	ssyncset.done $0x0  }
0x11d: {  	s0 =	simm.s32 $0xA00;
	s3 =	simm.s32 $0x5480;
	[sflag:s30] =	ssyncadd.s32 $0xFFFFE0C0  }
.LBB2_3:
0x11e: {  	[spmem:s2] =	stream.indirect.scatter.add.f32 [tilespmem:s25], [sflag:$0xA], $0x40, s3, s15, $0xb8;
	[tilespmem:$0x1D880] =	vst v63  }
0x11f: {  	s3 =	smov.u32 s0;
	s0 =	sadd.s32 $0xA00, s0;
	_ =	swait.ge [sflag:s17], $0x1F40  }
0x120: {  	s3 =	sshra.s32 s3, $0x2;
	p1 =	seq.s32 s0, $0x12C00;
	[sflag:s17] =	ssyncset.done $0x0  }
0x121: {  	s6 =	sadd.s32 $0x400, s3;
	[sflag:s17] =	ssyncadd.s32 $0xFFFFE0C0  }
0x122: {  	[tilespmem:s22], [sflag:$0x4] =	stream.indirect.gather [hbm4b:s4+s15], $0x40, s6, s15, $0xb8;
	[tilespmem:$0x1D880] =	vst v63  }
0x123: {  	_ =	swait.ge [sflag:s23], $0x1F40  }
0x124: {  	[sflag:s23] =	ssyncset.done $0x0  }
0x125: {  	s6 =	sadd.s32 $0x5280, s3;
	[sflag:s23] =	ssyncadd.s32 $0xFFFFE0C0  }
0x126: {  	[spmem:s2] =	stream.indirect.scatter.add.f32 [tilespmem:s16], [sflag:$0x6], $0x40, s6, s15, $0xb8;
	[tilespmem:$0x1D880] =	vst v63  }
0x127: {  	_ =	swait.ge [sflag:s21], $0x1F40  }
0x128: {  	[sflag:s21] =	ssyncset.done $0x0  }
0x129: {  	s6 =	sadd.s32 $0x480, s3;
	[sflag:s21] =	ssyncadd.s32 $0xFFFFE0C0  }
0x12a: {  	[tilespmem:s25], [sflag:$0x5] =	stream.indirect.gather [hbm4b:s4+s15], $0x40, s6, s15, $0xb8;
	[tilespmem:$0x1D880] =	vst v63  }
0x12b: {  	_ =	swait.ge [sflag:s26], $0x1F40  }
0x12c: {  	[sflag:s26] =	ssyncset.done $0x0  }
0x12d: {  	s6 =	sadd.s32 $0x5300, s3;
	[sflag:s26] =	ssyncadd.s32 $0xFFFFE0C0  }
0x12e: {  	[spmem:s2] =	stream.indirect.scatter.add.f32 [tilespmem:s18], [sflag:$0x7], $0x40, s6, s15, $0xb8;
	[tilespmem:$0x1D880] =	vst v63  }
0x12f: {  	_ =	swait.ge [sflag:s29], $0x1F40  }
0x130: {  	[sflag:s29] =	ssyncset.done $0x0  }
0x131: {  	s6 =	sadd.s32 $0x500, s3;
	[sflag:s29] =	ssyncadd.s32 $0xFFFFE0C0  }
0x132: {  	[tilespmem:s16], [sflag:$0x1] =	stream.indirect.gather [hbm4b:s4+s15], $0x40, s6, s15, $0xb8;
	[tilespmem:$0x1D880] =	vst v63  }
0x133: {  	_ =	swait.ge [sflag:s31], $0x1F40  }
0x134: {  	[sflag:s31] =	ssyncset.done $0x0  }
0x135: {  	s6 =	sadd.s32 $0x5380, s3;
	[sflag:s31] =	ssyncadd.s32 $0xFFFFE0C0  }
0x136: {  	[spmem:s2] =	stream.indirect.scatter.add.f32 [tilespmem:s20], [sflag:$0x8], $0x40, s6, s15, $0xb8;
	[tilespmem:$0x1D880] =	vst v63  }
0x137: {  	_ =	swait.ge [sflag:s1], $0x1F40  }
0x138: {  	[sflag:s1] =	ssyncset.done $0x0  }
0x139: {  	s6 =	sadd.s32 $0x580, s3;
	[sflag:s1] =	ssyncadd.s32 $0xFFFFE0C0  }
0x13a: {  	[tilespmem:s18], [sflag:$0x2] =	stream.indirect.gather [hbm4b:s4+s15], $0x40, s6, s15, $0xb8;
	[tilespmem:$0x1D880] =	vst v63  }
0x13b: {  	_ =	swait.ge [sflag:s19], $0x1F40  }
0x13c: {  	[sflag:s19] =	ssyncset.done $0x0  }
0x13d: {  	s6 =	sadd.s32 $0x5400, s3;
	[sflag:s19] =	ssyncadd.s32 $0xFFFFE0C0  }
0x13e: {  	[spmem:s2] =	stream.indirect.scatter.add.f32 [tilespmem:s22], [sflag:$0x9], $0x40, s6, s15, $0xb8;
	[tilespmem:$0x1D880] =	vst v63  }
0x13f: {  	_ =	swait.ge [sflag:s24], $0x1F40  }
0x140: {  	[sflag:s24] =	ssyncset.done $0x0  }
.Ltmp5:
0x141: {  	s6 =	sadd.s32 $0x600, s3;
	[sflag:s24] =	ssyncadd.s32 $0xFFFFE0C0;
	(pc) =	sbr.rel @!p1 .LBB2_3-.Ltmp5, $4  }
0x142: {  	[tilespmem:s20], [sflag:$0x3] =	stream.indirect.gather [hbm4b:s4+s15], $0x40, s6, s15, $0xb8;
	[tilespmem:$0x1D880] =	vst v63  }
0x143: {  	_ =	swait.ge [sflag:s30], $0x1F40  }
0x144: {  	[sflag:s30] =	ssyncset.done $0x0  }
0x145: {  	s3 =	sadd.s32 $0x5480, s3;
	[sflag:s30] =	ssyncadd.s32 $0xFFFFE0C0  }
0x146: {  	[spmem:s2] =	stream.indirect.scatter.add.f32 [tilespmem:s25], [sflag:$0xA], $0x40, s3, s15, $0xb8;
	[tilespmem:$0x1D880] =	vst v63  }
0x147: {  	_ =	swait.ge [sflag:s17], $0x1F40  }
0x148: {  	s0 =	sshra.s32 s0, $0x2;
	[sflag:s17] =	ssyncset.done $0x0  }
0x149: {  	s6 =	sadd.s32 $0x400, s0;
	[sflag:s17] =	ssyncadd.s32 $0xFFFFE0C0  }
0x14a: {  	[tilespmem:s22], [sflag:$0x4] =	stream.indirect.gather [hbm4b:s4+s15], $0x40, s6, s15, $0xb8;
	[tilespmem:$0x1D880] =	vst v63  }
0x14b: {  	_ =	swait.ge [sflag:s23], $0x1F40  }
0x14c: {  	[sflag:s23] =	ssyncset.done $0x0  }
0x14d: {  	s6 =	sadd.s32 $0x5280, s0;
	[sflag:s23] =	ssyncadd.s32 $0xFFFFE0C0  }
0x14e: {  	[spmem:s2] =	stream.indirect.scatter.add.f32 [tilespmem:s16], [sflag:$0x6], $0x40, s6, s15, $0xb8;
	[tilespmem:$0x1D880] =	vst v63  }
0x14f: {  	_ =	swait.ge [sflag:s21], $0x1F40  }
0x150: {  	[sflag:s21] =	ssyncset.done $0x0  }
0x151: {  	s6 =	simm.s32 $0x4F80;
	[sflag:s21] =	ssyncadd.s32 $0xFFFFE0C0  }
0x152: {  	[tilespmem:s25], [sflag:$0x5] =	stream.indirect.gather [hbm4b:s4+s15], $0x40, s6, s15, $0xb8;
	[tilespmem:$0x1D880] =	vst v63  }
0x153: {  	_ =	swait.ge [sflag:s26], $0x1F40  }
0x154: {  	[sflag:s26] =	ssyncset.done $0x0  }
0x155: {  	s6 =	sadd.s32 $0x5300, s0;
	[sflag:s26] =	ssyncadd.s32 $0xFFFFE0C0  }
0x156: {  	[spmem:s2] =	stream.indirect.scatter.add.f32 [tilespmem:s18], [sflag:$0x7], $0x40, s6, s15, $0xb8;
	[tilespmem:$0x1D880] =	vst v63  }
0x157: {  	_ =	swait.ge [sflag:s29], $0x1F40  }
0x158: {  	[sflag:s29] =	ssyncset.done $0x0  }
0x159: {  	[sflag:s29] =	ssyncadd.s32 $0xFFFFE0C0  }
0x15a: {  	_ =	swait.ge [sflag:s31], $0x1F40  }
0x15b: {  	[sflag:s31] =	ssyncset.done $0x0  }
0x15c: {  	s6 =	sadd.s32 $0x5380, s0;
	[sflag:s31] =	ssyncadd.s32 $0xFFFFE0C0  }
0x15d: {  	[spmem:s2] =	stream.indirect.scatter.add.f32 [tilespmem:s20], [sflag:$0x8], $0x40, s6, s15, $0xb8;
	[tilespmem:$0x1D880] =	vst v63  }
0x15e: {  	_ =	swait.ge [sflag:s1], $0x1F40  }
0x15f: {  	[sflag:s1] =	ssyncset.done $0x0  }
0x160: {  	[sflag:s1] =	ssyncadd.s32 $0xFFFFE0C0  }
0x161: {  	_ =	swait.ge [sflag:s19], $0x1F40  }
0x162: {  	[sflag:s19] =	ssyncset.done $0x0  }
0x163: {  	s0 =	sadd.s32 $0x5400, s0;
	[sflag:s19] =	ssyncadd.s32 $0xFFFFE0C0  }
0x164: {  	[spmem:s2] =	stream.indirect.scatter.add.f32 [tilespmem:s22], [sflag:$0x9], $0x40, s0, s15, $0xb8;
	[tilespmem:$0x1D880] =	vst v63  }
0x165: {  	_ =	swait.ge [sflag:s24], $0x1F40  }
0x166: {  	[sflag:s24] =	ssyncset.done $0x0  }
.Ltmp6:
0x167: {  	[sflag:s24] =	ssyncadd.s32 $0xFFFFE0C0;
	(pc) =	sbr.rel .LBB2_8-.Ltmp6, $4  }
0x168: {  	_ =	swait.ge [sflag:s30], $0x1F40  }
0x169: {  	[sflag:s30] =	ssyncset.done $0x0  }
0x16a: {  	s6 =	simm.s32 $0x9F80;
	[sflag:s30] =	ssyncadd.s32 $0xFFFFE0C0  }
0x16b: {  	[spmem:s2] =	stream.indirect.scatter.add.f32 [tilespmem:s25], [sflag:$0xA], $0x40, s6, s15, $0xb8;
	[tilespmem:$0x1D880] =	vst v63  }
.LBB2_9:
0x16c: {  	_ =	sfence.sel $0x180000  }
0x16d: {  	[bflag:$0x0] =	sbarrier.arrive $0xFFFF  }
0x16e: {  	_ =	strace $0x9000004A  }
0x16f: {  	s0 =	stileid.u32;
	[bflag:$0x2] =	sbarrier.arrive $0xFFFF  }
0x170: {  	p0 =	sne.s32 s0, $0x0;
	s0 =	rddreg [dreg:$0x2]  }
0x171: {  	s0 =	sadd.s32 @!p0 $0x100000, s0  }
0x172: {  	[sflag:s0] =	ssyncadd.tile.s32 @!p0 $0x1;
	_ =	shalt  }
.Lfunc_end2:
_tile_overlayer_lowered:
.L_overlay_start_2:
0x173: {  	(tag) =	ssettag $0x2  }
0x174: {  	s0 =	rddreg [dreg:$0x0];
	s2 =	stileid.u32  }
0x175: {  	s1 =	rddreg [dreg:$0x1];
	p0 =	sne.s32 s2, $0x0  }
0x176: {  	s3 =	rddreg [dreg:$0x2];
	[bflag:$0x3] =	sbarrier.arrive $0xFFFF;
	s2 =	simm.s32 @!p0 $0x1C0B  }
0x177: {  	[timem:s3], [sflag:s2] =	dma.local @!p0 [hbm:s0], s1  }
0x178: {  	s0 =	simm.s32 @!p0 $0xB  }
0x179: {  	_ =	swait.ge @!p0 [sflag:s0], s1  }
0x17a: {  	s1 =	ssub.s32 @!p0 $0x0, s1;
	[sflag:s0] =	ssyncset.done @!p0 $0x0  }
0x17b: {  	[sflag:s0] =	ssyncadd.s32 @!p0 s1  }
0x17c: {  	[bflag:$0x3] =	sbarrier.arrive $0xFFFF  }
0x17d: {  	_ =	shalt  }

// kernel: kernel.14.cloned.1.call-start
scs
__scs_entry_jumppad:
0x0: {  	(pc) =	sbr.rel $0x88, $3  }
0x1: {  	(tag) =	ssettag $0x0;
	lr =	simm.s32 $0x1  }
0x2: {  	[smem:$0x3F9B] =	sst lr;
	_ =	strace $0xD0000000  }
0x3: {  	_ = 	snop  }
0x4: {  	_ = 	snop  }
0x5: {  	_ = 	snop  }
0x6: {  	_ = 	snop  }
0x7: {  	_ = 	snop  }
__scs_overlays_trampoline_lowered:
0x8: {  	[smem:$0x3FAA] =	sst s0  }
0x9: {  	[smem:$0x3FAB] =	sst s1  }
0xa: {  	[smem:$0x3FAC] =	sst s2  }
0xb: {  	[smem:$0x3FAD] =	sst s3  }
0xc: {  	[smem:$0x3FAE] =	sst s4  }
0xd: {  	[smem:$0x3FAF] =	sst s5  }
0xe: {  	[smem:$0x3FB0] =	sst s6  }
0xf: {  	[smem:$0x3FB1] =	sst s7  }
0x10: {  	[smem:$0x3FB2] =	sst s8  }
0x11: {  	[smem:$0x3FB3] =	sst s9;
	s0 =	simm.s32 @!p0 $0x0  }
0x12: {  	s1 =	sld [smem:$0x3F99];
	s0 =	simm.s32 @p0 $0x1  }
0x13: {  	[smem:$0x3FB4] =	sst s0;
	s0 =	simm.s32 @!p1 $0x0  }
0x14: {  	s2 =	sld [smem:$0x3F98];
	s0 =	simm.s32 @p1 $0x1  }
0x15: {  	[smem:$0x3FB5] =	sst s0;
	s0 =	simm.s32 @!p2 $0x0  }
0x16: {  	s3 =	sld [smem:$0x3FDB];
	s0 =	simm.s32 @p2 $0x1  }
0x17: {  	s4 =	simm.s32 $0x1BF5;
	[smem:$0x3FB7] =	sst s0  }
0x18: {  	s0 =	sld [smem:$0x3F9A];
	_ =	swait.ge [sflag:s4], $0x0  }
0x19: {  	s7 =	sld [smem:$0x3F9B]  }
0x1a: {  	s8 =	sadd.s32 $0xFFFFE003, lr  }
0x1b: {  	s9 =	sadd.s32 $0xFFFFFEF7, lr;
	s5 =	simm.s32 $0xFFFFFFFF;
	p2 =	slt.u32 s8, $0xFFFFF086  }
0x1c: {  	p1 =	slt.u32 s9, $0xF7A;
	s5 =	simm.s32 @!p2 $0x0  }
0x1d: {  	s5 =	simm.s32 @p1 $0x1;
	p0 =	seq.s32 s7, s2  }
0x1e: {  	s7 =	smul.u32 @!p0 $0xF7A, s2;
	p2 =	seq.s32 @!p0 s5, $0x0  }
0x1f: {  	s9 =	smul.u32 $0xF7A, s1;
	s8 =	simm.s32 @!p0 $0x1BF5;
	p2 =	por !p2, p0  }
0x20: {  	[sflag:s8] =	ssyncset.s32 @!p0 $0xFFFFF086;
	s6 =	sadd.s32 @!p0 s3, s7;
	s7 =	simm.s32 @!p0 $0x108  }
0x21: {  	s3 =	sadd.s32 s3, s9;
	s6 =	sadd.s32 @!p0 $0x88, s6;
	s7 =	simm.s32 @p2 $0x1082  }
0x22: {  	[simem:s7], [sflag:s8] =	dma.local @!p0 [hbm:s6], $0xF7A  }
0x23: {  	s9 =	sor.u32 $0xD0000000, s2;
	s6 =	simm.s32 $0x108;
	_ =	swait.ge @!p0 [sflag:s8], $0x0  }
0x24: {  	s3 =	sadd.s32 $0x88, s3;
	s6 =	simm.s32 @!p1 $0x1082;
	[sflag:s4] =	ssyncset.s32 $0xFFFFF086  }
0x25: {  	[simem:s6], [sflag:s4] =	dma.local [hbm:s3], $0xF7A  }
0x26: {  	[smem:$0x3F9B] =	sst s1;
	(tag) =	ssettag s2;
	_ =	strace s9  }
0x27: {  	s1 =	sld [smem:$0x3FAB]  }
0x28: {  	s2 =	sld [smem:$0x3FAC]  }
0x29: {  	s4 =	sld [smem:$0x3FAE]  }
0x2a: {  	p0 =	seq.s32 s5, $0x0;
	s5 =	sld [smem:$0x3FAF]  }
0x2b: {  	s6 =	sld [smem:$0x3FB0]  }
0x2c: {  	s7 =	sld [smem:$0x3FB1]  }
0x2d: {  	s3 =	simm.s32 $0x108;
	s8 =	sld [smem:$0x3FB2]  }
0x2e: {  	s3 =	simm.s32 @!p0 $0x1082;
	s9 =	sld [smem:$0x3FB3]  }
0x2f: {  	lr =	sadd.s32 s0, s3;
	s0 =	sld [smem:$0x3FAA]  }
0x30: {  	s3 =	sld [smem:$0x3FAD]  }
0x31: {  	[smem:$0x3FB6] =	sst s10  }
0x32: {  	s10 =	sld [smem:$0x3FB4];
	_ =	sdelay $0x3  }
0x33: {  	p0 =	seq.s32 s10, $0x1;
	s10 =	sld [smem:$0x3FB6];
	_ =	sdelay $0x3  }
0x34: {  	[smem:$0x3FB6] =	sst s10  }
0x35: {  	s10 =	sld [smem:$0x3FB5];
	_ =	sdelay $0x3  }
0x36: {  	p1 =	seq.s32 s10, $0x1;
	s10 =	sld [smem:$0x3FB6];
	_ =	sdelay $0x3  }
0x37: {  	[smem:$0x3FB6] =	sst s10  }
0x38: {  	s10 =	sld [smem:$0x3FB7]  }
0x39: {  	_ = 	snop;
	(pc) =	sbr.ind lr, $3  }
0x3a: {  	_ = 	snop  }
0x3b: {  	_ = 	snop  }
0x3c: {  	p2 =	seq.s32 s10, $0x1;
	s10 =	sld [smem:$0x3FB6]  }
0x3d: {  	_ =	shalt  }
0x3e: {  	_ =	shalt  }
0x3f: {  	_ =	shalt  }
0x40: {  	_ =	shalt  }
0x41: {  	_ =	shalt  }
0x42: {  	_ =	shalt  }
0x43: {  	_ =	shalt  }
0x44: {  	_ =	shalt  }
0x45: {  	_ =	shalt  }
0x46: {  	_ =	shalt  }
0x47: {  	_ =	shalt  }
0x48: {  	_ =	shalt  }
0x49: {  	_ =	shalt  }
0x4a: {  	_ =	shalt  }
0x4b: {  	_ =	shalt  }
0x4c: {  	_ =	shalt  }
0x4d: {  	_ =	shalt  }
0x4e: {  	_ =	shalt  }
0x4f: {  	_ =	shalt  }
0x50: {  	_ =	shalt  }
0x51: {  	_ =	shalt  }
0x52: {  	_ =	shalt  }
0x53: {  	_ =	shalt  }
0x54: {  	_ =	shalt  }
0x55: {  	_ =	shalt  }
0x56: {  	_ =	shalt  }
0x57: {  	_ =	shalt  }
0x58: {  	_ =	shalt  }
0x59: {  	_ =	shalt  }
0x5a: {  	_ =	shalt  }
0x5b: {  	_ =	shalt  }
0x5c: {  	_ =	shalt  }
0x5d: {  	_ =	shalt  }
0x5e: {  	_ =	shalt  }
0x5f: {  	_ =	shalt  }
0x60: {  	_ =	shalt  }
0x61: {  	_ =	shalt  }
0x62: {  	_ =	shalt  }
0x63: {  	_ =	shalt  }
0x64: {  	_ =	shalt  }
0x65: {  	_ =	shalt  }
0x66: {  	_ =	shalt  }
0x67: {  	_ =	shalt  }
0x68: {  	_ =	shalt  }
0x69: {  	_ =	shalt  }
0x6a: {  	_ =	shalt  }
0x6b: {  	_ =	shalt  }
0x6c: {  	_ =	shalt  }
0x6d: {  	_ =	shalt  }
0x6e: {  	_ =	shalt  }
0x6f: {  	_ =	shalt  }
0x70: {  	_ =	shalt  }
0x71: {  	_ =	shalt  }
0x72: {  	_ =	shalt  }
0x73: {  	_ =	shalt  }
0x74: {  	_ =	shalt  }
0x75: {  	_ =	shalt  }
0x76: {  	_ =	shalt  }
0x77: {  	_ =	shalt  }
0x78: {  	_ =	shalt  }
0x79: {  	_ =	shalt  }
0x7a: {  	_ =	shalt  }
0x7b: {  	_ =	shalt  }
0x7c: {  	_ =	shalt  }
0x7d: {  	_ =	shalt  }
0x7e: {  	_ =	shalt  }
0x7f: {  	_ =	shalt  }
0x80: {  	_ =	shalt  }
0x81: {  	_ =	shalt  }
0x82: {  	_ =	shalt  }
0x83: {  	_ =	shalt  }
0x84: {  	_ =	shalt  }
0x85: {  	_ =	shalt  }
0x86: {  	_ =	shalt  }
0x87: {  	_ =	shalt  }
.Lfunc_end0:
.L_simem_size_0:
called_computation.2_lowered:
.L_overlay_start_0:
0x88: {  	s2 =	sld [smem:$0x3FD9]  }
0x89: {  	s3 =	sld [smem:$0x3FFE];
	_ =	sdelay $0x1  }
0x8a: {  	s1 =	srdreg.scid  }
0x8b: {  	s0 =	sand.u32 $0x1, s1  }
0x8c: {  	s17 =	sshll.u32 s0, $0xA;
	s2 =	sadd.s32 s3, s2  }
0x8d: {  	s2 =	sadd.s32 s2, s17  }
0x8e: {  	[smem:$0x3FC2] =	sst s2  }
0x8f: {  	_ = 	snop  }
0x90: {  	s2 =	sld [smem:$0x3FD0];
	(tm) =	ssettm $0x1  }
0x91: {  	s18 =	sld [smem:$0x3FFB];
	_ =	sdelay $0x3  }
0x92: {  	_ =	strace s18  }
0x93: {  	s3 =	sld [smem:$0x3FFC];
	_ =	sdelay $0x3  }
0x94: {  	_ =	strace s3  }
0x95: {  	s3 =	sld [smem:$0x3FFD];
	_ =	sdelay $0x3  }
0x96: {  	_ =	strace s3  }
0x97: {  	_ =	strace $0x8FFFFFFF  }
0x98: {  	s19 =	sld [smem:$0x3FDB];
	_ =	sdelay $0x1  }
0x99: {  	s4 =	simm.s32 $_scs_section_size  }
0x9a: {  	s5 =	simm.s32 $_size__tile_overlayer_lowered;
	s6 =	simm.s32 $_tile_overlayer_lowered  }
0x9b: {  	s22 =	simm.s32 $0x1BFF;
	s21 =	sshll.u32 s6, $0x1;
	s3 =	sadd.s32 s4, s19  }
0x9c: {  	s7 =	simm.s32 $0x0;
	s20 =	sshll.u32 s5, $0x1;
	s5 =	sadd.s32 s21, s3  }
0x9d: {  	[timem:s7], [sflag:s22] =	dma.local [hbm:s5], s20  }
0x9e: {  	_ =	swait.ge [sflag:s22], s20  }
0x9f: {  	s4 =	ssub.s32 $0x0, s20;
	[sflag:s22] =	ssyncset.done $0x0  }
0xa0: {  	[sflag:s22] =	ssyncadd.s32 s4;
	_ =	sdelay $0x1  }
0xa1: {  	s23 =	simm.s32 $0x1B8B  }
0xa2: {  	_ =	swait.ge [sflag:s23], $0x1  }
0xa3: {  	[sflag:s23] =	ssyncset.done $0x0  }
0xa4: {  	s25 =	simm.s32 $0x1B8E;
	s24 =	sld [smem:$0x3FFE];
	[sflag:s23] =	ssyncadd.s32 $0xFFFFFFFF  }
0xa5: {  	s26 =	simm.s32 $execute0_lowered;
	[smem:$0x3FD2] =	sst s25  }
0xa6: {  	s5 =	sshll.u32 s26, $0x1;
	_ =	strace $0x8000004C;
	[dreg:$0x1] =	wrdreg $0xFFFFFFFF  }
0xa7: {  	s28 =	simm.s32 $_size_execute0_lowered;
	s3 =	sadd.s32 s3, s5;
	[dreg:$0x0] =	wrdreg $0x0  }
0xa8: {  	s5 =	sshll.u32 s28, $0x1;
	[dreg:$0x2] =	wrdreg s3  }
0xa9: {  	[dreg:$0x3] =	wrdreg s5  }
0xaa: {  	[dreg:$0x4] =	wrdreg $0xC0  }
0xab: {  	_ =	task [dreg:s7], $0x5FFFF  }
0xac: {  	[dreg:$0x1] =	wrdreg $0xFFFFFFFF  }
0xad: {  	[dreg:$0x0] =	wrdreg $0x60  }
0xae: {  	[dreg:$0x2] =	wrdreg s24  }
0xaf: {  	[dreg:$0x3] =	wrdreg s2  }
0xb0: {  	[dreg:$0x4] =	wrdreg $0x13C400  }
0xb1: {  	[dreg:$0x5] =	wrdreg $0x9  }
0xb2: {  	_ =	task.clear_ibuf [dreg:s7], $0x6FFFF;
	_ =	strace $0x9000004C  }
0xb3: {  	s29 =	simm.s32 $0x9;
	_ =	strace $0x8000004E  }
0xb4: {  	_ =	swait.ge [sflag:s29], $0x1  }
0xb5: {  	[sflag:s29] =	ssyncadd.s32 $0xFFFFFFFF  }
0xb6: {  	_ =	strace $0x9000004E  }
0xb7: {  	_ =	sfence  }
0xb8: {  	s30 =	sld [smem:$0x0];
	_ =	sdelay $0x2  }
0xb9: {  	s31 =	sshll.u32 s1, $0xD;
	s1 =	sshrl.u32 s1, $0x2  }
0xba: {  	s3 =	sand.u32 $0x4000, s31;
	s1 =	sadd.s32 s1, s30  }
0xbb: {  	s0 =	sor.u32 s3, s0;
	s1 =	sshll.u32 s1, $0x11  }
0xbc: {  	s0 =	sor.u32 s1, s0  }
0xbd: {  	s0 =	sadd.s32 $0x8F2B, s0  }
0xbe: {  	[sflag:s0] =	ssyncadd.remote.s32 $0x1  }
0xbf: {  	_ =	sfence.sel $0xFFFF  }
0xc0: {  	[dreg:$0x0] =	wrdreg $0xFFFFFFFF;
	(pc) =	sbr.abs _section_cstart, $3  }
0xc1: {  	[dreg:$0x1] =	wrdreg $0xFFFFFFFF  }
0xc2: {  	_ =	task.clear_ibuf [dreg:s7], $0x2FFFF;
	_ =	strace $0x9FFFFFFF  }
0xc3: {  	(tm) =	ssettm $0x7FFFFFFF  }
tec
execute0_lowered:
.L_overlay_start_1:
0x0: {  	(tag) =	ssettag $0x1  }
0x1: {  	s0 =	rddreg [dreg:$0x0]  }
0x2: {  	s2 =	rddreg [dreg:$0x1]  }
0x3: {  	s1 =	rddreg [dreg:$0x2]  }
0x4: {  	s3 =	simm.s32 $0x0;
	s23 =	srdreg.scid;
	s6 =	stileid.u32  }
0x5: {  	s14 =	simm.s32 $0x5000;
	s15 =	simm.s32 $0x7D;
	s16 =	simm.s32 $0xA000  }
0x6: {  	s18 =	simm.s32 $0xBF40;
	s20 =	simm.s32 $0xDE80;
	s22 =	simm.s32 $0xFDC0  }
0x7: {  	s29 =	simm.s32 $0x6;
	s31 =	simm.s32 $0x3;
	s19 =	simm.s32 $0x4  }
0x8: {  	s30 =	simm.s32 $0x5;
	s17 =	simm.s32 $0x9;
	s21 =	simm.s32 $0xA  }
0x9: {  	s28 =	simm.s32 $0x0;
	[smem:$0x7FF] =	sst s3;
	s4 =	sadd.s32 $0x3E000, s0  }
0xa: {  	s5 =	sadd.s32 $0x51A00, s0;
	s3 =	sand.u32 $0x1, s23;
	s9 =	smul.u32 $0x9C40, s6  }
0xb: {  	s8 =	sadd.s32 $0x2E00, s0;
	s0 =	sadd.s32 $0x65400, s0;
	s10 =	smul.u32 $0x5000, s6  }
0xc: {  	s25 =	sshll.u32 s6, $0x6;
	s13 =	smul.u32 $0xA00, s6;
	s23 =	simm.s32 $0x1  }
0xd: {  	_ =	strace $0x8000004D;
	s7 =	ssub.s32 $0x2, s3;
	[dreg:$0x4] =	wrdreg s0  }
0xe: {  	s11 =	smul.u32 $0x9C400, s3;
	p0 =	seq.s32 s3, $0x1;
	s3 =	simm.s32 $0x7  }
0xf: {  	s24 =	sshrl.u32 s7, $0x1;
	s12 =	sadd.s32 s9, s1;
	s10 =	sshrl.u32 s10, $0x3  }
.Ltmp0:
0x10: {  	s0 =	ssub.s32 s7, s24;
	s7 =	sor.u32 $0x1C0B, s25;
	(pc) =	sbr.rel .LBB2_1-.Ltmp0, $4  }
0x11: {  	s10 =	sadd.s32 s8, s10;
	s11 =	sadd.s32 s9, s11;
	s8 =	sadd.s32 s8, s13  }
0x12: {  	s12 =	sshrl.u32 s12, $0x3;
	s13 =	simm.s32 $0xB;
	s25 =	simm.s32 $0x11D00  }
0x13: {  	s24 =	simm.s32 $0x8;
	s9 =	sadd.s32 $0xA000, s10;
	s26 =	sshrl.u32 s11, $0x3  }
0x14: {  	s11 =	smax.u32 s0, $0x1;
	s10 =	sadd.s32 s2, s26;
	s26 =	simm.s32 $0x2  }
.LBB2_7:
0x15: {  	[spmem:s1] =	stream.indirect.scatter.add.f32 [tilespmem:s25], [sflag:$0xA], $0x40, s2, s15, $0xb8;
	[tilespmem:$0x1D880] =	vst v63  }
0x16: {  	_ =	swait.ge [sflag:s17], $0x1F40  }
0x17: {  	s0 =	sshra.s32 s0, $0x2;
	[sflag:s17] =	ssyncset.done $0x0  }
0x18: {  	s6 =	sadd.s32 $0x400, s0;
	[sflag:s17] =	ssyncadd.s32 $0xFFFFE0C0  }
0x19: {  	[tilespmem:s22], [sflag:$0x4] =	stream.indirect.gather [hbm4b:s5+s15], $0x40, s6, s15, $0xb8;
	[tilespmem:$0x1D880] =	vst v63  }
0x1a: {  	_ =	swait.ge [sflag:s23], $0x1F40  }
0x1b: {  	[sflag:s23] =	ssyncset.done $0x0  }
0x1c: {  	s6 =	sadd.s32 $0x5280, s0;
	[sflag:s23] =	ssyncadd.s32 $0xFFFFE0C0  }
0x1d: {  	[spmem:s1] =	stream.indirect.scatter.add.f32 [tilespmem:s16], [sflag:$0x6], $0x40, s6, s15, $0xb8;
	[tilespmem:$0x1D880] =	vst v63  }
0x1e: {  	_ =	swait.ge [sflag:s21], $0x1F40  }
0x1f: {  	[sflag:s21] =	ssyncset.done $0x0  }
0x20: {  	s6 =	simm.s32 $0x4F80;
	[sflag:s21] =	ssyncadd.s32 $0xFFFFE0C0  }
0x21: {  	[tilespmem:s25], [sflag:$0x5] =	stream.indirect.gather [hbm4b:s5+s15], $0x40, s6, s15, $0xb8;
	[tilespmem:$0x1D880] =	vst v63  }
0x22: {  	_ =	swait.ge [sflag:s26], $0x1F40  }
0x23: {  	[sflag:s26] =	ssyncset.done $0x0  }
0x24: {  	s6 =	sadd.s32 $0x5300, s0;
	[sflag:s26] =	ssyncadd.s32 $0xFFFFE0C0  }
0x25: {  	[spmem:s1] =	stream.indirect.scatter.add.f32 [tilespmem:s18], [sflag:$0x7], $0x40, s6, s15, $0xb8;
	[tilespmem:$0x1D880] =	vst v63  }
0x26: {  	_ =	swait.ge [sflag:s29], $0x1F40  }
0x27: {  	[sflag:s29] =	ssyncset.done $0x0  }
0x28: {  	[sflag:s29] =	ssyncadd.s32 $0xFFFFE0C0  }
0x29: {  	_ =	swait.ge [sflag:s31], $0x1F40  }
0x2a: {  	[sflag:s31] =	ssyncset.done $0x0  }
0x2b: {  	s6 =	sadd.s32 $0x5380, s0;
	[sflag:s31] =	ssyncadd.s32 $0xFFFFE0C0  }
0x2c: {  	[spmem:s1] =	stream.indirect.scatter.add.f32 [tilespmem:s20], [sflag:$0x8], $0x40, s6, s15, $0xb8;
	[tilespmem:$0x1D880] =	vst v63  }
0x2d: {  	_ =	swait.ge [sflag:s3], $0x1F40  }
0x2e: {  	[sflag:s3] =	ssyncset.done $0x0  }
0x2f: {  	[sflag:s3] =	ssyncadd.s32 $0xFFFFE0C0  }
0x30: {  	_ =	swait.ge [sflag:s19], $0x1F40  }
0x31: {  	[sflag:s19] =	ssyncset.done $0x0  }
0x32: {  	s0 =	sadd.s32 $0x5400, s0;
	[sflag:s19] =	ssyncadd.s32 $0xFFFFE0C0  }
0x33: {  	[spmem:s1] =	stream.indirect.scatter.add.f32 [tilespmem:s22], [sflag:$0x9], $0x40, s0, s15, $0xb8;
	[tilespmem:$0x1D880] =	vst v63  }
0x34: {  	_ =	swait.ge [sflag:s24], $0x1F40  }
0x35: {  	[sflag:s24] =	ssyncset.done $0x0  }
0x36: {  	[sflag:s24] =	ssyncadd.s32 $0xFFFFE0C0  }
0x37: {  	_ =	swait.ge [sflag:s30], $0x1F40  }
0x38: {  	[sflag:s30] =	ssyncset.done $0x0  }
0x39: {  	s6 =	simm.s32 $0x9F80;
	[sflag:s30] =	ssyncadd.s32 $0xFFFFE0C0  }
0x3a: {  	[spmem:s1] =	stream.indirect.scatter.add.f32 [tilespmem:s25], [sflag:$0xA], $0x40, s6, s15, $0xb8;
	[tilespmem:$0x1D880] =	vst v63  }
.LBB2_8:
0x3b: {  	_ =	swait.ge [sflag:s17], $0x1F40  }
0x3c: {  	[sflag:s17] =	ssyncset.done $0x0  }
0x3d: {  	[sflag:s17] =	ssyncadd.s32 $0xFFFFE0C0  }
0x3e: {  	_ =	swait.ge [sflag:s21], $0x1F40  }
0x3f: {  	s28 =	sadd.s32 $0x1, s28;
	[sflag:s21] =	ssyncset.done $0x0  }
0x40: {  	p1 =	sne.s32 s28, s11;
	[sflag:s21] =	ssyncadd.s32 $0xFFFFE0C0  }
.Ltmp1:
0x41: {  	[bflag:$0x0] =	sbarrier.arrive $0xFFFF;
	(pc) =	sbr.rel @!p1 .LBB2_9-.Ltmp1, $4  }
0x42: {  	[hbm:s10], [sflag:s7] =	dma.local [spmem:s12], $0x1388  }
0x43: {  	_ =	swait.ge [sflag:s13], $0x1388  }
0x44: {  	[sflag:s13] =	ssyncset.done $0x0  }
0x45: {  	[sflag:s13] =	ssyncadd.s32 $0xFFFFEC78  }
.LBB2_1:
0x46: {  	s0 =	rddreg [dreg:$0x4]  }
0x47: {  	[spmem:s12], [sflag:s7] =	dma.local [hbm:s0], $0x1388  }
0x48: {  	_ =	swait.ge [sflag:s13], $0x1388  }
0x49: {  	[sflag:s13] =	ssyncset.done $0x0  }
0x4a: {  	s6 =	simm.s32 $0x0;
	[sflag:s13] =	ssyncadd.s32 $0xFFFFEC78  }
0x4b: {  	[tilespmem:s6], [sflag:$0xB] =	stream.linear.gather [hbm4b:s8+s6], $0x5000, $0x38;
	[tilespmem:$0x1D880] =	vst v63  }
0x4c: {  	_ =	swait.ge [sflag:s13], $0x5000  }
0x4d: {  	[sflag:s13] =	ssyncset.done $0x0  }
0x4e: {  	[sflag:s13] =	ssyncadd.s32 $0xFFFFB000  }
0x4f: {  	[tilespmem:s14], [sflag:$0xB] =	stream.linear.gather [hbm4b:s9+s6], $0x5000, $0x38;
	[tilespmem:$0x1D880] =	vst v63  }
.Ltmp2:
0x50: {  	_ =	swait.ge [sflag:s13], $0x5000;
	(pc) =	sbr.rel @!p0 .LBB2_2-.Ltmp2, $4  }
0x51: {  	[sflag:s13] =	ssyncset.done $0x0  }
0x52: {  	[sflag:s13] =	ssyncadd.s32 $0xFFFFB000  }
0x53: {  	[bflag:$0x0] =	sbarrier.arrive $0xFFFF  }
0x54: {  	s0 =	simm.s32 $0x0  }
0x55: {  	[tilespmem:s16], [sflag:$0x1] =	stream.indirect.gather [hbm4b:s5+s15], $0x40, s0, s15, $0xb8;
	[tilespmem:$0x1D880] =	vst v63  }
0x56: {  	s2 =	simm.s32 $0x80  }
0x57: {  	[tilespmem:s18], [sflag:$0x2] =	stream.indirect.gather [hbm4b:s5+s15], $0x40, s2, s15, $0xb8;
	[tilespmem:$0x1D880] =	vst v63  }
0x58: {  	s6 =	simm.s32 $0x100  }
0x59: {  	[tilespmem:s20], [sflag:$0x3] =	stream.indirect.gather [hbm4b:s5+s15], $0x40, s6, s15, $0xb8;
	[tilespmem:$0x1D880] =	vst v63  }
0x5a: {  	s2 =	simm.s32 $0x180  }
0x5b: {  	[tilespmem:s22], [sflag:$0x4] =	stream.indirect.gather [hbm4b:s5+s15], $0x40, s2, s15, $0xb8;
	[tilespmem:$0x1D880] =	vst v63  }
0x5c: {  	_ =	swait.ge [sflag:s23], $0x1F40  }
0x5d: {  	[sflag:s23] =	ssyncset.done $0x0  }
0x5e: {  	[sflag:s23] =	ssyncadd.s32 $0xFFFFE0C0  }
0x5f: {  	[spmem:s1] =	stream.indirect.scatter.add.f32 [tilespmem:s16], [sflag:$0x6], $0x40, s14, s15, $0xb8;
	[tilespmem:$0x1D880] =	vst v63  }
0x60: {  	s6 =	simm.s32 $0x200  }
0x61: {  	[tilespmem:s25], [sflag:$0x5] =	stream.indirect.gather [hbm4b:s5+s15], $0x40, s6, s15, $0xb8;
	[tilespmem:$0x1D880] =	vst v63  }
0x62: {  	_ =	swait.ge [sflag:s26], $0x1F40  }
0x63: {  	[sflag:s26] =	ssyncset.done $0x0  }
0x64: {  	s2 =	simm.s32 $0x5080;
	[sflag:s26] =	ssyncadd.s32 $0xFFFFE0C0  }
0x65: {  	[spmem:s1] =	stream.indirect.scatter.add.f32 [tilespmem:s18], [sflag:$0x7], $0x40, s2, s15, $0xb8;
	[tilespmem:$0x1D880] =	vst v63  }
0x66: {  	_ =	swait.ge [sflag:s29], $0x1F40  }
0x67: {  	[sflag:s29] =	ssyncset.done $0x0  }
0x68: {  	s6 =	simm.s32 $0x280;
	[sflag:s29] =	ssyncadd.s32 $0xFFFFE0C0  }
0x69: {  	[tilespmem:s16], [sflag:$0x1] =	stream.indirect.gather [hbm4b:s5+s15], $0x40, s6, s15, $0xb8;
	[tilespmem:$0x1D880] =	vst v63  }
0x6a: {  	_ =	swait.ge [sflag:s31], $0x1F40  }
0x6b: {  	[sflag:s31] =	ssyncset.done $0x0  }
0x6c: {  	s2 =	simm.s32 $0x5100;
	[sflag:s31] =	ssyncadd.s32 $0xFFFFE0C0  }
0x6d: {  	[spmem:s1] =	stream.indirect.scatter.add.f32 [tilespmem:s20], [sflag:$0x8], $0x40, s2, s15, $0xb8;
	[tilespmem:$0x1D880] =	vst v63  }
0x6e: {  	_ =	swait.ge [sflag:s3], $0x1F40  }
0x6f: {  	[sflag:s3] =	ssyncset.done $0x0  }
0x70: {  	s6 =	simm.s32 $0x300;
	[sflag:s3] =	ssyncadd.s32 $0xFFFFE0C0  }
0x71: {  	[tilespmem:s18], [sflag:$0x2] =	stream.indirect.gather [hbm4b:s5+s15], $0x40, s6, s15, $0xb8;
	[tilespmem:$0x1D880] =	vst v63  }
0x72: {  	_ =	swait.ge [sflag:s19], $0x1F40  }
0x73: {  	[sflag:s19] =	ssyncset.done $0x0  }
0x74: {  	s2 =	simm.s32 $0x5180;
	[sflag:s19] =	ssyncadd.s32 $0xFFFFE0C0  }
0x75: {  	[spmem:s1] =	stream.indirect.scatter.add.f32 [tilespmem:s22], [sflag:$0x9], $0x40, s2, s15, $0xb8;
	[tilespmem:$0x1D880] =	vst v63  }
0x76: {  	_ =	swait.ge [sflag:s24], $0x1F40  }
0x77: {  	[sflag:s24] =	ssyncset.done $0x0  }
0x78: {  	s6 =	simm.s32 $0x380;
	[sflag:s24] =	ssyncadd.s32 $0xFFFFE0C0  }
0x79: {  	[tilespmem:s20], [sflag:$0x3] =	stream.indirect.gather [hbm4b:s5+s15], $0x40, s6, s15, $0xb8;
	[tilespmem:$0x1D880] =	vst v63  }
0x7a: {  	_ =	swait.ge [sflag:s30], $0x1F40  }
0x7b: {  	[sflag:s30] =	ssyncset.done $0x0  }
0x7c: {  	s2 =	simm.s32 $0x5200;
	[sflag:s30] =	ssyncadd.s32 $0xFFFFE0C0  }
0x7d: {  	[spmem:s1] =	stream.indirect.scatter.add.f32 [tilespmem:s25], [sflag:$0xA], $0x40, s2, s15, $0xb8;
	[tilespmem:$0x1D880] =	vst v63  }
0x7e: {  	_ =	swait.ge [sflag:s17], $0x1F40  }
0x7f: {  	[sflag:s17] =	ssyncset.done $0x0  }
0x80: {  	s6 =	simm.s32 $0x400;
	[sflag:s17] =	ssyncadd.s32 $0xFFFFE0C0  }
0x81: {  	[tilespmem:s22], [sflag:$0x4] =	stream.indirect.gather [hbm4b:s5+s15], $0x40, s6, s15, $0xb8;
	[tilespmem:$0x1D880] =	vst v63  }
0x82: {  	_ =	swait.ge [sflag:s23], $0x1F40  }
0x83: {  	[sflag:s23] =	ssyncset.done $0x0  }
0x84: {  	s2 =	simm.s32 $0x5280;
	[sflag:s23] =	ssyncadd.s32 $0xFFFFE0C0  }
0x85: {  	[spmem:s1] =	stream.indirect.scatter.add.f32 [tilespmem:s16], [sflag:$0x6], $0x40, s2, s15, $0xb8;
	[tilespmem:$0x1D880] =	vst v63  }
0x86: {  	_ =	swait.ge [sflag:s21], $0x1F40  }
0x87: {  	[sflag:s21] =	ssyncset.done $0x0  }
0x88: {  	s6 =	simm.s32 $0x480;
	[sflag:s21] =	ssyncadd.s32 $0xFFFFE0C0  }
0x89: {  	[tilespmem:s25], [sflag:$0x5] =	stream.indirect.gather [hbm4b:s5+s15], $0x40, s6, s15, $0xb8;
	[tilespmem:$0x1D880] =	vst v63  }
0x8a: {  	_ =	swait.ge [sflag:s26], $0x1F40  }
0x8b: {  	[sflag:s26] =	ssyncset.done $0x0  }
0x8c: {  	s2 =	simm.s32 $0x5300;
	[sflag:s26] =	ssyncadd.s32 $0xFFFFE0C0  }
0x8d: {  	[spmem:s1] =	stream.indirect.scatter.add.f32 [tilespmem:s18], [sflag:$0x7], $0x40, s2, s15, $0xb8;
	[tilespmem:$0x1D880] =	vst v63  }
0x8e: {  	_ =	swait.ge [sflag:s29], $0x1F40  }
0x8f: {  	[sflag:s29] =	ssyncset.done $0x0  }
0x90: {  	s6 =	simm.s32 $0x500;
	[sflag:s29] =	ssyncadd.s32 $0xFFFFE0C0  }
0x91: {  	[tilespmem:s16], [sflag:$0x1] =	stream.indirect.gather [hbm4b:s5+s15], $0x40, s6, s15, $0xb8;
	[tilespmem:$0x1D880] =	vst v63  }
0x92: {  	_ =	swait.ge [sflag:s31], $0x1F40  }
0x93: {  	[sflag:s31] =	ssyncset.done $0x0  }
0x94: {  	s2 =	simm.s32 $0x5380;
	[sflag:s31] =	ssyncadd.s32 $0xFFFFE0C0  }
0x95: {  	[spmem:s1] =	stream.indirect.scatter.add.f32 [tilespmem:s20], [sflag:$0x8], $0x40, s2, s15, $0xb8;
	[tilespmem:$0x1D880] =	vst v63  }
0x96: {  	_ =	swait.ge [sflag:s3], $0x1F40  }
0x97: {  	[sflag:s3] =	ssyncset.done $0x0  }
0x98: {  	s6 =	simm.s32 $0x580;
	[sflag:s3] =	ssyncadd.s32 $0xFFFFE0C0  }
0x99: {  	[tilespmem:s18], [sflag:$0x2] =	stream.indirect.gather [hbm4b:s5+s15], $0x40, s6, s15, $0xb8;
	[tilespmem:$0x1D880] =	vst v63  }
0x9a: {  	_ =	swait.ge [sflag:s19], $0x1F40  }
0x9b: {  	[sflag:s19] =	ssyncset.done $0x0  }
0x9c: {  	s2 =	simm.s32 $0x5400;
	[sflag:s19] =	ssyncadd.s32 $0xFFFFE0C0  }
0x9d: {  	[spmem:s1] =	stream.indirect.scatter.add.f32 [tilespmem:s22], [sflag:$0x9], $0x40, s2, s15, $0xb8;
	[tilespmem:$0x1D880] =	vst v63  }
0x9e: {  	_ =	swait.ge [sflag:s24], $0x1F40  }
0x9f: {  	[sflag:s24] =	ssyncset.done $0x0  }
0xa0: {  	s6 =	simm.s32 $0x600;
	[sflag:s24] =	ssyncadd.s32 $0xFFFFE0C0  }
0xa1: {  	[tilespmem:s20], [sflag:$0x3] =	stream.indirect.gather [hbm4b:s5+s15], $0x40, s6, s15, $0xb8;
	[tilespmem:$0x1D880] =	vst v63  }
0xa2: {  	_ =	swait.ge [sflag:s30], $0x1F40  }
0xa3: {  	[sflag:s30] =	ssyncset.done $0x0  }
0xa4: {  	s0 =	simm.s32 $0xA00;
	s2 =	simm.s32 $0x5480;
	[sflag:s30] =	ssyncadd.s32 $0xFFFFE0C0  }
.LBB2_6:
0xa5: {  	[spmem:s1] =	stream.indirect.scatter.add.f32 [tilespmem:s25], [sflag:$0xA], $0x40, s2, s15, $0xb8;
	[tilespmem:$0x1D880] =	vst v63  }
0xa6: {  	s2 =	smov.u32 s0;
	s0 =	sadd.s32 $0xA00, s0;
	_ =	swait.ge [sflag:s17], $0x1F40  }
0xa7: {  	s2 =	sshra.s32 s2, $0x2;
	p1 =	sne.s32 s0, $0x12C00;
	[sflag:s17] =	ssyncset.done $0x0  }
0xa8: {  	s6 =	sadd.s32 $0x400, s2;
	[sflag:s17] =	ssyncadd.s32 $0xFFFFE0C0  }
0xa9: {  	[tilespmem:s22], [sflag:$0x4] =	stream.indirect.gather [hbm4b:s5+s15], $0x40, s6, s15, $0xb8;
	[tilespmem:$0x1D880] =	vst v63  }
0xaa: {  	_ =	swait.ge [sflag:s23], $0x1F40  }
0xab: {  	[sflag:s23] =	ssyncset.done $0x0  }
0xac: {  	s6 =	sadd.s32 $0x5280, s2;
	[sflag:s23] =	ssyncadd.s32 $0xFFFFE0C0  }
0xad: {  	[spmem:s1] =	stream.indirect.scatter.add.f32 [tilespmem:s16], [sflag:$0x6], $0x40, s6, s15, $0xb8;
	[tilespmem:$0x1D880] =	vst v63  }
0xae: {  	_ =	swait.ge [sflag:s21], $0x1F40  }
0xaf: {  	[sflag:s21] =	ssyncset.done $0x0  }
0xb0: {  	s6 =	sadd.s32 $0x480, s2;
	[sflag:s21] =	ssyncadd.s32 $0xFFFFE0C0  }
0xb1: {  	[tilespmem:s25], [sflag:$0x5] =	stream.indirect.gather [hbm4b:s5+s15], $0x40, s6, s15, $0xb8;
	[tilespmem:$0x1D880] =	vst v63  }
0xb2: {  	_ =	swait.ge [sflag:s26], $0x1F40  }
0xb3: {  	[sflag:s26] =	ssyncset.done $0x0  }
0xb4: {  	s6 =	sadd.s32 $0x5300, s2;
	[sflag:s26] =	ssyncadd.s32 $0xFFFFE0C0  }
0xb5: {  	[spmem:s1] =	stream.indirect.scatter.add.f32 [tilespmem:s18], [sflag:$0x7], $0x40, s6, s15, $0xb8;
	[tilespmem:$0x1D880] =	vst v63  }
0xb6: {  	_ =	swait.ge [sflag:s29], $0x1F40  }
0xb7: {  	[sflag:s29] =	ssyncset.done $0x0  }
0xb8: {  	s6 =	sadd.s32 $0x500, s2;
	[sflag:s29] =	ssyncadd.s32 $0xFFFFE0C0  }
0xb9: {  	[tilespmem:s16], [sflag:$0x1] =	stream.indirect.gather [hbm4b:s5+s15], $0x40, s6, s15, $0xb8;
	[tilespmem:$0x1D880] =	vst v63  }
0xba: {  	_ =	swait.ge [sflag:s31], $0x1F40  }
0xbb: {  	[sflag:s31] =	ssyncset.done $0x0  }
0xbc: {  	s6 =	sadd.s32 $0x5380, s2;
	[sflag:s31] =	ssyncadd.s32 $0xFFFFE0C0  }
0xbd: {  	[spmem:s1] =	stream.indirect.scatter.add.f32 [tilespmem:s20], [sflag:$0x8], $0x40, s6, s15, $0xb8;
	[tilespmem:$0x1D880] =	vst v63  }
0xbe: {  	_ =	swait.ge [sflag:s3], $0x1F40  }
0xbf: {  	[sflag:s3] =	ssyncset.done $0x0  }
0xc0: {  	s6 =	sadd.s32 $0x580, s2;
	[sflag:s3] =	ssyncadd.s32 $0xFFFFE0C0  }
0xc1: {  	[tilespmem:s18], [sflag:$0x2] =	stream.indirect.gather [hbm4b:s5+s15], $0x40, s6, s15, $0xb8;
	[tilespmem:$0x1D880] =	vst v63  }
0xc2: {  	_ =	swait.ge [sflag:s19], $0x1F40  }
0xc3: {  	[sflag:s19] =	ssyncset.done $0x0  }
0xc4: {  	s6 =	sadd.s32 $0x5400, s2;
	[sflag:s19] =	ssyncadd.s32 $0xFFFFE0C0  }
0xc5: {  	[spmem:s1] =	stream.indirect.scatter.add.f32 [tilespmem:s22], [sflag:$0x9], $0x40, s6, s15, $0xb8;
	[tilespmem:$0x1D880] =	vst v63  }
0xc6: {  	_ =	swait.ge [sflag:s24], $0x1F40  }
0xc7: {  	[sflag:s24] =	ssyncset.done $0x0  }
.Ltmp3:
0xc8: {  	s6 =	sadd.s32 $0x600, s2;
	[sflag:s24] =	ssyncadd.s32 $0xFFFFE0C0;
	(pc) =	sbr.rel @p1 .LBB2_6-.Ltmp3, $4  }
0xc9: {  	[tilespmem:s20], [sflag:$0x3] =	stream.indirect.gather [hbm4b:s5+s15], $0x40, s6, s15, $0xb8;
	[tilespmem:$0x1D880] =	vst v63  }
0xca: {  	_ =	swait.ge [sflag:s30], $0x1F40  }
0xcb: {  	[sflag:s30] =	ssyncset.done $0x0  }
0xcc: {  	s2 =	sadd.s32 $0x5480, s2;
	[sflag:s30] =	ssyncadd.s32 $0xFFFFE0C0  }
.Ltmp4:
0xcd: {  	_ = 	snop;
	(pc) =	sbr.rel .LBB2_7-.Ltmp4, $1  }
0xce: {  	_ =	sdelay $0x3  }
.LBB2_2:
0xcf: {  	[tilespmem:s16], [sflag:$0x1] =	stream.indirect.gather [hbm4b:s4+s15], $0x40, s0, s15, $0xb8;
	[tilespmem:$0x1D880] =	vst v63  }
0xd0: {  	s2 =	simm.s32 $0x80  }
0xd1: {  	[tilespmem:s18], [sflag:$0x2] =	stream.indirect.gather [hbm4b:s4+s15], $0x40, s2, s15, $0xb8;
	[tilespmem:$0x1D880] =	vst v63  }
0xd2: {  	s6 =	simm.s32 $0x100  }
0xd3: {  	[tilespmem:s20], [sflag:$0x3] =	stream.indirect.gather [hbm4b:s4+s15], $0x40, s6, s15, $0xb8;
	[tilespmem:$0x1D880] =	vst v63  }
0xd4: {  	s2 =	simm.s32 $0x180  }
0xd5: {  	[tilespmem:s22], [sflag:$0x4] =	stream.indirect.gather [hbm4b:s4+s15], $0x40, s2, s15, $0xb8;
	[tilespmem:$0x1D880] =	vst v63  }
0xd6: {  	_ =	swait.ge [sflag:s23], $0x1F40  }
0xd7: {  	[sflag:s23] =	ssyncset.done $0x0  }
0xd8: {  	[sflag:s23] =	ssyncadd.s32 $0xFFFFE0C0  }
0xd9: {  	[spmem:s1] =	stream.indirect.scatter.add.f32 [tilespmem:s16], [sflag:$0x6], $0x40, s14, s15, $0xb8;
	[tilespmem:$0x1D880] =	vst v63  }
0xda: {  	s6 =	simm.s32 $0x200  }
0xdb: {  	[tilespmem:s25], [sflag:$0x5] =	stream.indirect.gather [hbm4b:s4+s15], $0x40, s6, s15, $0xb8;
	[tilespmem:$0x1D880] =	vst v63  }
0xdc: {  	_ =	swait.ge [sflag:s26], $0x1F40  }
0xdd: {  	[sflag:s26] =	ssyncset.done $0x0  }
0xde: {  	s2 =	simm.s32 $0x5080;
	[sflag:s26] =	ssyncadd.s32 $0xFFFFE0C0  }
0xdf: {  	[spmem:s1] =	stream.indirect.scatter.add.f32 [tilespmem:s18], [sflag:$0x7], $0x40, s2, s15, $0xb8;
	[tilespmem:$0x1D880] =	vst v63  }
0xe0: {  	_ =	swait.ge [sflag:s29], $0x1F40  }
0xe1: {  	[sflag:s29] =	ssyncset.done $0x0  }
0xe2: {  	s6 =	simm.s32 $0x280;
	[sflag:s29] =	ssyncadd.s32 $0xFFFFE0C0  }
0xe3: {  	[tilespmem:s16], [sflag:$0x1] =	stream.indirect.gather [hbm4b:s4+s15], $0x40, s6, s15, $0xb8;
	[tilespmem:$0x1D880] =	vst v63  }
0xe4: {  	_ =	swait.ge [sflag:s31], $0x1F40  }
0xe5: {  	[sflag:s31] =	ssyncset.done $0x0  }
0xe6: {  	s2 =	simm.s32 $0x5100;
	[sflag:s31] =	ssyncadd.s32 $0xFFFFE0C0  }
0xe7: {  	[spmem:s1] =	stream.indirect.scatter.add.f32 [tilespmem:s20], [sflag:$0x8], $0x40, s2, s15, $0xb8;
	[tilespmem:$0x1D880] =	vst v63  }
0xe8: {  	_ =	swait.ge [sflag:s3], $0x1F40  }
0xe9: {  	[sflag:s3] =	ssyncset.done $0x0  }
0xea: {  	s6 =	simm.s32 $0x300;
	[sflag:s3] =	ssyncadd.s32 $0xFFFFE0C0  }
0xeb: {  	[tilespmem:s18], [sflag:$0x2] =	stream.indirect.gather [hbm4b:s4+s15], $0x40, s6, s15, $0xb8;
	[tilespmem:$0x1D880] =	vst v63  }
0xec: {  	_ =	swait.ge [sflag:s19], $0x1F40  }
0xed: {  	[sflag:s19] =	ssyncset.done $0x0  }
0xee: {  	s2 =	simm.s32 $0x5180;
	[sflag:s19] =	ssyncadd.s32 $0xFFFFE0C0  }
0xef: {  	[spmem:s1] =	stream.indirect.scatter.add.f32 [tilespmem:s22], [sflag:$0x9], $0x40, s2, s15, $0xb8;
	[tilespmem:$0x1D880] =	vst v63  }
0xf0: {  	_ =	swait.ge [sflag:s24], $0x1F40  }
0xf1: {  	[sflag:s24] =	ssyncset.done $0x0  }
0xf2: {  	s6 =	simm.s32 $0x380;
	[sflag:s24] =	ssyncadd.s32 $0xFFFFE0C0  }
0xf3: {  	[tilespmem:s20], [sflag:$0x3] =	stream.indirect.gather [hbm4b:s4+s15], $0x40, s6, s15, $0xb8;
	[tilespmem:$0x1D880] =	vst v63  }
0xf4: {  	_ =	swait.ge [sflag:s30], $0x1F40  }
0xf5: {  	[sflag:s30] =	ssyncset.done $0x0  }
0xf6: {  	s2 =	simm.s32 $0x5200;
	[sflag:s30] =	ssyncadd.s32 $0xFFFFE0C0  }
0xf7: {  	[spmem:s1] =	stream.indirect.scatter.add.f32 [tilespmem:s25], [sflag:$0xA], $0x40, s2, s15, $0xb8;
	[tilespmem:$0x1D880] =	vst v63  }
0xf8: {  	_ =	swait.ge [sflag:s17], $0x1F40  }
0xf9: {  	[sflag:s17] =	ssyncset.done $0x0  }
0xfa: {  	s6 =	simm.s32 $0x400;
	[sflag:s17] =	ssyncadd.s32 $0xFFFFE0C0  }
0xfb: {  	[tilespmem:s22], [sflag:$0x4] =	stream.indirect.gather [hbm4b:s4+s15], $0x40, s6, s15, $0xb8;
	[tilespmem:$0x1D880] =	vst v63  }
0xfc: {  	_ =	swait.ge [sflag:s23], $0x1F40  }
0xfd: {  	[sflag:s23] =	ssyncset.done $0x0  }
0xfe: {  	s2 =	simm.s32 $0x5280;
	[sflag:s23] =	ssyncadd.s32 $0xFFFFE0C0  }
0xff: {  	[spmem:s1] =	stream.indirect.scatter.add.f32 [tilespmem:s16], [sflag:$0x6], $0x40, s2, s15, $0xb8;
	[tilespmem:$0x1D880] =	vst v63  }
0x100: {  	_ =	swait.ge [sflag:s21], $0x1F40  }
0x101: {  	[sflag:s21] =	ssyncset.done $0x0  }
0x102: {  	s6 =	simm.s32 $0x480;
	[sflag:s21] =	ssyncadd.s32 $0xFFFFE0C0  }
0x103: {  	[tilespmem:s25], [sflag:$0x5] =	stream.indirect.gather [hbm4b:s4+s15], $0x40, s6, s15, $0xb8;
	[tilespmem:$0x1D880] =	vst v63  }
0x104: {  	_ =	swait.ge [sflag:s26], $0x1F40  }
0x105: {  	[sflag:s26] =	ssyncset.done $0x0  }
0x106: {  	s2 =	simm.s32 $0x5300;
	[sflag:s26] =	ssyncadd.s32 $0xFFFFE0C0  }
0x107: {  	[spmem:s1] =	stream.indirect.scatter.add.f32 [tilespmem:s18], [sflag:$0x7], $0x40, s2, s15, $0xb8;
	[tilespmem:$0x1D880] =	vst v63  }
0x108: {  	_ =	swait.ge [sflag:s29], $0x1F40  }
0x109: {  	[sflag:s29] =	ssyncset.done $0x0  }
0x10a: {  	s6 =	simm.s32 $0x500;
	[sflag:s29] =	ssyncadd.s32 $0xFFFFE0C0  }
0x10b: {  	[tilespmem:s16], [sflag:$0x1] =	stream.indirect.gather [hbm4b:s4+s15], $0x40, s6, s15, $0xb8;
	[tilespmem:$0x1D880] =	vst v63  }
0x10c: {  	_ =	swait.ge [sflag:s31], $0x1F40  }
0x10d: {  	[sflag:s31] =	ssyncset.done $0x0  }
0x10e: {  	s2 =	simm.s32 $0x5380;
	[sflag:s31] =	ssyncadd.s32 $0xFFFFE0C0  }
0x10f: {  	[spmem:s1] =	stream.indirect.scatter.add.f32 [tilespmem:s20], [sflag:$0x8], $0x40, s2, s15, $0xb8;
	[tilespmem:$0x1D880] =	vst v63  }
0x110: {  	_ =	swait.ge [sflag:s3], $0x1F40  }
0x111: {  	[sflag:s3] =	ssyncset.done $0x0  }
0x112: {  	s6 =	simm.s32 $0x580;
	[sflag:s3] =	ssyncadd.s32 $0xFFFFE0C0  }
0x113: {  	[tilespmem:s18], [sflag:$0x2] =	stream.indirect.gather [hbm4b:s4+s15], $0x40, s6, s15, $0xb8;
	[tilespmem:$0x1D880] =	vst v63  }
0x114: {  	_ =	swait.ge [sflag:s19], $0x1F40  }
0x115: {  	[sflag:s19] =	ssyncset.done $0x0  }
0x116: {  	s2 =	simm.s32 $0x5400;
	[sflag:s19] =	ssyncadd.s32 $0xFFFFE0C0  }
0x117: {  	[spmem:s1] =	stream.indirect.scatter.add.f32 [tilespmem:s22], [sflag:$0x9], $0x40, s2, s15, $0xb8;
	[tilespmem:$0x1D880] =	vst v63  }
0x118: {  	_ =	swait.ge [sflag:s24], $0x1F40  }
0x119: {  	[sflag:s24] =	ssyncset.done $0x0  }
0x11a: {  	s6 =	simm.s32 $0x600;
	[sflag:s24] =	ssyncadd.s32 $0xFFFFE0C0  }
0x11b: {  	[tilespmem:s20], [sflag:$0x3] =	stream.indirect.gather [hbm4b:s4+s15], $0x40, s6, s15, $0xb8;
	[tilespmem:$0x1D880] =	vst v63  }
0x11c: {  	_ =	swait.ge [sflag:s30], $0x1F40  }
0x11d: {  	[sflag:s30] =	ssyncset.done $0x0  }
0x11e: {  	s0 =	simm.s32 $0xA00;
	s2 =	simm.s32 $0x5480;
	[sflag:s30] =	ssyncadd.s32 $0xFFFFE0C0  }
.LBB2_3:
0x11f: {  	[spmem:s1] =	stream.indirect.scatter.add.f32 [tilespmem:s25], [sflag:$0xA], $0x40, s2, s15, $0xb8;
	[tilespmem:$0x1D880] =	vst v63  }
0x120: {  	s2 =	smov.u32 s0;
	s0 =	sadd.s32 $0xA00, s0;
	_ =	swait.ge [sflag:s17], $0x1F40  }
0x121: {  	s2 =	sshra.s32 s2, $0x2;
	p1 =	seq.s32 s0, $0x12C00;
	[sflag:s17] =	ssyncset.done $0x0  }
0x122: {  	s6 =	sadd.s32 $0x400, s2;
	[sflag:s17] =	ssyncadd.s32 $0xFFFFE0C0  }
0x123: {  	[tilespmem:s22], [sflag:$0x4] =	stream.indirect.gather [hbm4b:s4+s15], $0x40, s6, s15, $0xb8;
	[tilespmem:$0x1D880] =	vst v63  }
0x124: {  	_ =	swait.ge [sflag:s23], $0x1F40  }
0x125: {  	[sflag:s23] =	ssyncset.done $0x0  }
0x126: {  	s6 =	sadd.s32 $0x5280, s2;
	[sflag:s23] =	ssyncadd.s32 $0xFFFFE0C0  }
0x127: {  	[spmem:s1] =	stream.indirect.scatter.add.f32 [tilespmem:s16], [sflag:$0x6], $0x40, s6, s15, $0xb8;
	[tilespmem:$0x1D880] =	vst v63  }
0x128: {  	_ =	swait.ge [sflag:s21], $0x1F40  }
0x129: {  	[sflag:s21] =	ssyncset.done $0x0  }
0x12a: {  	s6 =	sadd.s32 $0x480, s2;
	[sflag:s21] =	ssyncadd.s32 $0xFFFFE0C0  }
0x12b: {  	[tilespmem:s25], [sflag:$0x5] =	stream.indirect.gather [hbm4b:s4+s15], $0x40, s6, s15, $0xb8;
	[tilespmem:$0x1D880] =	vst v63  }
0x12c: {  	_ =	swait.ge [sflag:s26], $0x1F40  }
0x12d: {  	[sflag:s26] =	ssyncset.done $0x0  }
0x12e: {  	s6 =	sadd.s32 $0x5300, s2;
	[sflag:s26] =	ssyncadd.s32 $0xFFFFE0C0  }
0x12f: {  	[spmem:s1] =	stream.indirect.scatter.add.f32 [tilespmem:s18], [sflag:$0x7], $0x40, s6, s15, $0xb8;
	[tilespmem:$0x1D880] =	vst v63  }
0x130: {  	_ =	swait.ge [sflag:s29], $0x1F40  }
0x131: {  	[sflag:s29] =	ssyncset.done $0x0  }
0x132: {  	s6 =	sadd.s32 $0x500, s2;
	[sflag:s29] =	ssyncadd.s32 $0xFFFFE0C0  }
0x133: {  	[tilespmem:s16], [sflag:$0x1] =	stream.indirect.gather [hbm4b:s4+s15], $0x40, s6, s15, $0xb8;
	[tilespmem:$0x1D880] =	vst v63  }
0x134: {  	_ =	swait.ge [sflag:s31], $0x1F40  }
0x135: {  	[sflag:s31] =	ssyncset.done $0x0  }
0x136: {  	s6 =	sadd.s32 $0x5380, s2;
	[sflag:s31] =	ssyncadd.s32 $0xFFFFE0C0  }
0x137: {  	[spmem:s1] =	stream.indirect.scatter.add.f32 [tilespmem:s20], [sflag:$0x8], $0x40, s6, s15, $0xb8;
	[tilespmem:$0x1D880] =	vst v63  }
0x138: {  	_ =	swait.ge [sflag:s3], $0x1F40  }
0x139: {  	[sflag:s3] =	ssyncset.done $0x0  }
0x13a: {  	s6 =	sadd.s32 $0x580, s2;
	[sflag:s3] =	ssyncadd.s32 $0xFFFFE0C0  }
0x13b: {  	[tilespmem:s18], [sflag:$0x2] =	stream.indirect.gather [hbm4b:s4+s15], $0x40, s6, s15, $0xb8;
	[tilespmem:$0x1D880] =	vst v63  }
0x13c: {  	_ =	swait.ge [sflag:s19], $0x1F40  }
0x13d: {  	[sflag:s19] =	ssyncset.done $0x0  }
0x13e: {  	s6 =	sadd.s32 $0x5400, s2;
	[sflag:s19] =	ssyncadd.s32 $0xFFFFE0C0  }
0x13f: {  	[spmem:s1] =	stream.indirect.scatter.add.f32 [tilespmem:s22], [sflag:$0x9], $0x40, s6, s15, $0xb8;
	[tilespmem:$0x1D880] =	vst v63  }
0x140: {  	_ =	swait.ge [sflag:s24], $0x1F40  }
0x141: {  	[sflag:s24] =	ssyncset.done $0x0  }
.Ltmp5:
0x142: {  	s6 =	sadd.s32 $0x600, s2;
	[sflag:s24] =	ssyncadd.s32 $0xFFFFE0C0;
	(pc) =	sbr.rel @!p1 .LBB2_3-.Ltmp5, $4  }
0x143: {  	[tilespmem:s20], [sflag:$0x3] =	stream.indirect.gather [hbm4b:s4+s15], $0x40, s6, s15, $0xb8;
	[tilespmem:$0x1D880] =	vst v63  }
0x144: {  	_ =	swait.ge [sflag:s30], $0x1F40  }
0x145: {  	[sflag:s30] =	ssyncset.done $0x0  }
0x146: {  	s2 =	sadd.s32 $0x5480, s2;
	[sflag:s30] =	ssyncadd.s32 $0xFFFFE0C0  }
0x147: {  	[spmem:s1] =	stream.indirect.scatter.add.f32 [tilespmem:s25], [sflag:$0xA], $0x40, s2, s15, $0xb8;
	[tilespmem:$0x1D880] =	vst v63  }
0x148: {  	_ =	swait.ge [sflag:s17], $0x1F40  }
0x149: {  	s0 =	sshra.s32 s0, $0x2;
	[sflag:s17] =	ssyncset.done $0x0  }
0x14a: {  	s6 =	sadd.s32 $0x400, s0;
	[sflag:s17] =	ssyncadd.s32 $0xFFFFE0C0  }
0x14b: {  	[tilespmem:s22], [sflag:$0x4] =	stream.indirect.gather [hbm4b:s4+s15], $0x40, s6, s15, $0xb8;
	[tilespmem:$0x1D880] =	vst v63  }
0x14c: {  	_ =	swait.ge [sflag:s23], $0x1F40  }
0x14d: {  	[sflag:s23] =	ssyncset.done $0x0  }
0x14e: {  	s6 =	sadd.s32 $0x5280, s0;
	[sflag:s23] =	ssyncadd.s32 $0xFFFFE0C0  }
0x14f: {  	[spmem:s1] =	stream.indirect.scatter.add.f32 [tilespmem:s16], [sflag:$0x6], $0x40, s6, s15, $0xb8;
	[tilespmem:$0x1D880] =	vst v63  }
0x150: {  	_ =	swait.ge [sflag:s21], $0x1F40  }
0x151: {  	[sflag:s21] =	ssyncset.done $0x0  }
0x152: {  	s6 =	simm.s32 $0x4F80;
	[sflag:s21] =	ssyncadd.s32 $0xFFFFE0C0  }
0x153: {  	[tilespmem:s25], [sflag:$0x5] =	stream.indirect.gather [hbm4b:s4+s15], $0x40, s6, s15, $0xb8;
	[tilespmem:$0x1D880] =	vst v63  }
0x154: {  	_ =	swait.ge [sflag:s26], $0x1F40  }
0x155: {  	[sflag:s26] =	ssyncset.done $0x0  }
0x156: {  	s6 =	sadd.s32 $0x5300, s0;
	[sflag:s26] =	ssyncadd.s32 $0xFFFFE0C0  }
0x157: {  	[spmem:s1] =	stream.indirect.scatter.add.f32 [tilespmem:s18], [sflag:$0x7], $0x40, s6, s15, $0xb8;
	[tilespmem:$0x1D880] =	vst v63  }
0x158: {  	_ =	swait.ge [sflag:s29], $0x1F40  }
0x159: {  	[sflag:s29] =	ssyncset.done $0x0  }
0x15a: {  	[sflag:s29] =	ssyncadd.s32 $0xFFFFE0C0  }
0x15b: {  	_ =	swait.ge [sflag:s31], $0x1F40  }
0x15c: {  	[sflag:s31] =	ssyncset.done $0x0  }
0x15d: {  	s6 =	sadd.s32 $0x5380, s0;
	[sflag:s31] =	ssyncadd.s32 $0xFFFFE0C0  }
0x15e: {  	[spmem:s1] =	stream.indirect.scatter.add.f32 [tilespmem:s20], [sflag:$0x8], $0x40, s6, s15, $0xb8;
	[tilespmem:$0x1D880] =	vst v63  }
0x15f: {  	_ =	swait.ge [sflag:s3], $0x1F40  }
0x160: {  	[sflag:s3] =	ssyncset.done $0x0  }
0x161: {  	[sflag:s3] =	ssyncadd.s32 $0xFFFFE0C0  }
0x162: {  	_ =	swait.ge [sflag:s19], $0x1F40  }
0x163: {  	[sflag:s19] =	ssyncset.done $0x0  }
0x164: {  	s0 =	sadd.s32 $0x5400, s0;
	[sflag:s19] =	ssyncadd.s32 $0xFFFFE0C0  }
0x165: {  	[spmem:s1] =	stream.indirect.scatter.add.f32 [tilespmem:s22], [sflag:$0x9], $0x40, s0, s15, $0xb8;
	[tilespmem:$0x1D880] =	vst v63  }
0x166: {  	_ =	swait.ge [sflag:s24], $0x1F40  }
0x167: {  	[sflag:s24] =	ssyncset.done $0x0  }
.Ltmp6:
0x168: {  	[sflag:s24] =	ssyncadd.s32 $0xFFFFE0C0;
	(pc) =	sbr.rel .LBB2_8-.Ltmp6, $4  }
0x169: {  	_ =	swait.ge [sflag:s30], $0x1F40  }
0x16a: {  	[sflag:s30] =	ssyncset.done $0x0  }
0x16b: {  	s6 =	simm.s32 $0x9F80;
	[sflag:s30] =	ssyncadd.s32 $0xFFFFE0C0  }
0x16c: {  	[spmem:s1] =	stream.indirect.scatter.add.f32 [tilespmem:s25], [sflag:$0xA], $0x40, s6, s15, $0xb8;
	[tilespmem:$0x1D880] =	vst v63  }
.LBB2_9:
0x16d: {  	_ =	sfence.sel $0x180000  }
0x16e: {  	[bflag:$0x0] =	sbarrier.arrive $0xFFFF  }
0x16f: {  	_ =	strace $0x9000004D  }
0x170: {  	s0 =	stileid.u32;
	[bflag:$0x2] =	sbarrier.arrive $0xFFFF  }
0x171: {  	p0 =	sne.s32 s0, $0x0;
	s0 =	rddreg [dreg:$0x3]  }
0x172: {  	s0 =	sadd.s32 @!p0 $0x100000, s0  }
0x173: {  	[sflag:s0] =	ssyncadd.tile.s32 @!p0 $0x1;
	_ =	shalt  }
.Lfunc_end2:
_tile_overlayer_lowered:
.L_overlay_start_2:
0x174: {  	(tag) =	ssettag $0x2  }
0x175: {  	s0 =	rddreg [dreg:$0x0];
	s2 =	stileid.u32  }
0x176: {  	s1 =	rddreg [dreg:$0x1];
	p0 =	sne.s32 s2, $0x0  }
0x177: {  	s3 =	rddreg [dreg:$0x2];
	[bflag:$0x3] =	sbarrier.arrive $0xFFFF;
	s2 =	simm.s32 @!p0 $0x1C0B  }
0x178: {  	[timem:s3], [sflag:s2] =	dma.local @!p0 [hbm:s0], s1  }
0x179: {  	s0 =	simm.s32 @!p0 $0xB  }
0x17a: {  	_ =	swait.ge @!p0 [sflag:s0], s1  }
0x17b: {  	s1 =	ssub.s32 @!p0 $0x0, s1;
	[sflag:s0] =	ssyncset.done @!p0 $0x0  }
0x17c: {  	[sflag:s0] =	ssyncadd.s32 @!p0 s1  }
0x17d: {  	[bflag:$0x3] =	sbarrier.arrive $0xFFFF  }
0x17e: {  	_ =	shalt  }

// kernel: kernel.8.cloned.1.call-start
scs
__scs_entry_jumppad:
0x0: {  	(pc) =	sbr.rel $0x88, $3  }
0x1: {  	(tag) =	ssettag $0x0;
	lr =	simm.s32 $0x1  }
0x2: {  	[smem:$0x3F9B] =	sst lr;
	_ =	strace $0xD0000000  }
0x3: {  	_ = 	snop  }
0x4: {  	_ = 	snop  }
0x5: {  	_ = 	snop  }
0x6: {  	_ = 	snop  }
0x7: {  	_ = 	snop  }
__scs_overlays_trampoline_lowered:
0x8: {  	[smem:$0x3FAA] =	sst s0  }
0x9: {  	[smem:$0x3FAB] =	sst s1  }
0xa: {  	[smem:$0x3FAC] =	sst s2  }
0xb: {  	[smem:$0x3FAD] =	sst s3  }
0xc: {  	[smem:$0x3FAE] =	sst s4  }
0xd: {  	[smem:$0x3FAF] =	sst s5  }
0xe: {  	[smem:$0x3FB0] =	sst s6  }
0xf: {  	[smem:$0x3FB1] =	sst s7  }
0x10: {  	[smem:$0x3FB2] =	sst s8  }
0x11: {  	[smem:$0x3FB3] =	sst s9;
	s0 =	simm.s32 @!p0 $0x0  }
0x12: {  	s1 =	sld [smem:$0x3F99];
	s0 =	simm.s32 @p0 $0x1  }
0x13: {  	[smem:$0x3FB4] =	sst s0;
	s0 =	simm.s32 @!p1 $0x0  }
0x14: {  	s2 =	sld [smem:$0x3F98];
	s0 =	simm.s32 @p1 $0x1  }
0x15: {  	[smem:$0x3FB5] =	sst s0;
	s0 =	simm.s32 @!p2 $0x0  }
0x16: {  	s3 =	sld [smem:$0x3FDB];
	s0 =	simm.s32 @p2 $0x1  }
0x17: {  	s4 =	simm.s32 $0x1BF5;
	[smem:$0x3FB7] =	sst s0  }
0x18: {  	s0 =	sld [smem:$0x3F9A];
	_ =	swait.ge [sflag:s4], $0x0  }
0x19: {  	s7 =	sld [smem:$0x3F9B]  }
0x1a: {  	s8 =	sadd.s32 $0xFFFFE003, lr  }
0x1b: {  	s9 =	sadd.s32 $0xFFFFFEF7, lr;
	s5 =	simm.s32 $0xFFFFFFFF;
	p2 =	slt.u32 s8, $0xFFFFF086  }
0x1c: {  	p1 =	slt.u32 s9, $0xF7A;
	s5 =	simm.s32 @!p2 $0x0  }
0x1d: {  	s5 =	simm.s32 @p1 $0x1;
	p0 =	seq.s32 s7, s2  }
0x1e: {  	s7 =	smul.u32 @!p0 $0xF7A, s2;
	p2 =	seq.s32 @!p0 s5, $0x0  }
0x1f: {  	s9 =	smul.u32 $0xF7A, s1;
	s8 =	simm.s32 @!p0 $0x1BF5;
	p2 =	por !p2, p0  }
0x20: {  	[sflag:s8] =	ssyncset.s32 @!p0 $0xFFFFF086;
	s6 =	sadd.s32 @!p0 s3, s7;
	s7 =	simm.s32 @!p0 $0x108  }
0x21: {  	s3 =	sadd.s32 s3, s9;
	s6 =	sadd.s32 @!p0 $0x88, s6;
	s7 =	simm.s32 @p2 $0x1082  }
0x22: {  	[simem:s7], [sflag:s8] =	dma.local @!p0 [hbm:s6], $0xF7A  }
0x23: {  	s9 =	sor.u32 $0xD0000000, s2;
	s6 =	simm.s32 $0x108;
	_ =	swait.ge @!p0 [sflag:s8], $0x0  }
0x24: {  	s3 =	sadd.s32 $0x88, s3;
	s6 =	simm.s32 @!p1 $0x1082;
	[sflag:s4] =	ssyncset.s32 $0xFFFFF086  }
0x25: {  	[simem:s6], [sflag:s4] =	dma.local [hbm:s3], $0xF7A  }
0x26: {  	[smem:$0x3F9B] =	sst s1;
	(tag) =	ssettag s2;
	_ =	strace s9  }
0x27: {  	s1 =	sld [smem:$0x3FAB]  }
0x28: {  	s2 =	sld [smem:$0x3FAC]  }
0x29: {  	s4 =	sld [smem:$0x3FAE]  }
0x2a: {  	p0 =	seq.s32 s5, $0x0;
	s5 =	sld [smem:$0x3FAF]  }
0x2b: {  	s6 =	sld [smem:$0x3FB0]  }
0x2c: {  	s7 =	sld [smem:$0x3FB1]  }
0x2d: {  	s3 =	simm.s32 $0x108;
	s8 =	sld [smem:$0x3FB2]  }
0x2e: {  	s3 =	simm.s32 @!p0 $0x1082;
	s9 =	sld [smem:$0x3FB3]  }
0x2f: {  	lr =	sadd.s32 s0, s3;
	s0 =	sld [smem:$0x3FAA]  }
0x30: {  	s3 =	sld [smem:$0x3FAD]  }
0x31: {  	[smem:$0x3FB6] =	sst s10  }
0x32: {  	s10 =	sld [smem:$0x3FB4];
	_ =	sdelay $0x3  }
0x33: {  	p0 =	seq.s32 s10, $0x1;
	s10 =	sld [smem:$0x3FB6];
	_ =	sdelay $0x3  }
0x34: {  	[smem:$0x3FB6] =	sst s10  }
0x35: {  	s10 =	sld [smem:$0x3FB5];
	_ =	sdelay $0x3  }
0x36: {  	p1 =	seq.s32 s10, $0x1;
	s10 =	sld [smem:$0x3FB6];
	_ =	sdelay $0x3  }
0x37: {  	[smem:$0x3FB6] =	sst s10  }
0x38: {  	s10 =	sld [smem:$0x3FB7]  }
0x39: {  	_ = 	snop;
	(pc) =	sbr.ind lr, $3  }
0x3a: {  	_ = 	snop  }
0x3b: {  	_ = 	snop  }
0x3c: {  	p2 =	seq.s32 s10, $0x1;
	s10 =	sld [smem:$0x3FB6]  }
0x3d: {  	_ =	shalt  }
0x3e: {  	_ =	shalt  }
0x3f: {  	_ =	shalt  }
0x40: {  	_ =	shalt  }
0x41: {  	_ =	shalt  }
0x42: {  	_ =	shalt  }
0x43: {  	_ =	shalt  }
0x44: {  	_ =	shalt  }
0x45: {  	_ =	shalt  }
0x46: {  	_ =	shalt  }
0x47: {  	_ =	shalt  }
0x48: {  	_ =	shalt  }
0x49: {  	_ =	shalt  }
0x4a: {  	_ =	shalt  }
0x4b: {  	_ =	shalt  }
0x4c: {  	_ =	shalt  }
0x4d: {  	_ =	shalt  }
0x4e: {  	_ =	shalt  }
0x4f: {  	_ =	shalt  }
0x50: {  	_ =	shalt  }
0x51: {  	_ =	shalt  }
0x52: {  	_ =	shalt  }
0x53: {  	_ =	shalt  }
0x54: {  	_ =	shalt  }
0x55: {  	_ =	shalt  }
0x56: {  	_ =	shalt  }
0x57: {  	_ =	shalt  }
0x58: {  	_ =	shalt  }
0x59: {  	_ =	shalt  }
0x5a: {  	_ =	shalt  }
0x5b: {  	_ =	shalt  }
0x5c: {  	_ =	shalt  }
0x5d: {  	_ =	shalt  }
0x5e: {  	_ =	shalt  }
0x5f: {  	_ =	shalt  }
0x60: {  	_ =	shalt  }
0x61: {  	_ =	shalt  }
0x62: {  	_ =	shalt  }
0x63: {  	_ =	shalt  }
0x64: {  	_ =	shalt  }
0x65: {  	_ =	shalt  }
0x66: {  	_ =	shalt  }
0x67: {  	_ =	shalt  }
0x68: {  	_ =	shalt  }
0x69: {  	_ =	shalt  }
0x6a: {  	_ =	shalt  }
0x6b: {  	_ =	shalt  }
0x6c: {  	_ =	shalt  }
0x6d: {  	_ =	shalt  }
0x6e: {  	_ =	shalt  }
0x6f: {  	_ =	shalt  }
0x70: {  	_ =	shalt  }
0x71: {  	_ =	shalt  }
0x72: {  	_ =	shalt  }
0x73: {  	_ =	shalt  }
0x74: {  	_ =	shalt  }
0x75: {  	_ =	shalt  }
0x76: {  	_ =	shalt  }
0x77: {  	_ =	shalt  }
0x78: {  	_ =	shalt  }
0x79: {  	_ =	shalt  }
0x7a: {  	_ =	shalt  }
0x7b: {  	_ =	shalt  }
0x7c: {  	_ =	shalt  }
0x7d: {  	_ =	shalt  }
0x7e: {  	_ =	shalt  }
0x7f: {  	_ =	shalt  }
0x80: {  	_ =	shalt  }
0x81: {  	_ =	shalt  }
0x82: {  	_ =	shalt  }
0x83: {  	_ =	shalt  }
0x84: {  	_ =	shalt  }
0x85: {  	_ =	shalt  }
0x86: {  	_ =	shalt  }
0x87: {  	_ =	shalt  }
.Lfunc_end0:
.L_simem_size_0:
called_computation_lowered:
.L_overlay_start_0:
0x88: {  	s2 =	sld [smem:$0x3FD9]  }
0x89: {  	s3 =	sld [smem:$0x3FFE];
	_ =	sdelay $0x1  }
0x8a: {  	s1 =	srdreg.scid  }
0x8b: {  	s0 =	sand.u32 $0x1, s1  }
0x8c: {  	s17 =	sshll.u32 s0, $0xA;
	s2 =	sadd.s32 s3, s2  }
0x8d: {  	s2 =	sadd.s32 s2, s17  }
0x8e: {  	[smem:$0x3FC2] =	sst s2  }
0x8f: {  	_ = 	snop  }
0x90: {  	s2 =	sld [smem:$0x3FD0];
	(tm) =	ssettm $0x1  }
0x91: {  	s18 =	sld [smem:$0x3FFB];
	_ =	sdelay $0x3  }
0x92: {  	_ =	strace s18  }
0x93: {  	s3 =	sld [smem:$0x3FFC];
	_ =	sdelay $0x3  }
0x94: {  	_ =	strace s3  }
0x95: {  	s3 =	sld [smem:$0x3FFD];
	_ =	sdelay $0x3  }
0x96: {  	_ =	strace s3  }
0x97: {  	_ =	strace $0x8FFFFFFF  }
0x98: {  	s19 =	sld [smem:$0x3FDB];
	_ =	sdelay $0x1  }
0x99: {  	s4 =	simm.s32 $_scs_section_size  }
0x9a: {  	s5 =	simm.s32 $_size__tile_overlayer_lowered;
	s6 =	simm.s32 $_tile_overlayer_lowered  }
0x9b: {  	s22 =	simm.s32 $0x1BFF;
	s21 =	sshll.u32 s6, $0x1;
	s3 =	sadd.s32 s4, s19  }
0x9c: {  	s7 =	simm.s32 $0x0;
	s20 =	sshll.u32 s5, $0x1;
	s5 =	sadd.s32 s21, s3  }
0x9d: {  	[timem:s7], [sflag:s22] =	dma.local [hbm:s5], s20  }
0x9e: {  	_ =	swait.ge [sflag:s22], s20  }
0x9f: {  	s4 =	ssub.s32 $0x0, s20;
	[sflag:s22] =	ssyncset.done $0x0  }
0xa0: {  	[sflag:s22] =	ssyncadd.s32 s4;
	_ =	sdelay $0x1  }
0xa1: {  	s23 =	simm.s32 $0x1B8B  }
0xa2: {  	_ =	swait.ge [sflag:s23], $0x1  }
0xa3: {  	[sflag:s23] =	ssyncset.done $0x0  }
0xa4: {  	s25 =	simm.s32 $0x1B8E;
	s24 =	sld [smem:$0x3FFE];
	[sflag:s23] =	ssyncadd.s32 $0xFFFFFFFF  }
0xa5: {  	s26 =	simm.s32 $execute0_lowered;
	[smem:$0x3FD2] =	sst s25  }
0xa6: {  	s5 =	sshll.u32 s26, $0x1;
	_ =	strace $0x80000046;
	[dreg:$0x1] =	wrdreg $0xFFFFFFFF  }
0xa7: {  	s28 =	simm.s32 $_size_execute0_lowered;
	s3 =	sadd.s32 s3, s5;
	[dreg:$0x0] =	wrdreg $0x0  }
0xa8: {  	s5 =	sshll.u32 s28, $0x1;
	[dreg:$0x2] =	wrdreg s3  }
0xa9: {  	[dreg:$0x3] =	wrdreg s5  }
0xaa: {  	[dreg:$0x4] =	wrdreg $0xC0  }
0xab: {  	_ =	task [dreg:s7], $0x5FFFF  }
0xac: {  	[dreg:$0x1] =	wrdreg $0xFFFFFFFF  }
0xad: {  	[dreg:$0x0] =	wrdreg $0x60  }
0xae: {  	[dreg:$0x2] =	wrdreg s24  }
0xaf: {  	[dreg:$0x3] =	wrdreg s2  }
0xb0: {  	[dreg:$0x4] =	wrdreg $0x28800  }
0xb1: {  	[dreg:$0x5] =	wrdreg $0x9  }
0xb2: {  	_ =	task.clear_ibuf [dreg:s7], $0x6FFFF;
	_ =	strace $0x90000046  }
0xb3: {  	s29 =	simm.s32 $0x9;
	_ =	strace $0x80000048  }
0xb4: {  	_ =	swait.ge [sflag:s29], $0x1  }
0xb5: {  	[sflag:s29] =	ssyncadd.s32 $0xFFFFFFFF  }
0xb6: {  	_ =	strace $0x90000048  }
0xb7: {  	_ =	sfence  }
0xb8: {  	s30 =	sld [smem:$0x0];
	_ =	sdelay $0x2  }
0xb9: {  	s31 =	sshll.u32 s1, $0xD;
	s1 =	sshrl.u32 s1, $0x2  }
0xba: {  	s3 =	sand.u32 $0x4000, s31;
	s1 =	sadd.s32 s1, s30  }
0xbb: {  	s0 =	sor.u32 s3, s0;
	s1 =	sshll.u32 s1, $0x11  }
0xbc: {  	s0 =	sor.u32 s1, s0  }
0xbd: {  	s0 =	sadd.s32 $0x8F2B, s0  }
0xbe: {  	[sflag:s0] =	ssyncadd.remote.s32 $0x1  }
0xbf: {  	_ =	sfence.sel $0xFFFF  }
0xc0: {  	[dreg:$0x0] =	wrdreg $0xFFFFFFFF;
	(pc) =	sbr.abs _section_cstart, $3  }
0xc1: {  	[dreg:$0x1] =	wrdreg $0xFFFFFFFF  }
0xc2: {  	_ =	task.clear_ibuf [dreg:s7], $0x2FFFF;
	_ =	strace $0x9FFFFFFF  }
0xc3: {  	(tm) =	ssettm $0x7FFFFFFF  }
tec
execute0_lowered:
.L_overlay_start_1:
0x0: {  	(tag) =	ssettag $0x1  }
0x1: {  	s6 =	rddreg [dreg:$0x0]  }
0x2: {  	s8 =	rddreg [dreg:$0x1]  }
0x3: {  	s2 =	rddreg [dreg:$0x2]  }
0x4: {  	s0 =	rddreg [dreg:$0x3]  }
0x5: {  	s3 =	simm.s32 $0x0;
	s1 =	stileid.u32;
	s4 =	srdreg.scid  }
0x6: {  	s14 =	simm.s32 $0x0;
	[smem:$0x7FF] =	sst s3;
	s5 =	sand.u32 $0x1, s4  }
0x7: {  	s28 =	sshll.u32 s1, $0x1;
	s7 =	smul.u32 $0x280, s1;
	s4 =	sadd.s32 $0x16E00, s6  }
0x8: {  	s31 =	sshll.u32 s1, $0x6;
	s9 =	sor.u32 s5, s28;
	s13 =	smul.u32 $0x2800, s5  }
0x9: {  	_ =	strace $0x80000047;
	s10 =	ssub.s32 $0x2, s5;
	s9 =	smul.u32 $0x2800, s9  }
0xa: {  	s11 =	sshrl.u32 s7, $0x3;
	s12 =	sshrl.u32 s10, $0x1;
	s30 =	sadd.s32 s7, s2  }
0xb: {  	s29 =	sadd.s32 s11, s6;
	s10 =	ssub.s32 s10, s12;
	s7 =	sadd.s32 s7, s13  }
0xc: {  	s11 =	simm.s32 $0x1;
	s12 =	simm.s32 $0x2800;
	s9 =	sshrl.u32 s9, $0x3  }
0xd: {  	s5 =	sadd.s32 $0x17000, s29;
	s13 =	sshrl.u32 s7, $0x3;
	s9 =	sadd.s32 s6, s9  }
0xe: {  	s6 =	sor.u32 $0x1C01, s31;
	s8 =	sadd.s32 s8, s13;
	s13 =	simm.s32 $0x7D  }
0xf: {  	s7 =	sadd.s32 $0xCE00, s9;
	s9 =	smax.u32 s10, $0x1;
	s10 =	sshrl.u32 s30, $0x3  }
.LBB2_1:
0x10: {  	[spmem:s10], [sflag:s6] =	dma.local [hbm:s5], $0x50  }
0x11: {  	_ =	swait.ge [sflag:s11], $0x50  }
0x12: {  	[sflag:s11] =	ssyncset.done $0x0  }
0x13: {  	[sflag:s11] =	ssyncadd.s32 $0xFFFFFFB0  }
0x14: {  	[tilespmem:s12], [sflag:$0x1] =	stream.linear.gather [hbm4b:s4+s3], $0x80, $0x38;
	[tilespmem:$0x2B00] =	vst v63  }
0x15: {  	_ =	swait.ge [sflag:s11], $0x80  }
0x16: {  	[sflag:s11] =	ssyncset.done $0x0  }
0x17: {  	[sflag:s11] =	ssyncadd.s32 $0xFFFFFF80  }
0x18: {  	[bflag:$0x0] =	sbarrier.arrive $0xFFFF  }
0x19: {  	[tilespmem:s3], [sflag:$0x1] =	stream.linear.gather [hbm4b:s7+s3], $0x2800, $0x38;
	[tilespmem:$0x2B00] =	vst v63  }
0x1a: {  	_ =	swait.ge [sflag:s11], $0x2800  }
0x1b: {  	[sflag:s11] =	ssyncset.done $0x0  }
0x1c: {  	s15 =	simm.s32 $0x0;
	[sflag:s11] =	ssyncadd.s32 $0xFFFFD800  }
0x1d: {  	[spmem:s2] =	stream.indirect.scatter.add.f32 [tilespmem:s12], [sflag:$0x1], $0x1, s15, s13, $0xb8;
	[tilespmem:$0x2B00] =	vst v63  }
0x1e: {  	_ =	swait.ge [sflag:s11], $0x7D  }
0x1f: {  	s15 =	simm.s32 $0x200;
	[sflag:s11] =	ssyncset.done $0x0  }
.LBB2_2:
0x20: {  	s16 =	sshra.s32 s15, $0x2;
	[sflag:s11] =	ssyncadd.s32 $0xFFFFFF83;
	p0 =	sne.s32 s15, $0x9E00  }
0x21: {  	[spmem:s2] =	stream.indirect.scatter.add.f32 [tilespmem:s12], [sflag:$0x1], $0x1, s16, s13, $0xb8;
	[tilespmem:$0x2B00] =	vst v63  }
.Ltmp0:
0x22: {  	_ = 	snop;
	(pc) =	sbr.rel @p0 .LBB2_2-.Ltmp0, $4  }
0x23: {  	_ = 	snop  }
0x24: {  	s15 =	sadd.s32 $0x200, s15  }
0x25: {  	_ =	swait.ge [sflag:s11], $0x7D  }
0x26: {  	[sflag:s11] =	ssyncset.done $0x0  }
0x27: {  	s14 =	sadd.s32 $0x1, s14  }
0x28: {  	[sflag:s11] =	ssyncadd.s32 $0xFFFFFF83;
	p0 =	sne.s32 s14, s9  }
.Ltmp1:
0x29: {  	[bflag:$0x0] =	sbarrier.arrive $0xFFFF;
	(pc) =	sbr.rel @p0 .LBB2_1-.Ltmp1, $4  }
0x2a: {  	[hbm:s8], [sflag:s6] =	dma.local [spmem:s10], $0x50  }
0x2b: {  	_ =	swait.ge [sflag:s11], $0x50  }
0x2c: {  	[sflag:s11] =	ssyncset.done $0x0  }
0x2d: {  	[sflag:s11] =	ssyncadd.s32 $0xFFFFFFB0  }
0x2e: {  	_ =	sfence.sel $0x180000  }
0x2f: {  	[bflag:$0x0] =	sbarrier.arrive $0xFFFF  }
0x30: {  	p0 =	sne.s32 s1, $0x0;
	_ =	strace $0x90000047  }
0x31: {  	s0 =	sadd.s32 @!p0 $0x100000, s0;
	[bflag:$0x2] =	sbarrier.arrive $0xFFFF  }
0x32: {  	[sflag:s0] =	ssyncadd.tile.s32 @!p0 $0x1;
	_ =	shalt  }
.Lfunc_end2:
_tile_overlayer_lowered:
.L_overlay_start_2:
0x33: {  	(tag) =	ssettag $0x2  }
0x34: {  	s0 =	rddreg [dreg:$0x0];
	s2 =	stileid.u32  }
0x35: {  	s1 =	rddreg [dreg:$0x1];
	p0 =	sne.s32 s2, $0x0  }
0x36: {  	s3 =	rddreg [dreg:$0x2];
	[bflag:$0x3] =	sbarrier.arrive $0xFFFF;
	s2 =	simm.s32 @!p0 $0x1C01  }
0x37: {  	[timem:s3], [sflag:s2] =	dma.local @!p0 [hbm:s0], s1  }
0x38: {  	s0 =	simm.s32 @!p0 $0x1  }
0x39: {  	_ =	swait.ge @!p0 [sflag:s0], s1  }
0x3a: {  	s1 =	ssub.s32 @!p0 $0x0, s1;
	[sflag:s0] =	ssyncset.done @!p0 $0x0  }
0x3b: {  	[sflag:s0] =	ssyncadd.s32 @!p0 s1  }
0x3c: {  	[bflag:$0x3] =	sbarrier.arrive $0xFFFF  }
0x3d: {  	_ =	shalt  }

</sc_bundles>
